<compile_context>
chip_gen: v7x
topology: tpu7x:2x2x1
jax: 0.10.2.dev20260603
libtpu: 0.0.44.dev20260713+nightly
codegen_flags: <defaults>
</compile_context>

<pallas_src>
import functools

import jax
import jax.numpy as jnp
from jax import lax
from jax.experimental import pallas as pl
from jax.experimental.pallas import tpu as pltpu
from jax.experimental.pallas import tpu_sc as plsc

N = 10000
E = 2000
INC = 320000
D = 128

N_PAD = 10240
E_PAD = 2048
CHUNK = 128
NC, NS = 2, 16
NW = NC * NS
INC_PAD = 327680
PAIRS_ALL = INC_PAD // NS
CHUNKS_ALL = PAIRS_ALL // CHUNK
PAIRS_HALF = INC_PAD // NW
CHUNKS_HALF = PAIRS_HALF // CHUNK

_mesh = plsc.VectorSubcoreMesh(core_axis_name="c", subcore_axis_name="s")
_sc_params = pltpu.CompilerParams(needs_layout_passes=False)


def _zero_1d(ref, nwords):
    def body(i, _):
        ref[pl.ds(i * 16, 16)] = jnp.zeros((16,), jnp.float32)
        return 0
    lax.fori_loop(0, nwords // 16, body, 0)


def _zero_2d(ref, rows, cols):
    def body(i, _):
        r = i // (cols // 16)
        c = (i % (cols // 16)) * 16
        ref[r, pl.ds(c, 16)] = jnp.zeros((16,), jnp.float32)
        return 0
    lax.fori_loop(0, rows * (cols // 16), body, 0)


def _vadd_1d(dst, src, nwords):
    def body(i, _):
        s = pl.ds(i * 16, 16)
        dst[s] = dst[s] + src[s]
        return 0
    lax.fori_loop(0, nwords // 16, body, 0)


def _tree_reduce(sid, vec, tmp, shared, nwords):
    pltpu.sync_copy(vec, shared.at[sid])
    plsc.subcore_barrier()
    for r in (8, 4, 2, 1):
        @pl.when(sid < r)
        def _():
            pltpu.sync_copy(shared.at[sid + r], tmp)
            _vadd_1d(vec, tmp, nwords)
            pltpu.sync_copy(vec, shared.at[sid])
        plsc.subcore_barrier()


def _gs_pipeline(src_hbm, nidx_hbm, eidx_hbm, base, nchunks,
                 na, ea, nb, eb, rows_a, rows_b,
                 sia, sib, sga, sgb, acc, filler=None):
    assert nchunks % 2 == 0

    def ld(n_bank, e_bank, sem, c):
        off = base + c * CHUNK
        pltpu.async_copy(nidx_hbm.at[pl.ds(off, CHUNK)], n_bank, sem)
        pltpu.async_copy(eidx_hbm.at[pl.ds(off, CHUNK)], e_bank, sem)

    def ld_wait(n_bank, e_bank, sem, c):
        off = base + c * CHUNK
        pltpu.make_async_copy(nidx_hbm.at[pl.ds(off, CHUNK)], n_bank, sem).wait()
        pltpu.make_async_copy(eidx_hbm.at[pl.ds(off, CHUNK)], e_bank, sem).wait()

    ld(na, ea, sia, 0)
    ld_wait(na, ea, sia, 0)
    pltpu.async_copy(src_hbm.at[na], rows_a, sga)
    ld(nb, eb, sib, 1)

    def body(i2, _):
        c0 = 2 * i2
        c1 = c0 + 1

        ld_wait(nb, eb, sib, c1)
        pltpu.async_copy(src_hbm.at[nb], rows_b, sgb)

        if filler is not None:
            filler(i2)

        pltpu.make_async_copy(src_hbm.at[na], rows_a, sga).wait()
        pltpu.sync_copy(rows_a, acc.at[ea], add=True)

        @pl.when(c0 + 2 < nchunks)
        def _():
            ld(na, ea, sia, c0 + 2)
            ld_wait(na, ea, sia, c0 + 2)
            pltpu.async_copy(src_hbm.at[na], rows_a, sga)

        pltpu.make_async_copy(src_hbm.at[nb], rows_b, sgb).wait()
        pltpu.sync_copy(rows_b, acc.at[eb], add=True)

        @pl.when(c1 + 2 < nchunks)
        def _():
            ld(nb, eb, sib, c1 + 2)
        return 0
    lax.fori_loop(0, nchunks // 2, body, 0)


@functools.partial(
    pl.kernel,
    out_type=(
        jax.ShapeDtypeStruct((NC * E_PAD, D), jnp.float32),
        jax.ShapeDtypeStruct((N_PAD,), jnp.float32),
        jax.ShapeDtypeStruct((E_PAD,), jnp.float32),
        jax.ShapeDtypeStruct((E_PAD,), jnp.float32),
    ),
    mesh=_mesh,
    scratch_types=(
        pltpu.VMEM((PAIRS_ALL,), jnp.int32),
        pltpu.VMEM((PAIRS_ALL,), jnp.int32),
        pltpu.VMEM((CHUNK,), jnp.int32),
        pltpu.VMEM((CHUNK,), jnp.int32),
        pltpu.VMEM((CHUNK,), jnp.int32),
        pltpu.VMEM((CHUNK,), jnp.int32),
        pltpu.VMEM((CHUNK, D), jnp.float32),
        pltpu.VMEM((CHUNK, D), jnp.float32),
        pltpu.VMEM((N_PAD,), jnp.float32),
        pltpu.VMEM((N_PAD,), jnp.float32),
        pltpu.VMEM((E_PAD,), jnp.float32),
        pltpu.VMEM((E_PAD,), jnp.float32),
        pltpu.VMEM_SHARED((NS, N_PAD), jnp.float32),
        pltpu.VMEM_SHARED((NS, E_PAD), jnp.float32),
        pltpu.VMEM_SHARED((E_PAD, D), jnp.float32),
        pltpu.SemaphoreType.DMA,
        pltpu.SemaphoreType.DMA,
        pltpu.SemaphoreType.DMA,
        pltpu.SemaphoreType.DMA,
    ),
    compiler_params=_sc_params,
)
def _k1(xt_hbm, nidx_hbm, eidx_hbm,
        esum_out, deg_out, cnt_out, den_out,
        nidx_all, eidx_all, na, ea, nb, eb, rows_a, rows_b,
        deg_v, deg_tmp, ev_v, ev_tmp,
        sh_deg, sh_edge, e_acc, sia, sib, sga, sgb):
    cid = lax.axis_index("c")
    sid = lax.axis_index("s")
    ones = jnp.ones((16,), jnp.float32)

    pltpu.sync_copy(nidx_hbm.at[pl.ds(sid * PAIRS_ALL, PAIRS_ALL)], nidx_all)
    pltpu.sync_copy(eidx_hbm.at[pl.ds(sid * PAIRS_ALL, PAIRS_ALL)], eidx_all)

    _zero_1d(deg_v, N_PAD)
    _zero_1d(ev_v, E_PAD)
    _zero_2d(rows_a, CHUNK, D)
    pltpu.sync_copy(rows_a, e_acc.at[pl.ds(sid * CHUNK, CHUNK)])
    plsc.subcore_barrier()

    def vec_a(k):
        nv = nidx_all[pl.ds(k * 16, 16)]
        evi = eidx_all[pl.ds(k * 16, 16)]
        plsc.addupdate_scatter(deg_v, [nv], ones)
        plsc.addupdate_scatter(ev_v, [evi], ones)

    A_PER_BODY = (PAIRS_ALL // 16) // (CHUNKS_HALF // 2)

    def filler(i2):
        for t in range(A_PER_BODY):
            vec_a(i2 * A_PER_BODY + t)

    base = cid * (INC_PAD // NC) + sid * PAIRS_HALF
    _gs_pipeline(xt_hbm, nidx_hbm, eidx_hbm, base, CHUNKS_HALF,
                 na, ea, nb, eb, rows_a, rows_b, sia, sib, sga, sgb, e_acc,
                 filler=filler)

    _tree_reduce(sid, deg_v, deg_tmp, sh_deg, N_PAD)
    _tree_reduce(sid, ev_v, ev_tmp, sh_edge, E_PAD)

    @pl.when(jnp.logical_and(cid == 0, sid == 0))
    def _():
        pltpu.sync_copy(deg_v, deg_out)
        pltpu.sync_copy(ev_v, cnt_out)

    plsc.subcore_barrier()
    pltpu.sync_copy(sh_deg.at[0], deg_v)

    _zero_1d(ev_v, E_PAD)

    def vec_b(k, _):
        nv = nidx_all[pl.ds(k * 16, 16)]
        evi = eidx_all[pl.ds(k * 16, 16)]
        dv = plsc.load_gather(deg_v, [nv])
        plsc.addupdate_scatter(ev_v, [evi], dv)
        return 0
    lax.fori_loop(0, PAIRS_ALL // 16, vec_b, 0)

    _tree_reduce(sid, ev_v, ev_tmp, sh_edge, E_PAD)

    @pl.when(jnp.logical_and(cid == 0, sid == 0))
    def _():
        pltpu.sync_copy(ev_v, den_out)

    plsc.subcore_barrier()

    pltpu.sync_copy(e_acc.at[pl.ds(sid * CHUNK, CHUNK)], rows_a)
    pltpu.sync_copy(rows_a, esum_out.at[pl.ds(cid * E_PAD + sid * CHUNK, CHUNK)])


ROWS_PER_TILE = N_PAD // NS
STAGE_STEPS = ROWS_PER_TILE // CHUNK


@functools.partial(
    pl.kernel,
    out_type=jax.ShapeDtypeStruct((NC * N_PAD, D), jnp.float32),
    mesh=_mesh,
    scratch_types=(
        pltpu.VMEM((CHUNK,), jnp.int32),
        pltpu.VMEM((CHUNK,), jnp.int32),
        pltpu.VMEM((CHUNK,), jnp.int32),
        pltpu.VMEM((CHUNK,), jnp.int32),
        pltpu.VMEM((CHUNK, D), jnp.float32),
        pltpu.VMEM((CHUNK, D), jnp.float32),
        pltpu.VMEM_SHARED((N_PAD, D), jnp.float32),
        pltpu.SemaphoreType.DMA,
        pltpu.SemaphoreType.DMA,
        pltpu.SemaphoreType.DMA,
        pltpu.SemaphoreType.DMA,
    ),
    compiler_params=_sc_params,
)
def _k4(msg_hbm, nidx_hbm, eidx_hbm, out_hbm,
        na, ea, nb, eb, rows_a, rows_b, out_acc, sia, sib, sga, sgb):
    cid = lax.axis_index("c")
    sid = lax.axis_index("s")

    _zero_2d(rows_a, CHUNK, D)
    for j in range(STAGE_STEPS):
        pltpu.sync_copy(
            rows_a, out_acc.at[pl.ds(sid * ROWS_PER_TILE + j * CHUNK, CHUNK)])
    plsc.subcore_barrier()

    base = cid * (INC_PAD // NC) + sid * PAIRS_HALF
    _gs_pipeline(msg_hbm, eidx_hbm, nidx_hbm, base, CHUNKS_HALF,
                 na, ea, nb, eb, rows_a, rows_b, sia, sib, sga, sgb, out_acc)

    plsc.subcore_barrier()

    for j in range(STAGE_STEPS):
        r = sid * ROWS_PER_TILE + j * CHUNK
        pltpu.sync_copy(out_acc.at[pl.ds(r, CHUNK)], rows_a)
        pltpu.sync_copy(rows_a, out_hbm.at[pl.ds(cid * N_PAD + r, CHUNK)])


def _k0_body(x_ref, s_ref, w_ref, b_ref, o_ref):
    xs = x_ref[...] * s_ref[...]
    o_ref[...] = jnp.dot(xs, w_ref[...],
                         preferred_element_type=jnp.float32) + b_ref[...]


def _k3_body(esum_ref, cnt_ref, den_ref, msg_ref):
    esum = esum_ref[0] + esum_ref[1]
    cnt_safe = jnp.maximum(cnt_ref[...], 1.0)
    h = esum / cnt_safe
    d_e = jnp.maximum(den_ref[...] / cnt_safe, 1.0)
    msg_ref[...] = h * lax.rsqrt(d_e)


def _k5_body(p_ref, deg_ref, o_ref):
    isd = lax.rsqrt(jnp.maximum(deg_ref[...], 1.0))
    o_ref[...] = (p_ref[0] + p_ref[1]) * isd


def kernel(node_features, incidence_nodes, incidence_edges,
           perturbation_mask, W, b):
    f32 = jnp.float32
    x_pad = jnp.pad(node_features, ((0, N_PAD - N), (0, 0)))
    scale = (~perturbation_mask).astype(f32)[:, None]
    scale_pad = jnp.pad(scale, ((0, N_PAD - N), (0, 0)))
    b2 = b.reshape(1, D)

    pad = INC_PAD - INC
    r = jnp.arange(pad, dtype=jnp.int32)
    nidx = jnp.concatenate(
        [incidence_nodes.astype(jnp.int32), N + r % (N_PAD - N)])
    eidx = jnp.concatenate(
        [incidence_edges.astype(jnp.int32), E + r % (E_PAD - E)])

    xt_pad = pl.pallas_call(
        _k0_body,
        grid=(5,),
        in_specs=[
            pl.BlockSpec((2048, D), lambda i: (i, 0)),
            pl.BlockSpec((2048, 1), lambda i: (i, 0)),
            pl.BlockSpec((D, D), lambda i: (0, 0)),
            pl.BlockSpec((1, D), lambda i: (0, 0)),
        ],
        out_specs=pl.BlockSpec((2048, D), lambda i: (i, 0)),
        out_shape=jax.ShapeDtypeStruct((N_PAD, D), f32),
    )(x_pad, scale_pad, W, b2)

    esum_p, deg, cnt, den = _k1(xt_pad, nidx, eidx)

    msg = pl.pallas_call(
        _k3_body,
        grid=(1,),
        in_specs=[
            pl.BlockSpec((NC, E_PAD, D), lambda i: (0, 0, 0)),
            pl.BlockSpec((E_PAD, 1), lambda i: (0, 0)),
            pl.BlockSpec((E_PAD, 1), lambda i: (0, 0)),
        ],
        out_specs=pl.BlockSpec((E_PAD, D), lambda i: (0, 0)),
        out_shape=jax.ShapeDtypeStruct((E_PAD, D), f32),
    )(esum_p.reshape(NC, E_PAD, D), cnt[:, None], den[:, None])

    out_p = _k4(msg, nidx, eidx).reshape(NC, N_PAD, D)

    out = pl.pallas_call(
        _k5_body,
        grid=(5,),
        in_specs=[
            pl.BlockSpec((NC, 2000, D), lambda i: (0, i, 0)),
            pl.BlockSpec((2000, 1), lambda i: (i, 0)),
        ],
        out_specs=pl.BlockSpec((2000, D), lambda i: (i, 0)),
        out_shape=jax.ShapeDtypeStruct((N, D), f32),
    )(out_p, deg[:, None])
    return out

# --- scband reference (transcript-rebuilt; emitter-appended) ---
"""Pipeline reference for scband-perturbation-encoder-56281251446890 (READ-ONLY COPY).

The authoritative reference and input builder live on the scoring server;
editing this copy changes nothing except your own understanding.
"""

import jax, jax.numpy as jnp
import numpy as np

N_NODES = 10000
N_HYPEREDGES = 2000
N_INC = 320000
D_FEAT = 128
HIDDEN = 128


def setup_inputs(seed: int = 0) -> dict:
    key = jax.random.key(seed)
    k1, k2, k3, k4, k5 = jax.random.split(key, 5)
    node_features = jax.random.normal(k1, (N_NODES, D_FEAT), dtype=jnp.float32)
    incidence_nodes = jax.random.randint(k2, (N_INC,), 0, N_NODES, dtype=jnp.int64)
    incidence_edges = jax.random.randint(k3, (N_INC,), 0, N_HYPEREDGES, dtype=jnp.int64)
    perturbation_mask = jax.random.randint(k4, (N_NODES,), 0, 2).astype(jnp.bool_)
    W = jax.random.normal(k5, (D_FEAT, HIDDEN), dtype=jnp.float32) * (1.0 / np.sqrt(D_FEAT))
    b = jnp.zeros((HIDDEN,), dtype=jnp.float32)
    return {"node_features": node_features, "incidence_nodes": incidence_nodes,
            "incidence_edges": incidence_edges, "perturbation_mask": perturbation_mask,
            "W": W, "b": b}


def reference(node_features, incidence_nodes, incidence_edges, perturbation_mask, W, b):
    # PerturbationEncoder: zero out knocked-out genes, then UniGCNConv propagation.
    scale = (~perturbation_mask).astype(node_features.dtype)
    x = node_features * scale[:, None]

    # UniGCNConv: linear transform first
    xt = x @ W + b

    # node degrees from incidence
    deg_v = jnp.zeros((N_NODES,), dtype=xt.dtype).at[incidence_nodes].add(1.0)

    # stage 1: node -> hyperedge mean aggregation
    gathered = jnp.take(xt, incidence_nodes, axis=0)
    e_sum = jax.ops.segment_sum(gathered, incidence_edges, num_segments=N_HYPEREDGES)
    e_cnt = jax.ops.segment_sum(jnp.ones((N_INC,), dtype=xt.dtype), incidence_edges, num_segments=N_HYPEREDGES)
    e_cnt_safe = jnp.maximum(e_cnt, 1.0)
    h_e = e_sum / e_cnt_safe[:, None]

    # mean node degree per hyperedge (UniGCN d_e)
    d_e = jax.ops.segment_sum(jnp.take(deg_v, incidence_nodes), incidence_edges, num_segments=N_HYPEREDGES) / e_cnt_safe
    d_e = jnp.maximum(d_e, 1.0)

    # stage 2: hyperedge -> node with symmetric degree normalization
    msg = jnp.take(h_e, incidence_edges, axis=0) / jnp.sqrt(jnp.take(d_e, incidence_edges))[:, None]
    out = jax.ops.segment_sum(msg, incidence_nodes, num_segments=N_NODES)
    out = out / jnp.sqrt(jnp.maximum(deg_v, 1.0))[:, None]
    return out

if __name__ == "__main__":
    import jax
    _d = setup_inputs()
    print(jax.jit(kernel)(*tuple(_d.values())))

</pallas_src>

<mosaic_0001>
#map = affine_map<(d0, d1) -> (0, 0)>
#map1 = affine_map<(d0, d1) -> (0)>
module attributes {stable_mosaic.version = 14 : i64} {
  func.func @_k1(%arg0: i32, %arg1: i32, %arg2: memref<10240x128xf32, #tpu.memory_space<hbm>>, %arg3: memref<327680xi32, #tpu.memory_space<hbm>>, %arg4: memref<327680xi32, #tpu.memory_space<hbm>>, %arg5: memref<4096x128xf32, #tpu.memory_space<hbm>>, %arg6: memref<10240xf32, #tpu.memory_space<hbm>>, %arg7: memref<2048xf32, #tpu.memory_space<hbm>>, %arg8: memref<2048xf32, #tpu.memory_space<hbm>>, %arg9: memref<20480xi32, #tpu.memory_space<vmem>>, %arg10: memref<20480xi32, #tpu.memory_space<vmem>>, %arg11: memref<128xi32, #tpu.memory_space<vmem>>, %arg12: memref<128xi32, #tpu.memory_space<vmem>>, %arg13: memref<128xi32, #tpu.memory_space<vmem>>, %arg14: memref<128xi32, #tpu.memory_space<vmem>>, %arg15: memref<128x128xf32, #tpu.memory_space<vmem>>, %arg16: memref<128x128xf32, #tpu.memory_space<vmem>>, %arg17: memref<10240xf32, #tpu.memory_space<vmem>>, %arg18: memref<10240xf32, #tpu.memory_space<vmem>>, %arg19: memref<2048xf32, #tpu.memory_space<vmem>>, %arg20: memref<2048xf32, #tpu.memory_space<vmem>>, %arg21: memref<16x10240xf32, #tpu.memory_space<vmem_shared>>, %arg22: memref<16x2048xf32, #tpu.memory_space<vmem_shared>>, %arg23: memref<2048x128xf32, #tpu.memory_space<vmem_shared>>, %arg24: memref<!tpu.dma_semaphore, #tpu.memory_space<semaphore_mem>>, %arg25: memref<!tpu.dma_semaphore, #tpu.memory_space<semaphore_mem>>, %arg26: memref<!tpu.dma_semaphore, #tpu.memory_space<semaphore_mem>>, %arg27: memref<!tpu.dma_semaphore, #tpu.memory_space<semaphore_mem>>) attributes {dimension_semantics = [#tpu.dimension_semantics<core_parallel>, #tpu.dimension_semantics<subcore_parallel>], iteration_bounds = array<i64: 2, 16>, scalar_prefetch = 0 : i64, scratch_operands = 19 : i64, tpu.core_type = #tpu.core_type<sc_vector_subcore>, window_params = [{transform_indices = #map}, {transform_indices = #map1}, {transform_indices = #map1}, {transform_indices = #map}, {transform_indices = #map1}, {transform_indices = #map1}, {transform_indices = #map1}]} {
    %broadcast_in_dim3A = arith.constant 1.000000e+00 : f32
    %broadcast_in_dim3A_0 = vector.broadcast %broadcast_in_dim3A : f32 to vector<16xf32>
    %mul3A = arith.constant 20480 : i32
    %mul3A_1 = arith.muli %arg1, %mul3A : i32
    "tpu.region"() ({
      %run_scoped3A_165 = tpu.sem_alloc : memref<!tpu.dma_semaphore, #tpu.memory_space<semaphore_mem>>
      %dma_start3A_166 = tpu.memref_slice %arg3[%mul3A_1] : memref<327680xi32, #tpu.memory_space<hbm>> -> memref<20480xi32, #tpu.memory_space<hbm>>
      %dma_start3A_167 = tpu.memref_slice %arg3[%mul3A_1] : memref<327680xi32, #tpu.memory_space<hbm>> -> memref<20480xi32, #tpu.memory_space<hbm>>
      tpu.enqueue_dma source(%dma_start3A_167 : memref<20480xi32, #tpu.memory_space<hbm>>) target(%arg9 : memref<20480xi32, #tpu.memory_space<vmem>>) target_semaphore(%run_scoped3A_165 : memref<!tpu.dma_semaphore, #tpu.memory_space<semaphore_mem>>)
      %dma_wait3A_168 = tpu.memref_slice %arg3[%mul3A_1] : memref<327680xi32, #tpu.memory_space<hbm>> -> memref<20480xi32, #tpu.memory_space<hbm>>
      %dma_wait3A_169 = tpu.memref_slice %arg3[%mul3A_1] : memref<327680xi32, #tpu.memory_space<hbm>> -> memref<20480xi32, #tpu.memory_space<hbm>>
      tpu.wait_dma2 semaphore(%run_scoped3A_165 : memref<!tpu.dma_semaphore, #tpu.memory_space<semaphore_mem>>) src(%dma_wait3A_169 : memref<20480xi32, #tpu.memory_space<hbm>>) dst(%arg9 : memref<20480xi32, #tpu.memory_space<vmem>>)
      tpu.yield
    }) : () -> ()
    %mul3A_2 = arith.constant 20480 : i32
    %mul3A_3 = arith.muli %arg1, %mul3A_2 : i32
    "tpu.region"() ({
      %run_scoped3A_165 = tpu.sem_alloc : memref<!tpu.dma_semaphore, #tpu.memory_space<semaphore_mem>>
      %dma_start3A_166 = tpu.memref_slice %arg4[%mul3A_3] : memref<327680xi32, #tpu.memory_space<hbm>> -> memref<20480xi32, #tpu.memory_space<hbm>>
      %dma_start3A_167 = tpu.memref_slice %arg4[%mul3A_3] : memref<327680xi32, #tpu.memory_space<hbm>> -> memref<20480xi32, #tpu.memory_space<hbm>>
      tpu.enqueue_dma source(%dma_start3A_167 : memref<20480xi32, #tpu.memory_space<hbm>>) target(%arg10 : memref<20480xi32, #tpu.memory_space<vmem>>) target_semaphore(%run_scoped3A_165 : memref<!tpu.dma_semaphore, #tpu.memory_space<semaphore_mem>>)
      %dma_wait3A_168 = tpu.memref_slice %arg4[%mul3A_3] : memref<327680xi32, #tpu.memory_space<hbm>> -> memref<20480xi32, #tpu.memory_space<hbm>>
      %dma_wait3A_169 = tpu.memref_slice %arg4[%mul3A_3] : memref<327680xi32, #tpu.memory_space<hbm>> -> memref<20480xi32, #tpu.memory_space<hbm>>
      tpu.wait_dma2 semaphore(%run_scoped3A_165 : memref<!tpu.dma_semaphore, #tpu.memory_space<semaphore_mem>>) src(%dma_wait3A_169 : memref<20480xi32, #tpu.memory_space<hbm>>) dst(%arg10 : memref<20480xi32, #tpu.memory_space<vmem>>)
      tpu.yield
    }) : () -> ()
    %scan3A = arith.constant 0 : i32
    %scan3A_4 = arith.constant 0 : i32
    %scan3A_5 = arith.constant 640 : i32
    %scan3A_6 = arith.addi %scan3A_4, %scan3A_5 : i32
    %scan3A_7 = arith.constant 1 : i32
    %scan3A_8 = scf.for %scan3A_165 = %scan3A_4 to %scan3A_6 step %scan3A_7 iter_args(%scan3A_166 = %scan3A) -> (i32)  : i32 {
      %broadcast_in_dim3A_167 = arith.constant 0.000000e+00 : f32
      %broadcast_in_dim3A_168 = vector.broadcast %broadcast_in_dim3A_167 : f32 to vector<16xf32>
      %mul3A_169 = arith.constant 16 : i32
      %mul3A_170 = arith.muli %scan3A_165, %mul3A_169 : i32
      %swap3A = arith.index_cast %mul3A_170 : i32 to index
      %swap3A_171 = tpu.vector_load %arg17[%swap3A] {strides = array<i32>} : memref<10240xf32, #tpu.memory_space<vmem>>, vector<16xf32>,
      tpu.vector_store %arg17[%swap3A], %broadcast_in_dim3A_168 {strides = array<i32>} : memref<10240xf32, #tpu.memory_space<vmem>>, vector<16xf32>,
      %scan3A_172 = arith.constant 0 : i32
      scf.yield %scan3A_172 : i32
    }
    %scan3A_9 = arith.constant 640 : i32
    %scan3A_10 = arith.constant 0 : i32
    %scan3A_11 = arith.constant 0 : i32
    %scan3A_12 = arith.constant 128 : i32
    %scan3A_13 = arith.addi %scan3A_11, %scan3A_12 : i32
    %scan3A_14 = arith.constant 1 : i32
    %scan3A_15 = scf.for %scan3A_165 = %scan3A_11 to %scan3A_13 step %scan3A_14 iter_args(%scan3A_166 = %scan3A_10) -> (i32)  : i32 {
      %broadcast_in_dim3A_167 = arith.constant 0.000000e+00 : f32
      %broadcast_in_dim3A_168 = vector.broadcast %broadcast_in_dim3A_167 : f32 to vector<16xf32>
      %mul3A_169 = arith.constant 16 : i32
      %mul3A_170 = arith.muli %scan3A_165, %mul3A_169 : i32
      %swap3A = arith.index_cast %mul3A_170 : i32 to index
      %swap3A_171 = tpu.vector_load %arg19[%swap3A] {strides = array<i32>} : memref<2048xf32, #tpu.memory_space<vmem>>, vector<16xf32>,
      tpu.vector_store %arg19[%swap3A], %broadcast_in_dim3A_168 {strides = array<i32>} : memref<2048xf32, #tpu.memory_space<vmem>>, vector<16xf32>,
      %scan3A_172 = arith.constant 0 : i32
      scf.yield %scan3A_172 : i32
    }
    %scan3A_16 = arith.constant 128 : i32
    %scan3A_17 = arith.constant 0 : i32
    %scan3A_18 = arith.constant 0 : i32
    %scan3A_19 = arith.constant 1024 : i32
    %scan3A_20 = arith.addi %scan3A_18, %scan3A_19 : i32
    %scan3A_21 = arith.constant 1 : i32
    %scan3A_22 = scf.for %scan3A_165 = %scan3A_18 to %scan3A_20 step %scan3A_21 iter_args(%scan3A_166 = %scan3A_17) -> (i32)  : i32 {
      %jit3A = arith.constant 8 : i32
      %div3A = arith.divsi %scan3A_165, %jit3A : i32
      %sign3A = arith.constant 0 : i32
      %sign3A_167 = arith.cmpi sgt, %scan3A_165, %sign3A : i32
      %sign3A_168 = arith.extui %sign3A_167 : i1 to i32
      %sign3A_169 = arith.constant 0 : i32
      %sign3A_170 = arith.cmpi slt, %scan3A_165, %sign3A_169 : i32
      %sign3A_171 = arith.extui %sign3A_170 : i1 to i32
      %sign3A_172 = arith.subi %sign3A_168, %sign3A_171 : i32
      %sign3A_173 = arith.constant 0 : i32
      %sign3A_174 = arith.cmpi sgt, %jit3A, %sign3A_173 : i32
      %sign3A_175 = arith.extui %sign3A_174 : i1 to i32
      %sign3A_176 = arith.constant 0 : i32
      %sign3A_177 = arith.cmpi slt, %jit3A, %sign3A_176 : i32
      %sign3A_178 = arith.extui %sign3A_177 : i1 to i32
      %sign3A_179 = arith.subi %sign3A_175, %sign3A_178 : i32
      %ne3A = arith.cmpi ne, %sign3A_172, %sign3A_179 : i32
      %rem3A = arith.remsi %scan3A_165, %jit3A : i32
      %ne3A_180 = arith.constant 0 : i32
      %ne3A_181 = arith.cmpi ne, %rem3A, %ne3A_180 : i32
      %and3A_182 = arith.andi %ne3A, %ne3A_181 : i1
      %sub3A = arith.constant 1 : i32
      %sub3A_183 = arith.subi %div3A, %sub3A : i32
      %select_n3A = arith.select %and3A_182, %sub3A_183, %div3A : i32
      %jit3A_184 = arith.constant 8 : i32
      %eq3A_185 = arith.constant 0 : i32
      %eq3A_186 = arith.cmpi eq, %jit3A_184, %eq3A_185 : i32
      %jit3A_187 = arith.constant 1 : i32
      %select_n3A_188 = arith.select %eq3A_186, %jit3A_187, %jit3A_184 : i32
      %rem3A_189 = arith.remsi %scan3A_165, %select_n3A_188 : i32
      %ne3A_190 = arith.constant 0 : i32
      %ne3A_191 = arith.cmpi ne, %rem3A_189, %ne3A_190 : i32
      %lt3A_192 = arith.constant 0 : i32
      %lt3A_193 = arith.cmpi slt, %rem3A_189, %lt3A_192 : i32
      %lt3A_194 = arith.constant 0 : i32
      %lt3A_195 = arith.cmpi slt, %select_n3A_188, %lt3A_194 : i32
      %ne3A_196 = arith.xori %lt3A_193, %lt3A_195 : i1
      %and3A_197 = arith.andi %ne3A_196, %ne3A_191 : i1
      %add3A_198 = arith.addi %rem3A_189, %select_n3A_188 : i32
      %select_n3A_199 = arith.select %and3A_197, %add3A_198, %rem3A_189 : i32
      %mul3A_200 = arith.constant 16 : i32
      %mul3A_201 = arith.muli %select_n3A_199, %mul3A_200 : i32
      %broadcast_in_dim3A_202 = arith.constant 0.000000e+00 : f32
      %broadcast_in_dim3A_203 = vector.broadcast %broadcast_in_dim3A_202 : f32 to vector<16xf32>
      %swap3A = arith.index_cast %select_n3A : i32 to index
      %swap3A_204 = arith.index_cast %mul3A_201 : i32 to index
      %swap3A_205 = tpu.vector_load %arg15[%swap3A, %swap3A_204] {strides = array<i32>} : memref<128x128xf32, #tpu.memory_space<vmem>>, vector<16xf32>,
      tpu.vector_store %arg15[%swap3A, %swap3A_204], %broadcast_in_dim3A_203 {strides = array<i32>} : memref<128x128xf32, #tpu.memory_space<vmem>>, vector<16xf32>,
      %scan3A_206 = arith.constant 0 : i32
      scf.yield %scan3A_206 : i32
    }
    %scan3A_23 = arith.constant 1024 : i32
    %mul3A_24 = arith.constant 128 : i32
    %mul3A_25 = arith.muli %arg1, %mul3A_24 : i32
    "tpu.region"() ({
      %run_scoped3A_165 = tpu.sem_alloc : memref<!tpu.dma_semaphore, #tpu.memory_space<semaphore_mem>>
      %dma_start3A_166 = arith.constant 0 : i32
      %dma_start3A_167 = tpu.memref_slice %arg23[%mul3A_25, %dma_start3A_166] : memref<2048x128xf32, #tpu.memory_space<vmem_shared>> -> memref<128x128xf32, #tpu.memory_space<vmem_shared>>
      %dma_start3A_168 = arith.constant 0 : i32
      %dma_start3A_169 = tpu.memref_slice %arg23[%mul3A_25, %dma_start3A_168] : memref<2048x128xf32, #tpu.memory_space<vmem_shared>> -> memref<128x128xf32, #tpu.memory_space<vmem_shared>>
      tpu.enqueue_dma source(%arg15 : memref<128x128xf32, #tpu.memory_space<vmem>>) target(%dma_start3A_169 : memref<128x128xf32, #tpu.memory_space<vmem_shared>>) target_semaphore(%run_scoped3A_165 : memref<!tpu.dma_semaphore, #tpu.memory_space<semaphore_mem>>)
      %dma_wait3A_170 = arith.constant 0 : i32
      %dma_wait3A_171 = tpu.memref_slice %arg23[%mul3A_25, %dma_wait3A_170] : memref<2048x128xf32, #tpu.memory_space<vmem_shared>> -> memref<128x128xf32, #tpu.memory_space<vmem_shared>>
      %dma_wait3A_172 = arith.constant 0 : i32
      %dma_wait3A_173 = tpu.memref_slice %arg23[%mul3A_25, %dma_wait3A_172] : memref<2048x128xf32, #tpu.memory_space<vmem_shared>> -> memref<128x128xf32, #tpu.memory_space<vmem_shared>>
      tpu.wait_dma2 semaphore(%run_scoped3A_165 : memref<!tpu.dma_semaphore, #tpu.memory_space<semaphore_mem>>) src(%arg15 : memref<128x128xf32, #tpu.memory_space<vmem>>) dst(%dma_wait3A_173 : memref<128x128xf32, #tpu.memory_space<vmem_shared>>)
      tpu.yield
    }) : () -> ()
    %barrier3A = arith.constant 0 : index
    tpu.barrier barrier_id(%barrier3A)
    %mul3A_26 = arith.constant 163840 : i32
    %mul3A_27 = arith.muli %arg0, %mul3A_26 : i32
    %mul3A_28 = arith.constant 10240 : i32
    %mul3A_29 = arith.muli %arg1, %mul3A_28 : i32
    %add3A = arith.addi %mul3A_27, %mul3A_29 : i32
    %add3A_30 = arith.constant 0 : i32
    %add3A_31 = arith.addi %add3A, %add3A_30 : i32
    %dma_start3A = tpu.memref_slice %arg3[%add3A_31] : memref<327680xi32, #tpu.memory_space<hbm>> -> memref<128xi32, #tpu.memory_space<hbm>>
    %dma_start3A_32 = tpu.memref_slice %arg3[%add3A_31] : memref<327680xi32, #tpu.memory_space<hbm>> -> memref<128xi32, #tpu.memory_space<hbm>>
    tpu.enqueue_dma source(%dma_start3A_32 : memref<128xi32, #tpu.memory_space<hbm>>) target(%arg11 : memref<128xi32, #tpu.memory_space<vmem>>) target_semaphore(%arg24 : memref<!tpu.dma_semaphore, #tpu.memory_space<semaphore_mem>>)
    %dma_start3A_33 = tpu.memref_slice %arg4[%add3A_31] : memref<327680xi32, #tpu.memory_space<hbm>> -> memref<128xi32, #tpu.memory_space<hbm>>
    %dma_start3A_34 = tpu.memref_slice %arg4[%add3A_31] : memref<327680xi32, #tpu.memory_space<hbm>> -> memref<128xi32, #tpu.memory_space<hbm>>
    tpu.enqueue_dma source(%dma_start3A_34 : memref<128xi32, #tpu.memory_space<hbm>>) target(%arg12 : memref<128xi32, #tpu.memory_space<vmem>>) target_semaphore(%arg24 : memref<!tpu.dma_semaphore, #tpu.memory_space<semaphore_mem>>)
    %add3A_35 = arith.constant 0 : i32
    %add3A_36 = arith.addi %add3A, %add3A_35 : i32
    %dma_wait3A = tpu.memref_slice %arg3[%add3A_36] : memref<327680xi32, #tpu.memory_space<hbm>> -> memref<128xi32, #tpu.memory_space<hbm>>
    %dma_wait3A_37 = tpu.memref_slice %arg3[%add3A_36] : memref<327680xi32, #tpu.memory_space<hbm>> -> memref<128xi32, #tpu.memory_space<hbm>>
    tpu.wait_dma2 semaphore(%arg24 : memref<!tpu.dma_semaphore, #tpu.memory_space<semaphore_mem>>) src(%dma_wait3A_37 : memref<128xi32, #tpu.memory_space<hbm>>) dst(%arg11 : memref<128xi32, #tpu.memory_space<vmem>>)
    %dma_wait3A_38 = tpu.memref_slice %arg4[%add3A_36] : memref<327680xi32, #tpu.memory_space<hbm>> -> memref<128xi32, #tpu.memory_space<hbm>>
    %dma_wait3A_39 = tpu.memref_slice %arg4[%add3A_36] : memref<327680xi32, #tpu.memory_space<hbm>> -> memref<128xi32, #tpu.memory_space<hbm>>
    tpu.wait_dma2 semaphore(%arg24 : memref<!tpu.dma_semaphore, #tpu.memory_space<semaphore_mem>>) src(%dma_wait3A_39 : memref<128xi32, #tpu.memory_space<hbm>>) dst(%arg12 : memref<128xi32, #tpu.memory_space<vmem>>)
    %dma_start3A_40 = arith.constant 0 : i32
    %dma_start3A_41 = arith.constant 0 : i32
    %dma_start3A_42 = tpu.memref_slice %arg2[%dma_start3A_40, %dma_start3A_41] : memref<10240x128xf32, #tpu.memory_space<hbm>> -> memref<10240x128xf32, #tpu.memory_space<hbm>>
    tpu.enqueue_indirect_dma source(%dma_start3A_42 : memref<10240x128xf32, #tpu.memory_space<hbm>>) target(%arg15 : memref<128x128xf32, #tpu.memory_space<vmem>>) offsets(%arg11 : memref<128xi32, #tpu.memory_space<vmem>>) semaphore(%arg26 : memref<!tpu.dma_semaphore, #tpu.memory_space<semaphore_mem>>)
    %add3A_43 = arith.constant 128 : i32
    %add3A_44 = arith.addi %add3A, %add3A_43 : i32
    %dma_start3A_45 = tpu.memref_slice %arg3[%add3A_44] : memref<327680xi32, #tpu.memory_space<hbm>> -> memref<128xi32, #tpu.memory_space<hbm>>
    %dma_start3A_46 = tpu.memref_slice %arg3[%add3A_44] : memref<327680xi32, #tpu.memory_space<hbm>> -> memref<128xi32, #tpu.memory_space<hbm>>
    tpu.enqueue_dma source(%dma_start3A_46 : memref<128xi32, #tpu.memory_space<hbm>>) target(%arg13 : memref<128xi32, #tpu.memory_space<vmem>>) target_semaphore(%arg25 : memref<!tpu.dma_semaphore, #tpu.memory_space<semaphore_mem>>)
    %dma_start3A_47 = tpu.memref_slice %arg4[%add3A_44] : memref<327680xi32, #tpu.memory_space<hbm>> -> memref<128xi32, #tpu.memory_space<hbm>>
    %dma_start3A_48 = tpu.memref_slice %arg4[%add3A_44] : memref<327680xi32, #tpu.memory_space<hbm>> -> memref<128xi32, #tpu.memory_space<hbm>>
    tpu.enqueue_dma source(%dma_start3A_48 : memref<128xi32, #tpu.memory_space<hbm>>) target(%arg14 : memref<128xi32, #tpu.memory_space<vmem>>) target_semaphore(%arg25 : memref<!tpu.dma_semaphore, #tpu.memory_space<semaphore_mem>>)
    %scan3A_49 = arith.constant 0 : i32
    %scan3A_50 = arith.constant 0 : i32
    %scan3A_51 = arith.constant 40 : i32
    %scan3A_52 = arith.addi %scan3A_50, %scan3A_51 : i32
    %scan3A_53 = arith.constant 1 : i32
    %scan3A_54 = scf.for %scan3A_165 = %scan3A_50 to %scan3A_52 step %scan3A_53 iter_args(%scan3A_166 = %scan3A_49) -> (i32)  : i32 {
      %mul3A_167 = arith.constant 2 : i32
      %mul3A_168 = arith.muli %mul3A_167, %scan3A_165 : i32
      %add3A_169 = arith.constant 1 : i32
      %add3A_170 = arith.addi %mul3A_168, %add3A_169 : i32
      %mul3A_171 = arith.constant 128 : i32
      %mul3A_172 = arith.muli %add3A_170, %mul3A_171 : i32
      %add3A_173 = arith.addi %add3A, %mul3A_172 : i32
      %dma_wait3A_174 = tpu.memref_slice %arg3[%add3A_173] : memref<327680xi32, #tpu.memory_space<hbm>> -> memref<128xi32, #tpu.memory_space<hbm>>
      %dma_wait3A_175 = tpu.memref_slice %arg3[%add3A_173] : memref<327680xi32, #tpu.memory_space<hbm>> -> memref<128xi32, #tpu.memory_space<hbm>>
      tpu.wait_dma2 semaphore(%arg25 : memref<!tpu.dma_semaphore, #tpu.memory_space<semaphore_mem>>) src(%dma_wait3A_175 : memref<128xi32, #tpu.memory_space<hbm>>) dst(%arg13 : memref<128xi32, #tpu.memory_space<vmem>>)
      %dma_wait3A_176 = tpu.memref_slice %arg4[%add3A_173] : memref<327680xi32, #tpu.memory_space<hbm>> -> memref<128xi32, #tpu.memory_space<hbm>>
      %dma_wait3A_177 = tpu.memref_slice %arg4[%add3A_173] : memref<327680xi32, #tpu.memory_space<hbm>> -> memref<128xi32, #tpu.memory_space<hbm>>
      tpu.wait_dma2 semaphore(%arg25 : memref<!tpu.dma_semaphore, #tpu.memory_space<semaphore_mem>>) src(%dma_wait3A_177 : memref<128xi32, #tpu.memory_space<hbm>>) dst(%arg14 : memref<128xi32, #tpu.memory_space<vmem>>)
      %dma_start3A_178 = arith.constant 0 : i32
      %dma_start3A_179 = arith.constant 0 : i32
      %dma_start3A_180 = tpu.memref_slice %arg2[%dma_start3A_178, %dma_start3A_179] : memref<10240x128xf32, #tpu.memory_space<hbm>> -> memref<10240x128xf32, #tpu.memory_space<hbm>>
      tpu.enqueue_indirect_dma source(%dma_start3A_180 : memref<10240x128xf32, #tpu.memory_space<hbm>>) target(%arg16 : memref<128x128xf32, #tpu.memory_space<vmem>>) offsets(%arg13 : memref<128xi32, #tpu.memory_space<vmem>>) semaphore(%arg27 : memref<!tpu.dma_semaphore, #tpu.memory_space<semaphore_mem>>)
      %mul3A_181 = arith.constant 32 : i32
      %mul3A_182 = arith.muli %scan3A_165, %mul3A_181 : i32
      %add3A_183 = arith.constant 0 : i32
      %add3A_184 = arith.addi %mul3A_182, %add3A_183 : i32
      %mul3A_185 = arith.constant 16 : i32
      %mul3A_186 = arith.muli %add3A_184, %mul3A_185 : i32
      %get3A = arith.index_cast %mul3A_186 : i32 to index
      %get3A_187 = tpu.vector_load %arg9[%get3A] {strides = array<i32>} : memref<20480xi32, #tpu.memory_space<vmem>>, vector<16xi32>,
      %mul3A_188 = arith.constant 16 : i32
      %mul3A_189 = arith.muli %add3A_184, %mul3A_188 : i32
      %get3A_190 = arith.index_cast %mul3A_189 : i32 to index
      %get3A_191 = tpu.vector_load %arg10[%get3A_190] {strides = array<i32>} : memref<20480xi32, #tpu.memory_space<vmem>>, vector<16xi32>,
      tpu.vector_store_idx %arg17[%get3A_187], %broadcast_in_dim3A_0 {add = true} : memref<10240xf32, #tpu.memory_space<vmem>>[vector<16xi32>], vector<16xf32>,
      tpu.vector_store_idx %arg19[%get3A_191], %broadcast_in_dim3A_0 {add = true} : memref<2048xf32, #tpu.memory_space<vmem>>[vector<16xi32>], vector<16xf32>,
      %mul3A_192 = arith.constant 32 : i32
      %mul3A_193 = arith.muli %scan3A_165, %mul3A_192 : i32
      %add3A_194 = arith.constant 1 : i32
      %add3A_195 = arith.addi %mul3A_193, %add3A_194 : i32
      %mul3A_196 = arith.constant 16 : i32
      %mul3A_197 = arith.muli %add3A_195, %mul3A_196 : i32
      %get3A_198 = arith.index_cast %mul3A_197 : i32 to index
      %get3A_199 = tpu.vector_load %arg9[%get3A_198] {strides = array<i32>} : memref<20480xi32, #tpu.memory_space<vmem>>, vector<16xi32>,
      %mul3A_200 = arith.constant 16 : i32
      %mul3A_201 = arith.muli %add3A_195, %mul3A_200 : i32
      %get3A_202 = arith.index_cast %mul3A_201 : i32 to index
      %get3A_203 = tpu.vector_load %arg10[%get3A_202] {strides = array<i32>} : memref<20480xi32, #tpu.memory_space<vmem>>, vector<16xi32>,
      tpu.vector_store_idx %arg17[%get3A_199], %broadcast_in_dim3A_0 {add = true} : memref<10240xf32, #tpu.memory_space<vmem>>[vector<16xi32>], vector<16xf32>,
      tpu.vector_store_idx %arg19[%get3A_203], %broadcast_in_dim3A_0 {add = true} : memref<2048xf32, #tpu.memory_space<vmem>>[vector<16xi32>], vector<16xf32>,
      %mul3A_204 = arith.constant 32 : i32
      %mul3A_205 = arith.muli %scan3A_165, %mul3A_204 : i32
      %add3A_206 = arith.constant 2 : i32
      %add3A_207 = arith.addi %mul3A_205, %add3A_206 : i32
      %mul3A_208 = arith.constant 16 : i32
      %mul3A_209 = arith.muli %add3A_207, %mul3A_208 : i32
      %get3A_210 = arith.index_cast %mul3A_209 : i32 to index
      %get3A_211 = tpu.vector_load %arg9[%get3A_210] {strides = array<i32>} : memref<20480xi32, #tpu.memory_space<vmem>>, vector<16xi32>,
      %mul3A_212 = arith.constant 16 : i32
      %mul3A_213 = arith.muli %add3A_207, %mul3A_212 : i32
      %get3A_214 = arith.index_cast %mul3A_213 : i32 to index
      %get3A_215 = tpu.vector_load %arg10[%get3A_214] {strides = array<i32>} : memref<20480xi32, #tpu.memory_space<vmem>>, vector<16xi32>,
      tpu.vector_store_idx %arg17[%get3A_211], %broadcast_in_dim3A_0 {add = true} : memref<10240xf32, #tpu.memory_space<vmem>>[vector<16xi32>], vector<16xf32>,
      tpu.vector_store_idx %arg19[%get3A_215], %broadcast_in_dim3A_0 {add = true} : memref<2048xf32, #tpu.memory_space<vmem>>[vector<16xi32>], vector<16xf32>,
      %mul3A_216 = arith.constant 32 : i32
      %mul3A_217 = arith.muli %scan3A_165, %mul3A_216 : i32
      %add3A_218 = arith.constant 3 : i32
      %add3A_219 = arith.addi %mul3A_217, %add3A_218 : i32
      %mul3A_220 = arith.constant 16 : i32
      %mul3A_221 = arith.muli %add3A_219, %mul3A_220 : i32
      %get3A_222 = arith.index_cast %mul3A_221 : i32 to index
      %get3A_223 = tpu.vector_load %arg9[%get3A_222] {strides = array<i32>} : memref<20480xi32, #tpu.memory_space<vmem>>, vector<16xi32>,
      %mul3A_224 = arith.constant 16 : i32
      %mul3A_225 = arith.muli %add3A_219, %mul3A_224 : i32
      %get3A_226 = arith.index_cast %mul3A_225 : i32 to index
      %get3A_227 = tpu.vector_load %arg10[%get3A_226] {strides = array<i32>} : memref<20480xi32, #tpu.memory_space<vmem>>, vector<16xi32>,
      tpu.vector_store_idx %arg17[%get3A_223], %broadcast_in_dim3A_0 {add = true} : memref<10240xf32, #tpu.memory_space<vmem>>[vector<16xi32>], vector<16xf32>,
      tpu.vector_store_idx %arg19[%get3A_227], %broadcast_in_dim3A_0 {add = true} : memref<2048xf32, #tpu.memory_space<vmem>>[vector<16xi32>], vector<16xf32>,
      %mul3A_228 = arith.constant 32 : i32
      %mul3A_229 = arith.muli %scan3A_165, %mul3A_228 : i32
      %add3A_230 = arith.constant 4 : i32
      %add3A_231 = arith.addi %mul3A_229, %add3A_230 : i32
      %mul3A_232 = arith.constant 16 : i32
      %mul3A_233 = arith.muli %add3A_231, %mul3A_232 : i32
      %get3A_234 = arith.index_cast %mul3A_233 : i32 to index
      %get3A_235 = tpu.vector_load %arg9[%get3A_234] {strides = array<i32>} : memref<20480xi32, #tpu.memory_space<vmem>>, vector<16xi32>,
      %mul3A_236 = arith.constant 16 : i32
      %mul3A_237 = arith.muli %add3A_231, %mul3A_236 : i32
      %get3A_238 = arith.index_cast %mul3A_237 : i32 to index
      %get3A_239 = tpu.vector_load %arg10[%get3A_238] {strides = array<i32>} : memref<20480xi32, #tpu.memory_space<vmem>>, vector<16xi32>,
      tpu.vector_store_idx %arg17[%get3A_235], %broadcast_in_dim3A_0 {add = true} : memref<10240xf32, #tpu.memory_space<vmem>>[vector<16xi32>], vector<16xf32>,
      tpu.vector_store_idx %arg19[%get3A_239], %broadcast_in_dim3A_0 {add = true} : memref<2048xf32, #tpu.memory_space<vmem>>[vector<16xi32>], vector<16xf32>,
      %mul3A_240 = arith.constant 32 : i32
      %mul3A_241 = arith.muli %scan3A_165, %mul3A_240 : i32
      %add3A_242 = arith.constant 5 : i32
      %add3A_243 = arith.addi %mul3A_241, %add3A_242 : i32
      %mul3A_244 = arith.constant 16 : i32
      %mul3A_245 = arith.muli %add3A_243, %mul3A_244 : i32
      %get3A_246 = arith.index_cast %mul3A_245 : i32 to index
      %get3A_247 = tpu.vector_load %arg9[%get3A_246] {strides = array<i32>} : memref<20480xi32, #tpu.memory_space<vmem>>, vector<16xi32>,
      %mul3A_248 = arith.constant 16 : i32
      %mul3A_249 = arith.muli %add3A_243, %mul3A_248 : i32
      %get3A_250 = arith.index_cast %mul3A_249 : i32 to index
      %get3A_251 = tpu.vector_load %arg10[%get3A_250] {strides = array<i32>} : memref<20480xi32, #tpu.memory_space<vmem>>, vector<16xi32>,
      tpu.vector_store_idx %arg17[%get3A_247], %broadcast_in_dim3A_0 {add = true} : memref<10240xf32, #tpu.memory_space<vmem>>[vector<16xi32>], vector<16xf32>,
      tpu.vector_store_idx %arg19[%get3A_251], %broadcast_in_dim3A_0 {add = true} : memref<2048xf32, #tpu.memory_space<vmem>>[vector<16xi32>], vector<16xf32>,
      %mul3A_252 = arith.constant 32 : i32
      %mul3A_253 = arith.muli %scan3A_165, %mul3A_252 : i32
      %add3A_254 = arith.constant 6 : i32
      %add3A_255 = arith.addi %mul3A_253, %add3A_254 : i32
      %mul3A_256 = arith.constant 16 : i32
      %mul3A_257 = arith.muli %add3A_255, %mul3A_256 : i32
      %get3A_258 = arith.index_cast %mul3A_257 : i32 to index
      %get3A_259 = tpu.vector_load %arg9[%get3A_258] {strides = array<i32>} : memref<20480xi32, #tpu.memory_space<vmem>>, vector<16xi32>,
      %mul3A_260 = arith.constant 16 : i32
      %mul3A_261 = arith.muli %add3A_255, %mul3A_260 : i32
      %get3A_262 = arith.index_cast %mul3A_261 : i32 to index
      %get3A_263 = tpu.vector_load %arg10[%get3A_262] {strides = array<i32>} : memref<20480xi32, #tpu.memory_space<vmem>>, vector<16xi32>,
      tpu.vector_store_idx %arg17[%get3A_259], %broadcast_in_dim3A_0 {add = true} : memref<10240xf32, #tpu.memory_space<vmem>>[vector<16xi32>], vector<16xf32>,
      tpu.vector_store_idx %arg19[%get3A_263], %broadcast_in_dim3A_0 {add = true} : memref<2048xf32, #tpu.memory_space<vmem>>[vector<16xi32>], vector<16xf32>,
      %mul3A_264 = arith.constant 32 : i32
      %mul3A_265 = arith.muli %scan3A_165, %mul3A_264 : i32
      %add3A_266 = arith.constant 7 : i32
      %add3A_267 = arith.addi %mul3A_265, %add3A_266 : i32
      %mul3A_268 = arith.constant 16 : i32
      %mul3A_269 = arith.muli %add3A_267, %mul3A_268 : i32
      %get3A_270 = arith.index_cast %mul3A_269 : i32 to index
      %get3A_271 = tpu.vector_load %arg9[%get3A_270] {strides = array<i32>} : memref<20480xi32, #tpu.memory_space<vmem>>, vector<16xi32>,
      %mul3A_272 = arith.constant 16 : i32
      %mul3A_273 = arith.muli %add3A_267, %mul3A_272 : i32
      %get3A_274 = arith.index_cast %mul3A_273 : i32 to index
      %get3A_275 = tpu.vector_load %arg10[%get3A_274] {strides = array<i32>} : memref<20480xi32, #tpu.memory_space<vmem>>, vector<16xi32>,
      tpu.vector_store_idx %arg17[%get3A_271], %broadcast_in_dim3A_0 {add = true} : memref<10240xf32, #tpu.memory_space<vmem>>[vector<16xi32>], vector<16xf32>,
      tpu.vector_store_idx %arg19[%get3A_275], %broadcast_in_dim3A_0 {add = true} : memref<2048xf32, #tpu.memory_space<vmem>>[vector<16xi32>], vector<16xf32>,
      %mul3A_276 = arith.constant 32 : i32
      %mul3A_277 = arith.muli %scan3A_165, %mul3A_276 : i32
      %add3A_278 = arith.constant 8 : i32
      %add3A_279 = arith.addi %mul3A_277, %add3A_278 : i32
      %mul3A_280 = arith.constant 16 : i32
      %mul3A_281 = arith.muli %add3A_279, %mul3A_280 : i32
      %get3A_282 = arith.index_cast %mul3A_281 : i32 to index
      %get3A_283 = tpu.vector_load %arg9[%get3A_282] {strides = array<i32>} : memref<20480xi32, #tpu.memory_space<vmem>>, vector<16xi32>,
      %mul3A_284 = arith.constant 16 : i32
      %mul3A_285 = arith.muli %add3A_279, %mul3A_284 : i32
      %get3A_286 = arith.index_cast %mul3A_285 : i32 to index
      %get3A_287 = tpu.vector_load %arg10[%get3A_286] {strides = array<i32>} : memref<20480xi32, #tpu.memory_space<vmem>>, vector<16xi32>,
      tpu.vector_store_idx %arg17[%get3A_283], %broadcast_in_dim3A_0 {add = true} : memref<10240xf32, #tpu.memory_space<vmem>>[vector<16xi32>], vector<16xf32>,
      tpu.vector_store_idx %arg19[%get3A_287], %broadcast_in_dim3A_0 {add = true} : memref<2048xf32, #tpu.memory_space<vmem>>[vector<16xi32>], vector<16xf32>,
      %mul3A_288 = arith.constant 32 : i32
      %mul3A_289 = arith.muli %scan3A_165, %mul3A_288 : i32
      %add3A_290 = arith.constant 9 : i32
      %add3A_291 = arith.addi %mul3A_289, %add3A_290 : i32
      %mul3A_292 = arith.constant 16 : i32
      %mul3A_293 = arith.muli %add3A_291, %mul3A_292 : i32
      %get3A_294 = arith.index_cast %mul3A_293 : i32 to index
      %get3A_295 = tpu.vector_load %arg9[%get3A_294] {strides = array<i32>} : memref<20480xi32, #tpu.memory_space<vmem>>, vector<16xi32>,
      %mul3A_296 = arith.constant 16 : i32
      %mul3A_297 = arith.muli %add3A_291, %mul3A_296 : i32
      %get3A_298 = arith.index_cast %mul3A_297 : i32 to index
      %get3A_299 = tpu.vector_load %arg10[%get3A_298] {strides = array<i32>} : memref<20480xi32, #tpu.memory_space<vmem>>, vector<16xi32>,
      tpu.vector_store_idx %arg17[%get3A_295], %broadcast_in_dim3A_0 {add = true} : memref<10240xf32, #tpu.memory_space<vmem>>[vector<16xi32>], vector<16xf32>,
      tpu.vector_store_idx %arg19[%get3A_299], %broadcast_in_dim3A_0 {add = true} : memref<2048xf32, #tpu.memory_space<vmem>>[vector<16xi32>], vector<16xf32>,
      %mul3A_300 = arith.constant 32 : i32
      %mul3A_301 = arith.muli %scan3A_165, %mul3A_300 : i32
      %add3A_302 = arith.constant 10 : i32
      %add3A_303 = arith.addi %mul3A_301, %add3A_302 : i32
      %mul3A_304 = arith.constant 16 : i32
      %mul3A_305 = arith.muli %add3A_303, %mul3A_304 : i32
      %get3A_306 = arith.index_cast %mul3A_305 : i32 to index
      %get3A_307 = tpu.vector_load %arg9[%get3A_306] {strides = array<i32>} : memref<20480xi32, #tpu.memory_space<vmem>>, vector<16xi32>,
      %mul3A_308 = arith.constant 16 : i32
      %mul3A_309 = arith.muli %add3A_303, %mul3A_308 : i32
      %get3A_310 = arith.index_cast %mul3A_309 : i32 to index
      %get3A_311 = tpu.vector_load %arg10[%get3A_310] {strides = array<i32>} : memref<20480xi32, #tpu.memory_space<vmem>>, vector<16xi32>,
      tpu.vector_store_idx %arg17[%get3A_307], %broadcast_in_dim3A_0 {add = true} : memref<10240xf32, #tpu.memory_space<vmem>>[vector<16xi32>], vector<16xf32>,
      tpu.vector_store_idx %arg19[%get3A_311], %broadcast_in_dim3A_0 {add = true} : memref<2048xf32, #tpu.memory_space<vmem>>[vector<16xi32>], vector<16xf32>,
      %mul3A_312 = arith.constant 32 : i32
      %mul3A_313 = arith.muli %scan3A_165, %mul3A_312 : i32
      %add3A_314 = arith.constant 11 : i32
      %add3A_315 = arith.addi %mul3A_313, %add3A_314 : i32
      %mul3A_316 = arith.constant 16 : i32
      %mul3A_317 = arith.muli %add3A_315, %mul3A_316 : i32
      %get3A_318 = arith.index_cast %mul3A_317 : i32 to index
      %get3A_319 = tpu.vector_load %arg9[%get3A_318] {strides = array<i32>} : memref<20480xi32, #tpu.memory_space<vmem>>, vector<16xi32>,
      %mul3A_320 = arith.constant 16 : i32
      %mul3A_321 = arith.muli %add3A_315, %mul3A_320 : i32
      %get3A_322 = arith.index_cast %mul3A_321 : i32 to index
      %get3A_323 = tpu.vector_load %arg10[%get3A_322] {strides = array<i32>} : memref<20480xi32, #tpu.memory_space<vmem>>, vector<16xi32>,
      tpu.vector_store_idx %arg17[%get3A_319], %broadcast_in_dim3A_0 {add = true} : memref<10240xf32, #tpu.memory_space<vmem>>[vector<16xi32>], vector<16xf32>,
      tpu.vector_store_idx %arg19[%get3A_323], %broadcast_in_dim3A_0 {add = true} : memref<2048xf32, #tpu.memory_space<vmem>>[vector<16xi32>], vector<16xf32>,
      %mul3A_324 = arith.constant 32 : i32
      %mul3A_325 = arith.muli %scan3A_165, %mul3A_324 : i32
      %add3A_326 = arith.constant 12 : i32
      %add3A_327 = arith.addi %mul3A_325, %add3A_326 : i32
      %mul3A_328 = arith.constant 16 : i32
      %mul3A_329 = arith.muli %add3A_327, %mul3A_328 : i32
      %get3A_330 = arith.index_cast %mul3A_329 : i32 to index
      %get3A_331 = tpu.vector_load %arg9[%get3A_330] {strides = array<i32>} : memref<20480xi32, #tpu.memory_space<vmem>>, vector<16xi32>,
      %mul3A_332 = arith.constant 16 : i32
      %mul3A_333 = arith.muli %add3A_327, %mul3A_332 : i32
      %get3A_334 = arith.index_cast %mul3A_333 : i32 to index
      %get3A_335 = tpu.vector_load %arg10[%get3A_334] {strides = array<i32>} : memref<20480xi32, #tpu.memory_space<vmem>>, vector<16xi32>,
      tpu.vector_store_idx %arg17[%get3A_331], %broadcast_in_dim3A_0 {add = true} : memref<10240xf32, #tpu.memory_space<vmem>>[vector<16xi32>], vector<16xf32>,
      tpu.vector_store_idx %arg19[%get3A_335], %broadcast_in_dim3A_0 {add = true} : memref<2048xf32, #tpu.memory_space<vmem>>[vector<16xi32>], vector<16xf32>,
      %mul3A_336 = arith.constant 32 : i32
      %mul3A_337 = arith.muli %scan3A_165, %mul3A_336 : i32
      %add3A_338 = arith.constant 13 : i32
      %add3A_339 = arith.addi %mul3A_337, %add3A_338 : i32
      %mul3A_340 = arith.constant 16 : i32
      %mul3A_341 = arith.muli %add3A_339, %mul3A_340 : i32
      %get3A_342 = arith.index_cast %mul3A_341 : i32 to index
      %get3A_343 = tpu.vector_load %arg9[%get3A_342] {strides = array<i32>} : memref<20480xi32, #tpu.memory_space<vmem>>, vector<16xi32>,
      %mul3A_344 = arith.constant 16 : i32
      %mul3A_345 = arith.muli %add3A_339, %mul3A_344 : i32
      %get3A_346 = arith.index_cast %mul3A_345 : i32 to index
      %get3A_347 = tpu.vector_load %arg10[%get3A_346] {strides = array<i32>} : memref<20480xi32, #tpu.memory_space<vmem>>, vector<16xi32>,
      tpu.vector_store_idx %arg17[%get3A_343], %broadcast_in_dim3A_0 {add = true} : memref<10240xf32, #tpu.memory_space<vmem>>[vector<16xi32>], vector<16xf32>,
      tpu.vector_store_idx %arg19[%get3A_347], %broadcast_in_dim3A_0 {add = true} : memref<2048xf32, #tpu.memory_space<vmem>>[vector<16xi32>], vector<16xf32>,
      %mul3A_348 = arith.constant 32 : i32
      %mul3A_349 = arith.muli %scan3A_165, %mul3A_348 : i32
      %add3A_350 = arith.constant 14 : i32
      %add3A_351 = arith.addi %mul3A_349, %add3A_350 : i32
      %mul3A_352 = arith.constant 16 : i32
      %mul3A_353 = arith.muli %add3A_351, %mul3A_352 : i32
      %get3A_354 = arith.index_cast %mul3A_353 : i32 to index
      %get3A_355 = tpu.vector_load %arg9[%get3A_354] {strides = array<i32>} : memref<20480xi32, #tpu.memory_space<vmem>>, vector<16xi32>,
      %mul3A_356 = arith.constant 16 : i32
      %mul3A_357 = arith.muli %add3A_351, %mul3A_356 : i32
      %get3A_358 = arith.index_cast %mul3A_357 : i32 to index
      %get3A_359 = tpu.vector_load %arg10[%get3A_358] {strides = array<i32>} : memref<20480xi32, #tpu.memory_space<vmem>>, vector<16xi32>,
      tpu.vector_store_idx %arg17[%get3A_355], %broadcast_in_dim3A_0 {add = true} : memref<10240xf32, #tpu.memory_space<vmem>>[vector<16xi32>], vector<16xf32>,
      tpu.vector_store_idx %arg19[%get3A_359], %broadcast_in_dim3A_0 {add = true} : memref<2048xf32, #tpu.memory_space<vmem>>[vector<16xi32>], vector<16xf32>,
      %mul3A_360 = arith.constant 32 : i32
      %mul3A_361 = arith.muli %scan3A_165, %mul3A_360 : i32
      %add3A_362 = arith.constant 15 : i32
      %add3A_363 = arith.addi %mul3A_361, %add3A_362 : i32
      %mul3A_364 = arith.constant 16 : i32
      %mul3A_365 = arith.muli %add3A_363, %mul3A_364 : i32
      %get3A_366 = arith.index_cast %mul3A_365 : i32 to index
      %get3A_367 = tpu.vector_load %arg9[%get3A_366] {strides = array<i32>} : memref<20480xi32, #tpu.memory_space<vmem>>, vector<16xi32>,
      %mul3A_368 = arith.constant 16 : i32
      %mul3A_369 = arith.muli %add3A_363, %mul3A_368 : i32
      %get3A_370 = arith.index_cast %mul3A_369 : i32 to index
      %get3A_371 = tpu.vector_load %arg10[%get3A_370] {strides = array<i32>} : memref<20480xi32, #tpu.memory_space<vmem>>, vector<16xi32>,
      tpu.vector_store_idx %arg17[%get3A_367], %broadcast_in_dim3A_0 {add = true} : memref<10240xf32, #tpu.memory_space<vmem>>[vector<16xi32>], vector<16xf32>,
      tpu.vector_store_idx %arg19[%get3A_371], %broadcast_in_dim3A_0 {add = true} : memref<2048xf32, #tpu.memory_space<vmem>>[vector<16xi32>], vector<16xf32>,
      %mul3A_372 = arith.constant 32 : i32
      %mul3A_373 = arith.muli %scan3A_165, %mul3A_372 : i32
      %add3A_374 = arith.constant 16 : i32
      %add3A_375 = arith.addi %mul3A_373, %add3A_374 : i32
      %mul3A_376 = arith.constant 16 : i32
      %mul3A_377 = arith.muli %add3A_375, %mul3A_376 : i32
      %get3A_378 = arith.index_cast %mul3A_377 : i32 to index
      %get3A_379 = tpu.vector_load %arg9[%get3A_378] {strides = array<i32>} : memref<20480xi32, #tpu.memory_space<vmem>>, vector<16xi32>,
      %mul3A_380 = arith.constant 16 : i32
      %mul3A_381 = arith.muli %add3A_375, %mul3A_380 : i32
      %get3A_382 = arith.index_cast %mul3A_381 : i32 to index
      %get3A_383 = tpu.vector_load %arg10[%get3A_382] {strides = array<i32>} : memref<20480xi32, #tpu.memory_space<vmem>>, vector<16xi32>,
      tpu.vector_store_idx %arg17[%get3A_379], %broadcast_in_dim3A_0 {add = true} : memref<10240xf32, #tpu.memory_space<vmem>>[vector<16xi32>], vector<16xf32>,
      tpu.vector_store_idx %arg19[%get3A_383], %broadcast_in_dim3A_0 {add = true} : memref<2048xf32, #tpu.memory_space<vmem>>[vector<16xi32>], vector<16xf32>,
      %mul3A_384 = arith.constant 32 : i32
      %mul3A_385 = arith.muli %scan3A_165, %mul3A_384 : i32
      %add3A_386 = arith.constant 17 : i32
      %add3A_387 = arith.addi %mul3A_385, %add3A_386 : i32
      %mul3A_388 = arith.constant 16 : i32
      %mul3A_389 = arith.muli %add3A_387, %mul3A_388 : i32
      %get3A_390 = arith.index_cast %mul3A_389 : i32 to index
      %get3A_391 = tpu.vector_load %arg9[%get3A_390] {strides = array<i32>} : memref<20480xi32, #tpu.memory_space<vmem>>, vector<16xi32>,
      %mul3A_392 = arith.constant 16 : i32
      %mul3A_393 = arith.muli %add3A_387, %mul3A_392 : i32
      %get3A_394 = arith.index_cast %mul3A_393 : i32 to index
      %get3A_395 = tpu.vector_load %arg10[%get3A_394] {strides = array<i32>} : memref<20480xi32, #tpu.memory_space<vmem>>, vector<16xi32>,
      tpu.vector_store_idx %arg17[%get3A_391], %broadcast_in_dim3A_0 {add = true} : memref<10240xf32, #tpu.memory_space<vmem>>[vector<16xi32>], vector<16xf32>,
      tpu.vector_store_idx %arg19[%get3A_395], %broadcast_in_dim3A_0 {add = true} : memref<2048xf32, #tpu.memory_space<vmem>>[vector<16xi32>], vector<16xf32>,
      %mul3A_396 = arith.constant 32 : i32
      %mul3A_397 = arith.muli %scan3A_165, %mul3A_396 : i32
      %add3A_398 = arith.constant 18 : i32
      %add3A_399 = arith.addi %mul3A_397, %add3A_398 : i32
      %mul3A_400 = arith.constant 16 : i32
      %mul3A_401 = arith.muli %add3A_399, %mul3A_400 : i32
      %get3A_402 = arith.index_cast %mul3A_401 : i32 to index
      %get3A_403 = tpu.vector_load %arg9[%get3A_402] {strides = array<i32>} : memref<20480xi32, #tpu.memory_space<vmem>>, vector<16xi32>,
      %mul3A_404 = arith.constant 16 : i32
      %mul3A_405 = arith.muli %add3A_399, %mul3A_404 : i32
      %get3A_406 = arith.index_cast %mul3A_405 : i32 to index
      %get3A_407 = tpu.vector_load %arg10[%get3A_406] {strides = array<i32>} : memref<20480xi32, #tpu.memory_space<vmem>>, vector<16xi32>,
      tpu.vector_store_idx %arg17[%get3A_403], %broadcast_in_dim3A_0 {add = true} : memref<10240xf32, #tpu.memory_space<vmem>>[vector<16xi32>], vector<16xf32>,
      tpu.vector_store_idx %arg19[%get3A_407], %broadcast_in_dim3A_0 {add = true} : memref<2048xf32, #tpu.memory_space<vmem>>[vector<16xi32>], vector<16xf32>,
      %mul3A_408 = arith.constant 32 : i32
      %mul3A_409 = arith.muli %scan3A_165, %mul3A_408 : i32
      %add3A_410 = arith.constant 19 : i32
      %add3A_411 = arith.addi %mul3A_409, %add3A_410 : i32
      %mul3A_412 = arith.constant 16 : i32
      %mul3A_413 = arith.muli %add3A_411, %mul3A_412 : i32
      %get3A_414 = arith.index_cast %mul3A_413 : i32 to index
      %get3A_415 = tpu.vector_load %arg9[%get3A_414] {strides = array<i32>} : memref<20480xi32, #tpu.memory_space<vmem>>, vector<16xi32>,
      %mul3A_416 = arith.constant 16 : i32
      %mul3A_417 = arith.muli %add3A_411, %mul3A_416 : i32
      %get3A_418 = arith.index_cast %mul3A_417 : i32 to index
      %get3A_419 = tpu.vector_load %arg10[%get3A_418] {strides = array<i32>} : memref<20480xi32, #tpu.memory_space<vmem>>, vector<16xi32>,
      tpu.vector_store_idx %arg17[%get3A_415], %broadcast_in_dim3A_0 {add = true} : memref<10240xf32, #tpu.memory_space<vmem>>[vector<16xi32>], vector<16xf32>,
      tpu.vector_store_idx %arg19[%get3A_419], %broadcast_in_dim3A_0 {add = true} : memref<2048xf32, #tpu.memory_space<vmem>>[vector<16xi32>], vector<16xf32>,
      %mul3A_420 = arith.constant 32 : i32
      %mul3A_421 = arith.muli %scan3A_165, %mul3A_420 : i32
      %add3A_422 = arith.constant 20 : i32
      %add3A_423 = arith.addi %mul3A_421, %add3A_422 : i32
      %mul3A_424 = arith.constant 16 : i32
      %mul3A_425 = arith.muli %add3A_423, %mul3A_424 : i32
      %get3A_426 = arith.index_cast %mul3A_425 : i32 to index
      %get3A_427 = tpu.vector_load %arg9[%get3A_426] {strides = array<i32>} : memref<20480xi32, #tpu.memory_space<vmem>>, vector<16xi32>,
      %mul3A_428 = arith.constant 16 : i32
      %mul3A_429 = arith.muli %add3A_423, %mul3A_428 : i32
      %get3A_430 = arith.index_cast %mul3A_429 : i32 to index
      %get3A_431 = tpu.vector_load %arg10[%get3A_430] {strides = array<i32>} : memref<20480xi32, #tpu.memory_space<vmem>>, vector<16xi32>,
      tpu.vector_store_idx %arg17[%get3A_427], %broadcast_in_dim3A_0 {add = true} : memref<10240xf32, #tpu.memory_space<vmem>>[vector<16xi32>], vector<16xf32>,
      tpu.vector_store_idx %arg19[%get3A_431], %broadcast_in_dim3A_0 {add = true} : memref<2048xf32, #tpu.memory_space<vmem>>[vector<16xi32>], vector<16xf32>,
      %mul3A_432 = arith.constant 32 : i32
      %mul3A_433 = arith.muli %scan3A_165, %mul3A_432 : i32
      %add3A_434 = arith.constant 21 : i32
      %add3A_435 = arith.addi %mul3A_433, %add3A_434 : i32
      %mul3A_436 = arith.constant 16 : i32
      %mul3A_437 = arith.muli %add3A_435, %mul3A_436 : i32
      %get3A_438 = arith.index_cast %mul3A_437 : i32 to index
      %get3A_439 = tpu.vector_load %arg9[%get3A_438] {strides = array<i32>} : memref<20480xi32, #tpu.memory_space<vmem>>, vector<16xi32>,
      %mul3A_440 = arith.constant 16 : i32
      %mul3A_441 = arith.muli %add3A_435, %mul3A_440 : i32
      %get3A_442 = arith.index_cast %mul3A_441 : i32 to index
      %get3A_443 = tpu.vector_load %arg10[%get3A_442] {strides = array<i32>} : memref<20480xi32, #tpu.memory_space<vmem>>, vector<16xi32>,
      tpu.vector_store_idx %arg17[%get3A_439], %broadcast_in_dim3A_0 {add = true} : memref<10240xf32, #tpu.memory_space<vmem>>[vector<16xi32>], vector<16xf32>,
      tpu.vector_store_idx %arg19[%get3A_443], %broadcast_in_dim3A_0 {add = true} : memref<2048xf32, #tpu.memory_space<vmem>>[vector<16xi32>], vector<16xf32>,
      %mul3A_444 = arith.constant 32 : i32
      %mul3A_445 = arith.muli %scan3A_165, %mul3A_444 : i32
      %add3A_446 = arith.constant 22 : i32
      %add3A_447 = arith.addi %mul3A_445, %add3A_446 : i32
      %mul3A_448 = arith.constant 16 : i32
      %mul3A_449 = arith.muli %add3A_447, %mul3A_448 : i32
      %get3A_450 = arith.index_cast %mul3A_449 : i32 to index
      %get3A_451 = tpu.vector_load %arg9[%get3A_450] {strides = array<i32>} : memref<20480xi32, #tpu.memory_space<vmem>>, vector<16xi32>,
      %mul3A_452 = arith.constant 16 : i32
      %mul3A_453 = arith.muli %add3A_447, %mul3A_452 : i32
      %get3A_454 = arith.index_cast %mul3A_453 : i32 to index
      %get3A_455 = tpu.vector_load %arg10[%get3A_454] {strides = array<i32>} : memref<20480xi32, #tpu.memory_space<vmem>>, vector<16xi32>,
      tpu.vector_store_idx %arg17[%get3A_451], %broadcast_in_dim3A_0 {add = true} : memref<10240xf32, #tpu.memory_space<vmem>>[vector<16xi32>], vector<16xf32>,
      tpu.vector_store_idx %arg19[%get3A_455], %broadcast_in_dim3A_0 {add = true} : memref<2048xf32, #tpu.memory_space<vmem>>[vector<16xi32>], vector<16xf32>,
      %mul3A_456 = arith.constant 32 : i32
      %mul3A_457 = arith.muli %scan3A_165, %mul3A_456 : i32
      %add3A_458 = arith.constant 23 : i32
      %add3A_459 = arith.addi %mul3A_457, %add3A_458 : i32
      %mul3A_460 = arith.constant 16 : i32
      %mul3A_461 = arith.muli %add3A_459, %mul3A_460 : i32
      %get3A_462 = arith.index_cast %mul3A_461 : i32 to index
      %get3A_463 = tpu.vector_load %arg9[%get3A_462] {strides = array<i32>} : memref<20480xi32, #tpu.memory_space<vmem>>, vector<16xi32>,
      %mul3A_464 = arith.constant 16 : i32
      %mul3A_465 = arith.muli %add3A_459, %mul3A_464 : i32
      %get3A_466 = arith.index_cast %mul3A_465 : i32 to index
      %get3A_467 = tpu.vector_load %arg10[%get3A_466] {strides = array<i32>} : memref<20480xi32, #tpu.memory_space<vmem>>, vector<16xi32>,
      tpu.vector_store_idx %arg17[%get3A_463], %broadcast_in_dim3A_0 {add = true} : memref<10240xf32, #tpu.memory_space<vmem>>[vector<16xi32>], vector<16xf32>,
      tpu.vector_store_idx %arg19[%get3A_467], %broadcast_in_dim3A_0 {add = true} : memref<2048xf32, #tpu.memory_space<vmem>>[vector<16xi32>], vector<16xf32>,
      %mul3A_468 = arith.constant 32 : i32
      %mul3A_469 = arith.muli %scan3A_165, %mul3A_468 : i32
      %add3A_470 = arith.constant 24 : i32
      %add3A_471 = arith.addi %mul3A_469, %add3A_470 : i32
      %mul3A_472 = arith.constant 16 : i32
      %mul3A_473 = arith.muli %add3A_471, %mul3A_472 : i32
      %get3A_474 = arith.index_cast %mul3A_473 : i32 to index
      %get3A_475 = tpu.vector_load %arg9[%get3A_474] {strides = array<i32>} : memref<20480xi32, #tpu.memory_space<vmem>>, vector<16xi32>,
      %mul3A_476 = arith.constant 16 : i32
      %mul3A_477 = arith.muli %add3A_471, %mul3A_476 : i32
      %get3A_478 = arith.index_cast %mul3A_477 : i32 to index
      %get3A_479 = tpu.vector_load %arg10[%get3A_478] {strides = array<i32>} : memref<20480xi32, #tpu.memory_space<vmem>>, vector<16xi32>,
      tpu.vector_store_idx %arg17[%get3A_475], %broadcast_in_dim3A_0 {add = true} : memref<10240xf32, #tpu.memory_space<vmem>>[vector<16xi32>], vector<16xf32>,
      tpu.vector_store_idx %arg19[%get3A_479], %broadcast_in_dim3A_0 {add = true} : memref<2048xf32, #tpu.memory_space<vmem>>[vector<16xi32>], vector<16xf32>,
      %mul3A_480 = arith.constant 32 : i32
      %mul3A_481 = arith.muli %scan3A_165, %mul3A_480 : i32
      %add3A_482 = arith.constant 25 : i32
      %add3A_483 = arith.addi %mul3A_481, %add3A_482 : i32
      %mul3A_484 = arith.constant 16 : i32
      %mul3A_485 = arith.muli %add3A_483, %mul3A_484 : i32
      %get3A_486 = arith.index_cast %mul3A_485 : i32 to index
      %get3A_487 = tpu.vector_load %arg9[%get3A_486] {strides = array<i32>} : memref<20480xi32, #tpu.memory_space<vmem>>, vector<16xi32>,
      %mul3A_488 = arith.constant 16 : i32
      %mul3A_489 = arith.muli %add3A_483, %mul3A_488 : i32
      %get3A_490 = arith.index_cast %mul3A_489 : i32 to index
      %get3A_491 = tpu.vector_load %arg10[%get3A_490] {strides = array<i32>} : memref<20480xi32, #tpu.memory_space<vmem>>, vector<16xi32>,
      tpu.vector_store_idx %arg17[%get3A_487], %broadcast_in_dim3A_0 {add = true} : memref<10240xf32, #tpu.memory_space<vmem>>[vector<16xi32>], vector<16xf32>,
      tpu.vector_store_idx %arg19[%get3A_491], %broadcast_in_dim3A_0 {add = true} : memref<2048xf32, #tpu.memory_space<vmem>>[vector<16xi32>], vector<16xf32>,
      %mul3A_492 = arith.constant 32 : i32
      %mul3A_493 = arith.muli %scan3A_165, %mul3A_492 : i32
      %add3A_494 = arith.constant 26 : i32
      %add3A_495 = arith.addi %mul3A_493, %add3A_494 : i32
      %mul3A_496 = arith.constant 16 : i32
      %mul3A_497 = arith.muli %add3A_495, %mul3A_496 : i32
      %get3A_498 = arith.index_cast %mul3A_497 : i32 to index
      %get3A_499 = tpu.vector_load %arg9[%get3A_498] {strides = array<i32>} : memref<20480xi32, #tpu.memory_space<vmem>>, vector<16xi32>,
      %mul3A_500 = arith.constant 16 : i32
      %mul3A_501 = arith.muli %add3A_495, %mul3A_500 : i32
      %get3A_502 = arith.index_cast %mul3A_501 : i32 to index
      %get3A_503 = tpu.vector_load %arg10[%get3A_502] {strides = array<i32>} : memref<20480xi32, #tpu.memory_space<vmem>>, vector<16xi32>,
      tpu.vector_store_idx %arg17[%get3A_499], %broadcast_in_dim3A_0 {add = true} : memref<10240xf32, #tpu.memory_space<vmem>>[vector<16xi32>], vector<16xf32>,
      tpu.vector_store_idx %arg19[%get3A_503], %broadcast_in_dim3A_0 {add = true} : memref<2048xf32, #tpu.memory_space<vmem>>[vector<16xi32>], vector<16xf32>,
      %mul3A_504 = arith.constant 32 : i32
      %mul3A_505 = arith.muli %scan3A_165, %mul3A_504 : i32
      %add3A_506 = arith.constant 27 : i32
      %add3A_507 = arith.addi %mul3A_505, %add3A_506 : i32
      %mul3A_508 = arith.constant 16 : i32
      %mul3A_509 = arith.muli %add3A_507, %mul3A_508 : i32
      %get3A_510 = arith.index_cast %mul3A_509 : i32 to index
      %get3A_511 = tpu.vector_load %arg9[%get3A_510] {strides = array<i32>} : memref<20480xi32, #tpu.memory_space<vmem>>, vector<16xi32>,
      %mul3A_512 = arith.constant 16 : i32
      %mul3A_513 = arith.muli %add3A_507, %mul3A_512 : i32
      %get3A_514 = arith.index_cast %mul3A_513 : i32 to index
      %get3A_515 = tpu.vector_load %arg10[%get3A_514] {strides = array<i32>} : memref<20480xi32, #tpu.memory_space<vmem>>, vector<16xi32>,
      tpu.vector_store_idx %arg17[%get3A_511], %broadcast_in_dim3A_0 {add = true} : memref<10240xf32, #tpu.memory_space<vmem>>[vector<16xi32>], vector<16xf32>,
      tpu.vector_store_idx %arg19[%get3A_515], %broadcast_in_dim3A_0 {add = true} : memref<2048xf32, #tpu.memory_space<vmem>>[vector<16xi32>], vector<16xf32>,
      %mul3A_516 = arith.constant 32 : i32
      %mul3A_517 = arith.muli %scan3A_165, %mul3A_516 : i32
      %add3A_518 = arith.constant 28 : i32
      %add3A_519 = arith.addi %mul3A_517, %add3A_518 : i32
      %mul3A_520 = arith.constant 16 : i32
      %mul3A_521 = arith.muli %add3A_519, %mul3A_520 : i32
      %get3A_522 = arith.index_cast %mul3A_521 : i32 to index
      %get3A_523 = tpu.vector_load %arg9[%get3A_522] {strides = array<i32>} : memref<20480xi32, #tpu.memory_space<vmem>>, vector<16xi32>,
      %mul3A_524 = arith.constant 16 : i32
      %mul3A_525 = arith.muli %add3A_519, %mul3A_524 : i32
      %get3A_526 = arith.index_cast %mul3A_525 : i32 to index
      %get3A_527 = tpu.vector_load %arg10[%get3A_526] {strides = array<i32>} : memref<20480xi32, #tpu.memory_space<vmem>>, vector<16xi32>,
      tpu.vector_store_idx %arg17[%get3A_523], %broadcast_in_dim3A_0 {add = true} : memref<10240xf32, #tpu.memory_space<vmem>>[vector<16xi32>], vector<16xf32>,
      tpu.vector_store_idx %arg19[%get3A_527], %broadcast_in_dim3A_0 {add = true} : memref<2048xf32, #tpu.memory_space<vmem>>[vector<16xi32>], vector<16xf32>,
      %mul3A_528 = arith.constant 32 : i32
      %mul3A_529 = arith.muli %scan3A_165, %mul3A_528 : i32
      %add3A_530 = arith.constant 29 : i32
      %add3A_531 = arith.addi %mul3A_529, %add3A_530 : i32
      %mul3A_532 = arith.constant 16 : i32
      %mul3A_533 = arith.muli %add3A_531, %mul3A_532 : i32
      %get3A_534 = arith.index_cast %mul3A_533 : i32 to index
      %get3A_535 = tpu.vector_load %arg9[%get3A_534] {strides = array<i32>} : memref<20480xi32, #tpu.memory_space<vmem>>, vector<16xi32>,
      %mul3A_536 = arith.constant 16 : i32
      %mul3A_537 = arith.muli %add3A_531, %mul3A_536 : i32
      %get3A_538 = arith.index_cast %mul3A_537 : i32 to index
      %get3A_539 = tpu.vector_load %arg10[%get3A_538] {strides = array<i32>} : memref<20480xi32, #tpu.memory_space<vmem>>, vector<16xi32>,
      tpu.vector_store_idx %arg17[%get3A_535], %broadcast_in_dim3A_0 {add = true} : memref<10240xf32, #tpu.memory_space<vmem>>[vector<16xi32>], vector<16xf32>,
      tpu.vector_store_idx %arg19[%get3A_539], %broadcast_in_dim3A_0 {add = true} : memref<2048xf32, #tpu.memory_space<vmem>>[vector<16xi32>], vector<16xf32>,
      %mul3A_540 = arith.constant 32 : i32
      %mul3A_541 = arith.muli %scan3A_165, %mul3A_540 : i32
      %add3A_542 = arith.constant 30 : i32
      %add3A_543 = arith.addi %mul3A_541, %add3A_542 : i32
      %mul3A_544 = arith.constant 16 : i32
      %mul3A_545 = arith.muli %add3A_543, %mul3A_544 : i32
      %get3A_546 = arith.index_cast %mul3A_545 : i32 to index
      %get3A_547 = tpu.vector_load %arg9[%get3A_546] {strides = array<i32>} : memref<20480xi32, #tpu.memory_space<vmem>>, vector<16xi32>,
      %mul3A_548 = arith.constant 16 : i32
      %mul3A_549 = arith.muli %add3A_543, %mul3A_548 : i32
      %get3A_550 = arith.index_cast %mul3A_549 : i32 to index
      %get3A_551 = tpu.vector_load %arg10[%get3A_550] {strides = array<i32>} : memref<20480xi32, #tpu.memory_space<vmem>>, vector<16xi32>,
      tpu.vector_store_idx %arg17[%get3A_547], %broadcast_in_dim3A_0 {add = true} : memref<10240xf32, #tpu.memory_space<vmem>>[vector<16xi32>], vector<16xf32>,
      tpu.vector_store_idx %arg19[%get3A_551], %broadcast_in_dim3A_0 {add = true} : memref<2048xf32, #tpu.memory_space<vmem>>[vector<16xi32>], vector<16xf32>,
      %mul3A_552 = arith.constant 32 : i32
      %mul3A_553 = arith.muli %scan3A_165, %mul3A_552 : i32
      %add3A_554 = arith.constant 31 : i32
      %add3A_555 = arith.addi %mul3A_553, %add3A_554 : i32
      %mul3A_556 = arith.constant 16 : i32
      %mul3A_557 = arith.muli %add3A_555, %mul3A_556 : i32
      %get3A_558 = arith.index_cast %mul3A_557 : i32 to index
      %get3A_559 = tpu.vector_load %arg9[%get3A_558] {strides = array<i32>} : memref<20480xi32, #tpu.memory_space<vmem>>, vector<16xi32>,
      %mul3A_560 = arith.constant 16 : i32
      %mul3A_561 = arith.muli %add3A_555, %mul3A_560 : i32
      %get3A_562 = arith.index_cast %mul3A_561 : i32 to index
      %get3A_563 = tpu.vector_load %arg10[%get3A_562] {strides = array<i32>} : memref<20480xi32, #tpu.memory_space<vmem>>, vector<16xi32>,
      tpu.vector_store_idx %arg17[%get3A_559], %broadcast_in_dim3A_0 {add = true} : memref<10240xf32, #tpu.memory_space<vmem>>[vector<16xi32>], vector<16xf32>,
      tpu.vector_store_idx %arg19[%get3A_563], %broadcast_in_dim3A_0 {add = true} : memref<2048xf32, #tpu.memory_space<vmem>>[vector<16xi32>], vector<16xf32>,
      %dma_wait3A_564 = arith.constant 0 : i32
      %dma_wait3A_565 = arith.constant 0 : i32
      %dma_wait3A_566 = tpu.memref_slice %arg2[%dma_wait3A_564, %dma_wait3A_565] : memref<10240x128xf32, #tpu.memory_space<hbm>> -> memref<10240x128xf32, #tpu.memory_space<hbm>>
      tpu.wait_indirect_dma semaphore(%arg26 : memref<!tpu.dma_semaphore, #tpu.memory_space<semaphore_mem>>) src(%dma_wait3A_566 : memref<10240x128xf32, #tpu.memory_space<hbm>>) dst(%arg15 : memref<128x128xf32, #tpu.memory_space<vmem>>)
      "tpu.region"() ({
        %run_scoped3A_585 = tpu.sem_alloc : memref<!tpu.dma_semaphore, #tpu.memory_space<semaphore_mem>>
        %dma_start3A_586 = arith.constant 0 : i32
        %dma_start3A_587 = arith.constant 0 : i32
        %dma_start3A_588 = tpu.memref_slice %arg23[%dma_start3A_586, %dma_start3A_587] : memref<2048x128xf32, #tpu.memory_space<vmem_shared>> -> memref<2048x128xf32, #tpu.memory_space<vmem_shared>>
        tpu.enqueue_indirect_dma source(%arg15 : memref<128x128xf32, #tpu.memory_space<vmem>>) target(%dma_start3A_588 : memref<2048x128xf32, #tpu.memory_space<vmem_shared>>) offsets(%arg12 : memref<128xi32, #tpu.memory_space<vmem>>) semaphore(%run_scoped3A_585 : memref<!tpu.dma_semaphore, #tpu.memory_space<semaphore_mem>>) {add = true}
        %dma_wait3A_589 = arith.constant 0 : i32
        %dma_wait3A_590 = arith.constant 0 : i32
        %dma_wait3A_591 = tpu.memref_slice %arg23[%dma_wait3A_589, %dma_wait3A_590] : memref<2048x128xf32, #tpu.memory_space<vmem_shared>> -> memref<2048x128xf32, #tpu.memory_space<vmem_shared>>
        tpu.wait_indirect_dma semaphore(%run_scoped3A_585 : memref<!tpu.dma_semaphore, #tpu.memory_space<semaphore_mem>>) src(%arg15 : memref<128x128xf32, #tpu.memory_space<vmem>>) dst(%dma_wait3A_591 : memref<2048x128xf32, #tpu.memory_space<vmem_shared>>)
        tpu.yield
      }) : () -> ()
      %add3A_567 = arith.constant 2 : i32
      %add3A_568 = arith.addi %mul3A_168, %add3A_567 : i32
      %lt3A_569 = arith.constant 80 : i32
      %lt3A_570 = arith.cmpi slt, %add3A_568, %lt3A_569 : i32
      %convert_element_type3A_571 = arith.extui %lt3A_570 : i1 to i32
      %cond3A_572 = arith.constant 0 : i32
      %cond3A_573 = arith.cmpi ne, %convert_element_type3A_571, %cond3A_572 : i32
      scf.if %cond3A_573 {
        %add3A_585 = arith.constant 2 : i32
        %add3A_586 = arith.addi %mul3A_168, %add3A_585 : i32
        %mul3A_587 = arith.constant 128 : i32
        %mul3A_588 = arith.muli %add3A_586, %mul3A_587 : i32
        %add3A_589 = arith.addi %add3A, %mul3A_588 : i32
        %dma_start3A_590 = tpu.memref_slice %arg3[%add3A_589] : memref<327680xi32, #tpu.memory_space<hbm>> -> memref<128xi32, #tpu.memory_space<hbm>>
        %dma_start3A_591 = tpu.memref_slice %arg3[%add3A_589] : memref<327680xi32, #tpu.memory_space<hbm>> -> memref<128xi32, #tpu.memory_space<hbm>>
        tpu.enqueue_dma source(%dma_start3A_591 : memref<128xi32, #tpu.memory_space<hbm>>) target(%arg11 : memref<128xi32, #tpu.memory_space<vmem>>) target_semaphore(%arg24 : memref<!tpu.dma_semaphore, #tpu.memory_space<semaphore_mem>>)
        %dma_start3A_592 = tpu.memref_slice %arg4[%add3A_589] : memref<327680xi32, #tpu.memory_space<hbm>> -> memref<128xi32, #tpu.memory_space<hbm>>
        %dma_start3A_593 = tpu.memref_slice %arg4[%add3A_589] : memref<327680xi32, #tpu.memory_space<hbm>> -> memref<128xi32, #tpu.memory_space<hbm>>
        tpu.enqueue_dma source(%dma_start3A_593 : memref<128xi32, #tpu.memory_space<hbm>>) target(%arg12 : memref<128xi32, #tpu.memory_space<vmem>>) target_semaphore(%arg24 : memref<!tpu.dma_semaphore, #tpu.memory_space<semaphore_mem>>)
        %add3A_594 = arith.constant 2 : i32
        %add3A_595 = arith.addi %mul3A_168, %add3A_594 : i32
        %mul3A_596 = arith.constant 128 : i32
        %mul3A_597 = arith.muli %add3A_595, %mul3A_596 : i32
        %add3A_598 = arith.addi %add3A, %mul3A_597 : i32
        %dma_wait3A_599 = tpu.memref_slice %arg3[%add3A_598] : memref<327680xi32, #tpu.memory_space<hbm>> -> memref<128xi32, #tpu.memory_space<hbm>>
        %dma_wait3A_600 = tpu.memref_slice %arg3[%add3A_598] : memref<327680xi32, #tpu.memory_space<hbm>> -> memref<128xi32, #tpu.memory_space<hbm>>
        tpu.wait_dma2 semaphore(%arg24 : memref<!tpu.dma_semaphore, #tpu.memory_space<semaphore_mem>>) src(%dma_wait3A_600 : memref<128xi32, #tpu.memory_space<hbm>>) dst(%arg11 : memref<128xi32, #tpu.memory_space<vmem>>)
        %dma_wait3A_601 = tpu.memref_slice %arg4[%add3A_598] : memref<327680xi32, #tpu.memory_space<hbm>> -> memref<128xi32, #tpu.memory_space<hbm>>
        %dma_wait3A_602 = tpu.memref_slice %arg4[%add3A_598] : memref<327680xi32, #tpu.memory_space<hbm>> -> memref<128xi32, #tpu.memory_space<hbm>>
        tpu.wait_dma2 semaphore(%arg24 : memref<!tpu.dma_semaphore, #tpu.memory_space<semaphore_mem>>) src(%dma_wait3A_602 : memref<128xi32, #tpu.memory_space<hbm>>) dst(%arg12 : memref<128xi32, #tpu.memory_space<vmem>>)
        %dma_start3A_603 = arith.constant 0 : i32
        %dma_start3A_604 = arith.constant 0 : i32
        %dma_start3A_605 = tpu.memref_slice %arg2[%dma_start3A_603, %dma_start3A_604] : memref<10240x128xf32, #tpu.memory_space<hbm>> -> memref<10240x128xf32, #tpu.memory_space<hbm>>
        tpu.enqueue_indirect_dma source(%dma_start3A_605 : memref<10240x128xf32, #tpu.memory_space<hbm>>) target(%arg15 : memref<128x128xf32, #tpu.memory_space<vmem>>) offsets(%arg11 : memref<128xi32, #tpu.memory_space<vmem>>) semaphore(%arg26 : memref<!tpu.dma_semaphore, #tpu.memory_space<semaphore_mem>>)
      } else {
      }
      %dma_wait3A_574 = arith.constant 0 : i32
      %dma_wait3A_575 = arith.constant 0 : i32
      %dma_wait3A_576 = tpu.memref_slice %arg2[%dma_wait3A_574, %dma_wait3A_575] : memref<10240x128xf32, #tpu.memory_space<hbm>> -> memref<10240x128xf32, #tpu.memory_space<hbm>>
      tpu.wait_indirect_dma semaphore(%arg27 : memref<!tpu.dma_semaphore, #tpu.memory_space<semaphore_mem>>) src(%dma_wait3A_576 : memref<10240x128xf32, #tpu.memory_space<hbm>>) dst(%arg16 : memref<128x128xf32, #tpu.memory_space<vmem>>)
      "tpu.region"() ({
        %run_scoped3A_585 = tpu.sem_alloc : memref<!tpu.dma_semaphore, #tpu.memory_space<semaphore_mem>>
        %dma_start3A_586 = arith.constant 0 : i32
        %dma_start3A_587 = arith.constant 0 : i32
        %dma_start3A_588 = tpu.memref_slice %arg23[%dma_start3A_586, %dma_start3A_587] : memref<2048x128xf32, #tpu.memory_space<vmem_shared>> -> memref<2048x128xf32, #tpu.memory_space<vmem_shared>>
        tpu.enqueue_indirect_dma source(%arg16 : memref<128x128xf32, #tpu.memory_space<vmem>>) target(%dma_start3A_588 : memref<2048x128xf32, #tpu.memory_space<vmem_shared>>) offsets(%arg14 : memref<128xi32, #tpu.memory_space<vmem>>) semaphore(%run_scoped3A_585 : memref<!tpu.dma_semaphore, #tpu.memory_space<semaphore_mem>>) {add = true}
        %dma_wait3A_589 = arith.constant 0 : i32
        %dma_wait3A_590 = arith.constant 0 : i32
        %dma_wait3A_591 = tpu.memref_slice %arg23[%dma_wait3A_589, %dma_wait3A_590] : memref<2048x128xf32, #tpu.memory_space<vmem_shared>> -> memref<2048x128xf32, #tpu.memory_space<vmem_shared>>
        tpu.wait_indirect_dma semaphore(%run_scoped3A_585 : memref<!tpu.dma_semaphore, #tpu.memory_space<semaphore_mem>>) src(%arg16 : memref<128x128xf32, #tpu.memory_space<vmem>>) dst(%dma_wait3A_591 : memref<2048x128xf32, #tpu.memory_space<vmem_shared>>)
        tpu.yield
      }) : () -> ()
      %add3A_577 = arith.constant 2 : i32
      %add3A_578 = arith.addi %add3A_170, %add3A_577 : i32
      %lt3A_579 = arith.constant 80 : i32
      %lt3A_580 = arith.cmpi slt, %add3A_578, %lt3A_579 : i32
      %convert_element_type3A_581 = arith.extui %lt3A_580 : i1 to i32
      %cond3A_582 = arith.constant 0 : i32
      %cond3A_583 = arith.cmpi ne, %convert_element_type3A_581, %cond3A_582 : i32
      scf.if %cond3A_583 {
        %add3A_585 = arith.constant 2 : i32
        %add3A_586 = arith.addi %add3A_170, %add3A_585 : i32
        %mul3A_587 = arith.constant 128 : i32
        %mul3A_588 = arith.muli %add3A_586, %mul3A_587 : i32
        %add3A_589 = arith.addi %add3A, %mul3A_588 : i32
        %dma_start3A_590 = tpu.memref_slice %arg3[%add3A_589] : memref<327680xi32, #tpu.memory_space<hbm>> -> memref<128xi32, #tpu.memory_space<hbm>>
        %dma_start3A_591 = tpu.memref_slice %arg3[%add3A_589] : memref<327680xi32, #tpu.memory_space<hbm>> -> memref<128xi32, #tpu.memory_space<hbm>>
        tpu.enqueue_dma source(%dma_start3A_591 : memref<128xi32, #tpu.memory_space<hbm>>) target(%arg13 : memref<128xi32, #tpu.memory_space<vmem>>) target_semaphore(%arg25 : memref<!tpu.dma_semaphore, #tpu.memory_space<semaphore_mem>>)
        %dma_start3A_592 = tpu.memref_slice %arg4[%add3A_589] : memref<327680xi32, #tpu.memory_space<hbm>> -> memref<128xi32, #tpu.memory_space<hbm>>
        %dma_start3A_593 = tpu.memref_slice %arg4[%add3A_589] : memref<327680xi32, #tpu.memory_space<hbm>> -> memref<128xi32, #tpu.memory_space<hbm>>
        tpu.enqueue_dma source(%dma_start3A_593 : memref<128xi32, #tpu.memory_space<hbm>>) target(%arg14 : memref<128xi32, #tpu.memory_space<vmem>>) target_semaphore(%arg25 : memref<!tpu.dma_semaphore, #tpu.memory_space<semaphore_mem>>)
      } else {
      }
      %scan3A_584 = arith.constant 0 : i32
      scf.yield %scan3A_584 : i32
    }
    %scan3A_55 = arith.constant 40 : i32
    "tpu.region"() ({
      %run_scoped3A_165 = tpu.sem_alloc : memref<!tpu.dma_semaphore, #tpu.memory_space<semaphore_mem>>
      %dma_start3A_166 = arith.constant 0 : i32
      %dma_start3A_167 = tpu.memref_slice %arg21[%arg1, %dma_start3A_166] : memref<16x10240xf32, #tpu.memory_space<vmem_shared>> -> memref<1x10240xf32, #tpu.memory_space<vmem_shared>>
      %dma_start3A_168 = tpu.memref_squeeze %dma_start3A_167 : memref<1x10240xf32, #tpu.memory_space<vmem_shared>> -> memref<10240xf32, #tpu.memory_space<vmem_shared>>
      %dma_start3A_169 = arith.constant 0 : i32
      %dma_start3A_170 = tpu.memref_slice %arg21[%arg1, %dma_start3A_169] : memref<16x10240xf32, #tpu.memory_space<vmem_shared>> -> memref<1x10240xf32, #tpu.memory_space<vmem_shared>>
      %dma_start3A_171 = tpu.memref_squeeze %dma_start3A_170 : memref<1x10240xf32, #tpu.memory_space<vmem_shared>> -> memref<10240xf32, #tpu.memory_space<vmem_shared>>
      tpu.enqueue_dma source(%arg17 : memref<10240xf32, #tpu.memory_space<vmem>>) target(%dma_start3A_171 : memref<10240xf32, #tpu.memory_space<vmem_shared>>) target_semaphore(%run_scoped3A_165 : memref<!tpu.dma_semaphore, #tpu.memory_space<semaphore_mem>>)
      %dma_wait3A_172 = arith.constant 0 : i32
      %dma_wait3A_173 = tpu.memref_slice %arg21[%arg1, %dma_wait3A_172] : memref<16x10240xf32, #tpu.memory_space<vmem_shared>> -> memref<1x10240xf32, #tpu.memory_space<vmem_shared>>
      %dma_wait3A_174 = tpu.memref_squeeze %dma_wait3A_173 : memref<1x10240xf32, #tpu.memory_space<vmem_shared>> -> memref<10240xf32, #tpu.memory_space<vmem_shared>>
      %dma_wait3A_175 = arith.constant 0 : i32
      %dma_wait3A_176 = tpu.memref_slice %arg21[%arg1, %dma_wait3A_175] : memref<16x10240xf32, #tpu.memory_space<vmem_shared>> -> memref<1x10240xf32, #tpu.memory_space<vmem_shared>>
      %dma_wait3A_177 = tpu.memref_squeeze %dma_wait3A_176 : memref<1x10240xf32, #tpu.memory_space<vmem_shared>> -> memref<10240xf32, #tpu.memory_space<vmem_shared>>
      tpu.wait_dma2 semaphore(%run_scoped3A_165 : memref<!tpu.dma_semaphore, #tpu.memory_space<semaphore_mem>>) src(%arg17 : memref<10240xf32, #tpu.memory_space<vmem>>) dst(%dma_wait3A_177 : memref<10240xf32, #tpu.memory_space<vmem_shared>>)
      tpu.yield
    }) : () -> ()
    %barrier3A_56 = arith.constant 0 : index
    tpu.barrier barrier_id(%barrier3A_56)
    %lt3A = arith.constant 8 : i32
    %lt3A_57 = arith.cmpi slt, %arg1, %lt3A : i32
    %convert_element_type3A = arith.extui %lt3A_57 : i1 to i32
    %cond3A = arith.constant 0 : i32
    %cond3A_58 = arith.cmpi ne, %convert_element_type3A, %cond3A : i32
    scf.if %cond3A_58 {
      %add3A_165 = arith.constant 8 : i32
      %add3A_166 = arith.addi %arg1, %add3A_165 : i32
      "tpu.region"() ({
        %run_scoped3A_174 = tpu.sem_alloc : memref<!tpu.dma_semaphore, #tpu.memory_space<semaphore_mem>>
        %dma_start3A_175 = arith.constant 0 : i32
        %dma_start3A_176 = tpu.memref_slice %arg21[%add3A_166, %dma_start3A_175] : memref<16x10240xf32, #tpu.memory_space<vmem_shared>> -> memref<1x10240xf32, #tpu.memory_space<vmem_shared>>
        %dma_start3A_177 = tpu.memref_squeeze %dma_start3A_176 : memref<1x10240xf32, #tpu.memory_space<vmem_shared>> -> memref<10240xf32, #tpu.memory_space<vmem_shared>>
        %dma_start3A_178 = arith.constant 0 : i32
        %dma_start3A_179 = tpu.memref_slice %arg21[%add3A_166, %dma_start3A_178] : memref<16x10240xf32, #tpu.memory_space<vmem_shared>> -> memref<1x10240xf32, #tpu.memory_space<vmem_shared>>
        %dma_start3A_180 = tpu.memref_squeeze %dma_start3A_179 : memref<1x10240xf32, #tpu.memory_space<vmem_shared>> -> memref<10240xf32, #tpu.memory_space<vmem_shared>>
        tpu.enqueue_dma source(%dma_start3A_180 : memref<10240xf32, #tpu.memory_space<vmem_shared>>) target(%arg18 : memref<10240xf32, #tpu.memory_space<vmem>>) target_semaphore(%run_scoped3A_174 : memref<!tpu.dma_semaphore, #tpu.memory_space<semaphore_mem>>)
        %dma_wait3A_181 = arith.constant 0 : i32
        %dma_wait3A_182 = tpu.memref_slice %arg21[%add3A_166, %dma_wait3A_181] : memref<16x10240xf32, #tpu.memory_space<vmem_shared>> -> memref<1x10240xf32, #tpu.memory_space<vmem_shared>>
        %dma_wait3A_183 = tpu.memref_squeeze %dma_wait3A_182 : memref<1x10240xf32, #tpu.memory_space<vmem_shared>> -> memref<10240xf32, #tpu.memory_space<vmem_shared>>
        %dma_wait3A_184 = arith.constant 0 : i32
        %dma_wait3A_185 = tpu.memref_slice %arg21[%add3A_166, %dma_wait3A_184] : memref<16x10240xf32, #tpu.memory_space<vmem_shared>> -> memref<1x10240xf32, #tpu.memory_space<vmem_shared>>
        %dma_wait3A_186 = tpu.memref_squeeze %dma_wait3A_185 : memref<1x10240xf32, #tpu.memory_space<vmem_shared>> -> memref<10240xf32, #tpu.memory_space<vmem_shared>>
        tpu.wait_dma2 semaphore(%run_scoped3A_174 : memref<!tpu.dma_semaphore, #tpu.memory_space<semaphore_mem>>) src(%dma_wait3A_186 : memref<10240xf32, #tpu.memory_space<vmem_shared>>) dst(%arg18 : memref<10240xf32, #tpu.memory_space<vmem>>)
        tpu.yield
      }) : () -> ()
      %scan3A_167 = arith.constant 0 : i32
      %scan3A_168 = arith.constant 0 : i32
      %scan3A_169 = arith.constant 640 : i32
      %scan3A_170 = arith.addi %scan3A_168, %scan3A_169 : i32
      %scan3A_171 = arith.constant 1 : i32
      %scan3A_172 = scf.for %scan3A_174 = %scan3A_168 to %scan3A_170 step %scan3A_171 iter_args(%scan3A_175 = %scan3A_167) -> (i32)  : i32 {
        %mul3A_176 = arith.constant 16 : i32
        %mul3A_177 = arith.muli %scan3A_174, %mul3A_176 : i32
        %get3A = arith.index_cast %mul3A_177 : i32 to index
        %get3A_178 = tpu.vector_load %arg17[%get3A] {strides = array<i32>} : memref<10240xf32, #tpu.memory_space<vmem>>, vector<16xf32>,
        %get3A_179 = arith.index_cast %mul3A_177 : i32 to index
        %get3A_180 = tpu.vector_load %arg18[%get3A_179] {strides = array<i32>} : memref<10240xf32, #tpu.memory_space<vmem>>, vector<16xf32>,
        %add3A_181 = arith.addf %get3A_178, %get3A_180 : vector<16xf32>
        %swap3A = arith.index_cast %mul3A_177 : i32 to index
        %swap3A_182 = tpu.vector_load %arg17[%swap3A] {strides = array<i32>} : memref<10240xf32, #tpu.memory_space<vmem>>, vector<16xf32>,
        tpu.vector_store %arg17[%swap3A], %add3A_181 {strides = array<i32>} : memref<10240xf32, #tpu.memory_space<vmem>>, vector<16xf32>,
        %scan3A_183 = arith.constant 0 : i32
        scf.yield %scan3A_183 : i32
      }
      %scan3A_173 = arith.constant 640 : i32
      "tpu.region"() ({
        %run_scoped3A_174 = tpu.sem_alloc : memref<!tpu.dma_semaphore, #tpu.memory_space<semaphore_mem>>
        %dma_start3A_175 = arith.constant 0 : i32
        %dma_start3A_176 = tpu.memref_slice %arg21[%arg1, %dma_start3A_175] : memref<16x10240xf32, #tpu.memory_space<vmem_shared>> -> memref<1x10240xf32, #tpu.memory_space<vmem_shared>>
        %dma_start3A_177 = tpu.memref_squeeze %dma_start3A_176 : memref<1x10240xf32, #tpu.memory_space<vmem_shared>> -> memref<10240xf32, #tpu.memory_space<vmem_shared>>
        %dma_start3A_178 = arith.constant 0 : i32
        %dma_start3A_179 = tpu.memref_slice %arg21[%arg1, %dma_start3A_178] : memref<16x10240xf32, #tpu.memory_space<vmem_shared>> -> memref<1x10240xf32, #tpu.memory_space<vmem_shared>>
        %dma_start3A_180 = tpu.memref_squeeze %dma_start3A_179 : memref<1x10240xf32, #tpu.memory_space<vmem_shared>> -> memref<10240xf32, #tpu.memory_space<vmem_shared>>
        tpu.enqueue_dma source(%arg17 : memref<10240xf32, #tpu.memory_space<vmem>>) target(%dma_start3A_180 : memref<10240xf32, #tpu.memory_space<vmem_shared>>) target_semaphore(%run_scoped3A_174 : memref<!tpu.dma_semaphore, #tpu.memory_space<semaphore_mem>>)
        %dma_wait3A_181 = arith.constant 0 : i32
        %dma_wait3A_182 = tpu.memref_slice %arg21[%arg1, %dma_wait3A_181] : memref<16x10240xf32, #tpu.memory_space<vmem_shared>> -> memref<1x10240xf32, #tpu.memory_space<vmem_shared>>
        %dma_wait3A_183 = tpu.memref_squeeze %dma_wait3A_182 : memref<1x10240xf32, #tpu.memory_space<vmem_shared>> -> memref<10240xf32, #tpu.memory_space<vmem_shared>>
        %dma_wait3A_184 = arith.constant 0 : i32
        %dma_wait3A_185 = tpu.memref_slice %arg21[%arg1, %dma_wait3A_184] : memref<16x10240xf32, #tpu.memory_space<vmem_shared>> -> memref<1x10240xf32, #tpu.memory_space<vmem_shared>>
        %dma_wait3A_186 = tpu.memref_squeeze %dma_wait3A_185 : memref<1x10240xf32, #tpu.memory_space<vmem_shared>> -> memref<10240xf32, #tpu.memory_space<vmem_shared>>
        tpu.wait_dma2 semaphore(%run_scoped3A_174 : memref<!tpu.dma_semaphore, #tpu.memory_space<semaphore_mem>>) src(%arg17 : memref<10240xf32, #tpu.memory_space<vmem>>) dst(%dma_wait3A_186 : memref<10240xf32, #tpu.memory_space<vmem_shared>>)
        tpu.yield
      }) : () -> ()
    } else {
    }
    %barrier3A_59 = arith.constant 0 : index
    tpu.barrier barrier_id(%barrier3A_59)
    %lt3A_60 = arith.constant 4 : i32
    %lt3A_61 = arith.cmpi slt, %arg1, %lt3A_60 : i32
    %convert_element_type3A_62 = arith.extui %lt3A_61 : i1 to i32
    %cond3A_63 = arith.constant 0 : i32
    %cond3A_64 = arith.cmpi ne, %convert_element_type3A_62, %cond3A_63 : i32
    scf.if %cond3A_64 {
      %add3A_165 = arith.constant 4 : i32
      %add3A_166 = arith.addi %arg1, %add3A_165 : i32
      "tpu.region"() ({
        %run_scoped3A_174 = tpu.sem_alloc : memref<!tpu.dma_semaphore, #tpu.memory_space<semaphore_mem>>
        %dma_start3A_175 = arith.constant 0 : i32
        %dma_start3A_176 = tpu.memref_slice %arg21[%add3A_166, %dma_start3A_175] : memref<16x10240xf32, #tpu.memory_space<vmem_shared>> -> memref<1x10240xf32, #tpu.memory_space<vmem_shared>>
        %dma_start3A_177 = tpu.memref_squeeze %dma_start3A_176 : memref<1x10240xf32, #tpu.memory_space<vmem_shared>> -> memref<10240xf32, #tpu.memory_space<vmem_shared>>
        %dma_start3A_178 = arith.constant 0 : i32
        %dma_start3A_179 = tpu.memref_slice %arg21[%add3A_166, %dma_start3A_178] : memref<16x10240xf32, #tpu.memory_space<vmem_shared>> -> memref<1x10240xf32, #tpu.memory_space<vmem_shared>>
        %dma_start3A_180 = tpu.memref_squeeze %dma_start3A_179 : memref<1x10240xf32, #tpu.memory_space<vmem_shared>> -> memref<10240xf32, #tpu.memory_space<vmem_shared>>
        tpu.enqueue_dma source(%dma_start3A_180 : memref<10240xf32, #tpu.memory_space<vmem_shared>>) target(%arg18 : memref<10240xf32, #tpu.memory_space<vmem>>) target_semaphore(%run_scoped3A_174 : memref<!tpu.dma_semaphore, #tpu.memory_space<semaphore_mem>>)
        %dma_wait3A_181 = arith.constant 0 : i32
        %dma_wait3A_182 = tpu.memref_slice %arg21[%add3A_166, %dma_wait3A_181] : memref<16x10240xf32, #tpu.memory_space<vmem_shared>> -> memref<1x10240xf32, #tpu.memory_space<vmem_shared>>
        %dma_wait3A_183 = tpu.memref_squeeze %dma_wait3A_182 : memref<1x10240xf32, #tpu.memory_space<vmem_shared>> -> memref<10240xf32, #tpu.memory_space<vmem_shared>>
        %dma_wait3A_184 = arith.constant 0 : i32
        %dma_wait3A_185 = tpu.memref_slice %arg21[%add3A_166, %dma_wait3A_184] : memref<16x10240xf32, #tpu.memory_space<vmem_shared>> -> memref<1x10240xf32, #tpu.memory_space<vmem_shared>>
        %dma_wait3A_186 = tpu.memref_squeeze %dma_wait3A_185 : memref<1x10240xf32, #tpu.memory_space<vmem_shared>> -> memref<10240xf32, #tpu.memory_space<vmem_shared>>
        tpu.wait_dma2 semaphore(%run_scoped3A_174 : memref<!tpu.dma_semaphore, #tpu.memory_space<semaphore_mem>>) src(%dma_wait3A_186 : memref<10240xf32, #tpu.memory_space<vmem_shared>>) dst(%arg18 : memref<10240xf32, #tpu.memory_space<vmem>>)
        tpu.yield
      }) : () -> ()
      %scan3A_167 = arith.constant 0 : i32
      %scan3A_168 = arith.constant 0 : i32
      %scan3A_169 = arith.constant 640 : i32
      %scan3A_170 = arith.addi %scan3A_168, %scan3A_169 : i32
      %scan3A_171 = arith.constant 1 : i32
      %scan3A_172 = scf.for %scan3A_174 = %scan3A_168 to %scan3A_170 step %scan3A_171 iter_args(%scan3A_175 = %scan3A_167) -> (i32)  : i32 {
        %mul3A_176 = arith.constant 16 : i32
        %mul3A_177 = arith.muli %scan3A_174, %mul3A_176 : i32
        %get3A = arith.index_cast %mul3A_177 : i32 to index
        %get3A_178 = tpu.vector_load %arg17[%get3A] {strides = array<i32>} : memref<10240xf32, #tpu.memory_space<vmem>>, vector<16xf32>,
        %get3A_179 = arith.index_cast %mul3A_177 : i32 to index
        %get3A_180 = tpu.vector_load %arg18[%get3A_179] {strides = array<i32>} : memref<10240xf32, #tpu.memory_space<vmem>>, vector<16xf32>,
        %add3A_181 = arith.addf %get3A_178, %get3A_180 : vector<16xf32>
        %swap3A = arith.index_cast %mul3A_177 : i32 to index
        %swap3A_182 = tpu.vector_load %arg17[%swap3A] {strides = array<i32>} : memref<10240xf32, #tpu.memory_space<vmem>>, vector<16xf32>,
        tpu.vector_store %arg17[%swap3A], %add3A_181 {strides = array<i32>} : memref<10240xf32, #tpu.memory_space<vmem>>, vector<16xf32>,
        %scan3A_183 = arith.constant 0 : i32
        scf.yield %scan3A_183 : i32
      }
      %scan3A_173 = arith.constant 640 : i32
      "tpu.region"() ({
        %run_scoped3A_174 = tpu.sem_alloc : memref<!tpu.dma_semaphore, #tpu.memory_space<semaphore_mem>>
        %dma_start3A_175 = arith.constant 0 : i32
        %dma_start3A_176 = tpu.memref_slice %arg21[%arg1, %dma_start3A_175] : memref<16x10240xf32, #tpu.memory_space<vmem_shared>> -> memref<1x10240xf32, #tpu.memory_space<vmem_shared>>
        %dma_start3A_177 = tpu.memref_squeeze %dma_start3A_176 : memref<1x10240xf32, #tpu.memory_space<vmem_shared>> -> memref<10240xf32, #tpu.memory_space<vmem_shared>>
        %dma_start3A_178 = arith.constant 0 : i32
        %dma_start3A_179 = tpu.memref_slice %arg21[%arg1, %dma_start3A_178] : memref<16x10240xf32, #tpu.memory_space<vmem_shared>> -> memref<1x10240xf32, #tpu.memory_space<vmem_shared>>
        %dma_start3A_180 = tpu.memref_squeeze %dma_start3A_179 : memref<1x10240xf32, #tpu.memory_space<vmem_shared>> -> memref<10240xf32, #tpu.memory_space<vmem_shared>>
        tpu.enqueue_dma source(%arg17 : memref<10240xf32, #tpu.memory_space<vmem>>) target(%dma_start3A_180 : memref<10240xf32, #tpu.memory_space<vmem_shared>>) target_semaphore(%run_scoped3A_174 : memref<!tpu.dma_semaphore, #tpu.memory_space<semaphore_mem>>)
        %dma_wait3A_181 = arith.constant 0 : i32
        %dma_wait3A_182 = tpu.memref_slice %arg21[%arg1, %dma_wait3A_181] : memref<16x10240xf32, #tpu.memory_space<vmem_shared>> -> memref<1x10240xf32, #tpu.memory_space<vmem_shared>>
        %dma_wait3A_183 = tpu.memref_squeeze %dma_wait3A_182 : memref<1x10240xf32, #tpu.memory_space<vmem_shared>> -> memref<10240xf32, #tpu.memory_space<vmem_shared>>
        %dma_wait3A_184 = arith.constant 0 : i32
        %dma_wait3A_185 = tpu.memref_slice %arg21[%arg1, %dma_wait3A_184] : memref<16x10240xf32, #tpu.memory_space<vmem_shared>> -> memref<1x10240xf32, #tpu.memory_space<vmem_shared>>
        %dma_wait3A_186 = tpu.memref_squeeze %dma_wait3A_185 : memref<1x10240xf32, #tpu.memory_space<vmem_shared>> -> memref<10240xf32, #tpu.memory_space<vmem_shared>>
        tpu.wait_dma2 semaphore(%run_scoped3A_174 : memref<!tpu.dma_semaphore, #tpu.memory_space<semaphore_mem>>) src(%arg17 : memref<10240xf32, #tpu.memory_space<vmem>>) dst(%dma_wait3A_186 : memref<10240xf32, #tpu.memory_space<vmem_shared>>)
        tpu.yield
      }) : () -> ()
    } else {
    }
    %barrier3A_65 = arith.constant 0 : index
    tpu.barrier barrier_id(%barrier3A_65)
    %lt3A_66 = arith.constant 2 : i32
    %lt3A_67 = arith.cmpi slt, %arg1, %lt3A_66 : i32
    %convert_element_type3A_68 = arith.extui %lt3A_67 : i1 to i32
    %cond3A_69 = arith.constant 0 : i32
    %cond3A_70 = arith.cmpi ne, %convert_element_type3A_68, %cond3A_69 : i32
    scf.if %cond3A_70 {
      %add3A_165 = arith.constant 2 : i32
      %add3A_166 = arith.addi %arg1, %add3A_165 : i32
      "tpu.region"() ({
        %run_scoped3A_174 = tpu.sem_alloc : memref<!tpu.dma_semaphore, #tpu.memory_space<semaphore_mem>>
        %dma_start3A_175 = arith.constant 0 : i32
        %dma_start3A_176 = tpu.memref_slice %arg21[%add3A_166, %dma_start3A_175] : memref<16x10240xf32, #tpu.memory_space<vmem_shared>> -> memref<1x10240xf32, #tpu.memory_space<vmem_shared>>
        %dma_start3A_177 = tpu.memref_squeeze %dma_start3A_176 : memref<1x10240xf32, #tpu.memory_space<vmem_shared>> -> memref<10240xf32, #tpu.memory_space<vmem_shared>>
        %dma_start3A_178 = arith.constant 0 : i32
        %dma_start3A_179 = tpu.memref_slice %arg21[%add3A_166, %dma_start3A_178] : memref<16x10240xf32, #tpu.memory_space<vmem_shared>> -> memref<1x10240xf32, #tpu.memory_space<vmem_shared>>
        %dma_start3A_180 = tpu.memref_squeeze %dma_start3A_179 : memref<1x10240xf32, #tpu.memory_space<vmem_shared>> -> memref<10240xf32, #tpu.memory_space<vmem_shared>>
        tpu.enqueue_dma source(%dma_start3A_180 : memref<10240xf32, #tpu.memory_space<vmem_shared>>) target(%arg18 : memref<10240xf32, #tpu.memory_space<vmem>>) target_semaphore(%run_scoped3A_174 : memref<!tpu.dma_semaphore, #tpu.memory_space<semaphore_mem>>)
        %dma_wait3A_181 = arith.constant 0 : i32
        %dma_wait3A_182 = tpu.memref_slice %arg21[%add3A_166, %dma_wait3A_181] : memref<16x10240xf32, #tpu.memory_space<vmem_shared>> -> memref<1x10240xf32, #tpu.memory_space<vmem_shared>>
        %dma_wait3A_183 = tpu.memref_squeeze %dma_wait3A_182 : memref<1x10240xf32, #tpu.memory_space<vmem_shared>> -> memref<10240xf32, #tpu.memory_space<vmem_shared>>
        %dma_wait3A_184 = arith.constant 0 : i32
        %dma_wait3A_185 = tpu.memref_slice %arg21[%add3A_166, %dma_wait3A_184] : memref<16x10240xf32, #tpu.memory_space<vmem_shared>> -> memref<1x10240xf32, #tpu.memory_space<vmem_shared>>
        %dma_wait3A_186 = tpu.memref_squeeze %dma_wait3A_185 : memref<1x10240xf32, #tpu.memory_space<vmem_shared>> -> memref<10240xf32, #tpu.memory_space<vmem_shared>>
        tpu.wait_dma2 semaphore(%run_scoped3A_174 : memref<!tpu.dma_semaphore, #tpu.memory_space<semaphore_mem>>) src(%dma_wait3A_186 : memref<10240xf32, #tpu.memory_space<vmem_shared>>) dst(%arg18 : memref<10240xf32, #tpu.memory_space<vmem>>)
        tpu.yield
      }) : () -> ()
      %scan3A_167 = arith.constant 0 : i32
      %scan3A_168 = arith.constant 0 : i32
      %scan3A_169 = arith.constant 640 : i32
      %scan3A_170 = arith.addi %scan3A_168, %scan3A_169 : i32
      %scan3A_171 = arith.constant 1 : i32
      %scan3A_172 = scf.for %scan3A_174 = %scan3A_168 to %scan3A_170 step %scan3A_171 iter_args(%scan3A_175 = %scan3A_167) -> (i32)  : i32 {
        %mul3A_176 = arith.constant 16 : i32
        %mul3A_177 = arith.muli %scan3A_174, %mul3A_176 : i32
        %get3A = arith.index_cast %mul3A_177 : i32 to index
        %get3A_178 = tpu.vector_load %arg17[%get3A] {strides = array<i32>} : memref<10240xf32, #tpu.memory_space<vmem>>, vector<16xf32>,
        %get3A_179 = arith.index_cast %mul3A_177 : i32 to index
        %get3A_180 = tpu.vector_load %arg18[%get3A_179] {strides = array<i32>} : memref<10240xf32, #tpu.memory_space<vmem>>, vector<16xf32>,
        %add3A_181 = arith.addf %get3A_178, %get3A_180 : vector<16xf32>
        %swap3A = arith.index_cast %mul3A_177 : i32 to index
        %swap3A_182 = tpu.vector_load %arg17[%swap3A] {strides = array<i32>} : memref<10240xf32, #tpu.memory_space<vmem>>, vector<16xf32>,
        tpu.vector_store %arg17[%swap3A], %add3A_181 {strides = array<i32>} : memref<10240xf32, #tpu.memory_space<vmem>>, vector<16xf32>,
        %scan3A_183 = arith.constant 0 : i32
        scf.yield %scan3A_183 : i32
      }
      %scan3A_173 = arith.constant 640 : i32
      "tpu.region"() ({
        %run_scoped3A_174 = tpu.sem_alloc : memref<!tpu.dma_semaphore, #tpu.memory_space<semaphore_mem>>
        %dma_start3A_175 = arith.constant 0 : i32
        %dma_start3A_176 = tpu.memref_slice %arg21[%arg1, %dma_start3A_175] : memref<16x10240xf32, #tpu.memory_space<vmem_shared>> -> memref<1x10240xf32, #tpu.memory_space<vmem_shared>>
        %dma_start3A_177 = tpu.memref_squeeze %dma_start3A_176 : memref<1x10240xf32, #tpu.memory_space<vmem_shared>> -> memref<10240xf32, #tpu.memory_space<vmem_shared>>
        %dma_start3A_178 = arith.constant 0 : i32
        %dma_start3A_179 = tpu.memref_slice %arg21[%arg1, %dma_start3A_178] : memref<16x10240xf32, #tpu.memory_space<vmem_shared>> -> memref<1x10240xf32, #tpu.memory_space<vmem_shared>>
        %dma_start3A_180 = tpu.memref_squeeze %dma_start3A_179 : memref<1x10240xf32, #tpu.memory_space<vmem_shared>> -> memref<10240xf32, #tpu.memory_space<vmem_shared>>
        tpu.enqueue_dma source(%arg17 : memref<10240xf32, #tpu.memory_space<vmem>>) target(%dma_start3A_180 : memref<10240xf32, #tpu.memory_space<vmem_shared>>) target_semaphore(%run_scoped3A_174 : memref<!tpu.dma_semaphore, #tpu.memory_space<semaphore_mem>>)
        %dma_wait3A_181 = arith.constant 0 : i32
        %dma_wait3A_182 = tpu.memref_slice %arg21[%arg1, %dma_wait3A_181] : memref<16x10240xf32, #tpu.memory_space<vmem_shared>> -> memref<1x10240xf32, #tpu.memory_space<vmem_shared>>
        %dma_wait3A_183 = tpu.memref_squeeze %dma_wait3A_182 : memref<1x10240xf32, #tpu.memory_space<vmem_shared>> -> memref<10240xf32, #tpu.memory_space<vmem_shared>>
        %dma_wait3A_184 = arith.constant 0 : i32
        %dma_wait3A_185 = tpu.memref_slice %arg21[%arg1, %dma_wait3A_184] : memref<16x10240xf32, #tpu.memory_space<vmem_shared>> -> memref<1x10240xf32, #tpu.memory_space<vmem_shared>>
        %dma_wait3A_186 = tpu.memref_squeeze %dma_wait3A_185 : memref<1x10240xf32, #tpu.memory_space<vmem_shared>> -> memref<10240xf32, #tpu.memory_space<vmem_shared>>
        tpu.wait_dma2 semaphore(%run_scoped3A_174 : memref<!tpu.dma_semaphore, #tpu.memory_space<semaphore_mem>>) src(%arg17 : memref<10240xf32, #tpu.memory_space<vmem>>) dst(%dma_wait3A_186 : memref<10240xf32, #tpu.memory_space<vmem_shared>>)
        tpu.yield
      }) : () -> ()
    } else {
    }
    %barrier3A_71 = arith.constant 0 : index
    tpu.barrier barrier_id(%barrier3A_71)
    %lt3A_72 = arith.constant 1 : i32
    %lt3A_73 = arith.cmpi slt, %arg1, %lt3A_72 : i32
    %convert_element_type3A_74 = arith.extui %lt3A_73 : i1 to i32
    %cond3A_75 = arith.constant 0 : i32
    %cond3A_76 = arith.cmpi ne, %convert_element_type3A_74, %cond3A_75 : i32
    scf.if %cond3A_76 {
      %add3A_165 = arith.constant 1 : i32
      %add3A_166 = arith.addi %arg1, %add3A_165 : i32
      "tpu.region"() ({
        %run_scoped3A_174 = tpu.sem_alloc : memref<!tpu.dma_semaphore, #tpu.memory_space<semaphore_mem>>
        %dma_start3A_175 = arith.constant 0 : i32
        %dma_start3A_176 = tpu.memref_slice %arg21[%add3A_166, %dma_start3A_175] : memref<16x10240xf32, #tpu.memory_space<vmem_shared>> -> memref<1x10240xf32, #tpu.memory_space<vmem_shared>>
        %dma_start3A_177 = tpu.memref_squeeze %dma_start3A_176 : memref<1x10240xf32, #tpu.memory_space<vmem_shared>> -> memref<10240xf32, #tpu.memory_space<vmem_shared>>
        %dma_start3A_178 = arith.constant 0 : i32
        %dma_start3A_179 = tpu.memref_slice %arg21[%add3A_166, %dma_start3A_178] : memref<16x10240xf32, #tpu.memory_space<vmem_shared>> -> memref<1x10240xf32, #tpu.memory_space<vmem_shared>>
        %dma_start3A_180 = tpu.memref_squeeze %dma_start3A_179 : memref<1x10240xf32, #tpu.memory_space<vmem_shared>> -> memref<10240xf32, #tpu.memory_space<vmem_shared>>
        tpu.enqueue_dma source(%dma_start3A_180 : memref<10240xf32, #tpu.memory_space<vmem_shared>>) target(%arg18 : memref<10240xf32, #tpu.memory_space<vmem>>) target_semaphore(%run_scoped3A_174 : memref<!tpu.dma_semaphore, #tpu.memory_space<semaphore_mem>>)
        %dma_wait3A_181 = arith.constant 0 : i32
        %dma_wait3A_182 = tpu.memref_slice %arg21[%add3A_166, %dma_wait3A_181] : memref<16x10240xf32, #tpu.memory_space<vmem_shared>> -> memref<1x10240xf32, #tpu.memory_space<vmem_shared>>
        %dma_wait3A_183 = tpu.memref_squeeze %dma_wait3A_182 : memref<1x10240xf32, #tpu.memory_space<vmem_shared>> -> memref<10240xf32, #tpu.memory_space<vmem_shared>>
        %dma_wait3A_184 = arith.constant 0 : i32
        %dma_wait3A_185 = tpu.memref_slice %arg21[%add3A_166, %dma_wait3A_184] : memref<16x10240xf32, #tpu.memory_space<vmem_shared>> -> memref<1x10240xf32, #tpu.memory_space<vmem_shared>>
        %dma_wait3A_186 = tpu.memref_squeeze %dma_wait3A_185 : memref<1x10240xf32, #tpu.memory_space<vmem_shared>> -> memref<10240xf32, #tpu.memory_space<vmem_shared>>
        tpu.wait_dma2 semaphore(%run_scoped3A_174 : memref<!tpu.dma_semaphore, #tpu.memory_space<semaphore_mem>>) src(%dma_wait3A_186 : memref<10240xf32, #tpu.memory_space<vmem_shared>>) dst(%arg18 : memref<10240xf32, #tpu.memory_space<vmem>>)
        tpu.yield
      }) : () -> ()
      %scan3A_167 = arith.constant 0 : i32
      %scan3A_168 = arith.constant 0 : i32
      %scan3A_169 = arith.constant 640 : i32
      %scan3A_170 = arith.addi %scan3A_168, %scan3A_169 : i32
      %scan3A_171 = arith.constant 1 : i32
      %scan3A_172 = scf.for %scan3A_174 = %scan3A_168 to %scan3A_170 step %scan3A_171 iter_args(%scan3A_175 = %scan3A_167) -> (i32)  : i32 {
        %mul3A_176 = arith.constant 16 : i32
        %mul3A_177 = arith.muli %scan3A_174, %mul3A_176 : i32
        %get3A = arith.index_cast %mul3A_177 : i32 to index
        %get3A_178 = tpu.vector_load %arg17[%get3A] {strides = array<i32>} : memref<10240xf32, #tpu.memory_space<vmem>>, vector<16xf32>,
        %get3A_179 = arith.index_cast %mul3A_177 : i32 to index
        %get3A_180 = tpu.vector_load %arg18[%get3A_179] {strides = array<i32>} : memref<10240xf32, #tpu.memory_space<vmem>>, vector<16xf32>,
        %add3A_181 = arith.addf %get3A_178, %get3A_180 : vector<16xf32>
        %swap3A = arith.index_cast %mul3A_177 : i32 to index
        %swap3A_182 = tpu.vector_load %arg17[%swap3A] {strides = array<i32>} : memref<10240xf32, #tpu.memory_space<vmem>>, vector<16xf32>,
        tpu.vector_store %arg17[%swap3A], %add3A_181 {strides = array<i32>} : memref<10240xf32, #tpu.memory_space<vmem>>, vector<16xf32>,
        %scan3A_183 = arith.constant 0 : i32
        scf.yield %scan3A_183 : i32
      }
      %scan3A_173 = arith.constant 640 : i32
      "tpu.region"() ({
        %run_scoped3A_174 = tpu.sem_alloc : memref<!tpu.dma_semaphore, #tpu.memory_space<semaphore_mem>>
        %dma_start3A_175 = arith.constant 0 : i32
        %dma_start3A_176 = tpu.memref_slice %arg21[%arg1, %dma_start3A_175] : memref<16x10240xf32, #tpu.memory_space<vmem_shared>> -> memref<1x10240xf32, #tpu.memory_space<vmem_shared>>
        %dma_start3A_177 = tpu.memref_squeeze %dma_start3A_176 : memref<1x10240xf32, #tpu.memory_space<vmem_shared>> -> memref<10240xf32, #tpu.memory_space<vmem_shared>>
        %dma_start3A_178 = arith.constant 0 : i32
        %dma_start3A_179 = tpu.memref_slice %arg21[%arg1, %dma_start3A_178] : memref<16x10240xf32, #tpu.memory_space<vmem_shared>> -> memref<1x10240xf32, #tpu.memory_space<vmem_shared>>
        %dma_start3A_180 = tpu.memref_squeeze %dma_start3A_179 : memref<1x10240xf32, #tpu.memory_space<vmem_shared>> -> memref<10240xf32, #tpu.memory_space<vmem_shared>>
        tpu.enqueue_dma source(%arg17 : memref<10240xf32, #tpu.memory_space<vmem>>) target(%dma_start3A_180 : memref<10240xf32, #tpu.memory_space<vmem_shared>>) target_semaphore(%run_scoped3A_174 : memref<!tpu.dma_semaphore, #tpu.memory_space<semaphore_mem>>)
        %dma_wait3A_181 = arith.constant 0 : i32
        %dma_wait3A_182 = tpu.memref_slice %arg21[%arg1, %dma_wait3A_181] : memref<16x10240xf32, #tpu.memory_space<vmem_shared>> -> memref<1x10240xf32, #tpu.memory_space<vmem_shared>>
        %dma_wait3A_183 = tpu.memref_squeeze %dma_wait3A_182 : memref<1x10240xf32, #tpu.memory_space<vmem_shared>> -> memref<10240xf32, #tpu.memory_space<vmem_shared>>
        %dma_wait3A_184 = arith.constant 0 : i32
        %dma_wait3A_185 = tpu.memref_slice %arg21[%arg1, %dma_wait3A_184] : memref<16x10240xf32, #tpu.memory_space<vmem_shared>> -> memref<1x10240xf32, #tpu.memory_space<vmem_shared>>
        %dma_wait3A_186 = tpu.memref_squeeze %dma_wait3A_185 : memref<1x10240xf32, #tpu.memory_space<vmem_shared>> -> memref<10240xf32, #tpu.memory_space<vmem_shared>>
        tpu.wait_dma2 semaphore(%run_scoped3A_174 : memref<!tpu.dma_semaphore, #tpu.memory_space<semaphore_mem>>) src(%arg17 : memref<10240xf32, #tpu.memory_space<vmem>>) dst(%dma_wait3A_186 : memref<10240xf32, #tpu.memory_space<vmem_shared>>)
        tpu.yield
      }) : () -> ()
    } else {
    }
    %barrier3A_77 = arith.constant 0 : index
    tpu.barrier barrier_id(%barrier3A_77)
    "tpu.region"() ({
      %run_scoped3A_165 = tpu.sem_alloc : memref<!tpu.dma_semaphore, #tpu.memory_space<semaphore_mem>>
      %dma_start3A_166 = arith.constant 0 : i32
      %dma_start3A_167 = tpu.memref_slice %arg22[%arg1, %dma_start3A_166] : memref<16x2048xf32, #tpu.memory_space<vmem_shared>> -> memref<1x2048xf32, #tpu.memory_space<vmem_shared>>
      %dma_start3A_168 = tpu.memref_squeeze %dma_start3A_167 : memref<1x2048xf32, #tpu.memory_space<vmem_shared>> -> memref<2048xf32, #tpu.memory_space<vmem_shared>>
      %dma_start3A_169 = arith.constant 0 : i32
      %dma_start3A_170 = tpu.memref_slice %arg22[%arg1, %dma_start3A_169] : memref<16x2048xf32, #tpu.memory_space<vmem_shared>> -> memref<1x2048xf32, #tpu.memory_space<vmem_shared>>
      %dma_start3A_171 = tpu.memref_squeeze %dma_start3A_170 : memref<1x2048xf32, #tpu.memory_space<vmem_shared>> -> memref<2048xf32, #tpu.memory_space<vmem_shared>>
      tpu.enqueue_dma source(%arg19 : memref<2048xf32, #tpu.memory_space<vmem>>) target(%dma_start3A_171 : memref<2048xf32, #tpu.memory_space<vmem_shared>>) target_semaphore(%run_scoped3A_165 : memref<!tpu.dma_semaphore, #tpu.memory_space<semaphore_mem>>)
      %dma_wait3A_172 = arith.constant 0 : i32
      %dma_wait3A_173 = tpu.memref_slice %arg22[%arg1, %dma_wait3A_172] : memref<16x2048xf32, #tpu.memory_space<vmem_shared>> -> memref<1x2048xf32, #tpu.memory_space<vmem_shared>>
      %dma_wait3A_174 = tpu.memref_squeeze %dma_wait3A_173 : memref<1x2048xf32, #tpu.memory_space<vmem_shared>> -> memref<2048xf32, #tpu.memory_space<vmem_shared>>
      %dma_wait3A_175 = arith.constant 0 : i32
      %dma_wait3A_176 = tpu.memref_slice %arg22[%arg1, %dma_wait3A_175] : memref<16x2048xf32, #tpu.memory_space<vmem_shared>> -> memref<1x2048xf32, #tpu.memory_space<vmem_shared>>
      %dma_wait3A_177 = tpu.memref_squeeze %dma_wait3A_176 : memref<1x2048xf32, #tpu.memory_space<vmem_shared>> -> memref<2048xf32, #tpu.memory_space<vmem_shared>>
      tpu.wait_dma2 semaphore(%run_scoped3A_165 : memref<!tpu.dma_semaphore, #tpu.memory_space<semaphore_mem>>) src(%arg19 : memref<2048xf32, #tpu.memory_space<vmem>>) dst(%dma_wait3A_177 : memref<2048xf32, #tpu.memory_space<vmem_shared>>)
      tpu.yield
    }) : () -> ()
    %barrier3A_78 = arith.constant 0 : index
    tpu.barrier barrier_id(%barrier3A_78)
    %lt3A_79 = arith.constant 8 : i32
    %lt3A_80 = arith.cmpi slt, %arg1, %lt3A_79 : i32
    %convert_element_type3A_81 = arith.extui %lt3A_80 : i1 to i32
    %cond3A_82 = arith.constant 0 : i32
    %cond3A_83 = arith.cmpi ne, %convert_element_type3A_81, %cond3A_82 : i32
    scf.if %cond3A_83 {
      %add3A_165 = arith.constant 8 : i32
      %add3A_166 = arith.addi %arg1, %add3A_165 : i32
      "tpu.region"() ({
        %run_scoped3A_174 = tpu.sem_alloc : memref<!tpu.dma_semaphore, #tpu.memory_space<semaphore_mem>>
        %dma_start3A_175 = arith.constant 0 : i32
        %dma_start3A_176 = tpu.memref_slice %arg22[%add3A_166, %dma_start3A_175] : memref<16x2048xf32, #tpu.memory_space<vmem_shared>> -> memref<1x2048xf32, #tpu.memory_space<vmem_shared>>
        %dma_start3A_177 = tpu.memref_squeeze %dma_start3A_176 : memref<1x2048xf32, #tpu.memory_space<vmem_shared>> -> memref<2048xf32, #tpu.memory_space<vmem_shared>>
        %dma_start3A_178 = arith.constant 0 : i32
        %dma_start3A_179 = tpu.memref_slice %arg22[%add3A_166, %dma_start3A_178] : memref<16x2048xf32, #tpu.memory_space<vmem_shared>> -> memref<1x2048xf32, #tpu.memory_space<vmem_shared>>
        %dma_start3A_180 = tpu.memref_squeeze %dma_start3A_179 : memref<1x2048xf32, #tpu.memory_space<vmem_shared>> -> memref<2048xf32, #tpu.memory_space<vmem_shared>>
        tpu.enqueue_dma source(%dma_start3A_180 : memref<2048xf32, #tpu.memory_space<vmem_shared>>) target(%arg20 : memref<2048xf32, #tpu.memory_space<vmem>>) target_semaphore(%run_scoped3A_174 : memref<!tpu.dma_semaphore, #tpu.memory_space<semaphore_mem>>)
        %dma_wait3A_181 = arith.constant 0 : i32
        %dma_wait3A_182 = tpu.memref_slice %arg22[%add3A_166, %dma_wait3A_181] : memref<16x2048xf32, #tpu.memory_space<vmem_shared>> -> memref<1x2048xf32, #tpu.memory_space<vmem_shared>>
        %dma_wait3A_183 = tpu.memref_squeeze %dma_wait3A_182 : memref<1x2048xf32, #tpu.memory_space<vmem_shared>> -> memref<2048xf32, #tpu.memory_space<vmem_shared>>
        %dma_wait3A_184 = arith.constant 0 : i32
        %dma_wait3A_185 = tpu.memref_slice %arg22[%add3A_166, %dma_wait3A_184] : memref<16x2048xf32, #tpu.memory_space<vmem_shared>> -> memref<1x2048xf32, #tpu.memory_space<vmem_shared>>
        %dma_wait3A_186 = tpu.memref_squeeze %dma_wait3A_185 : memref<1x2048xf32, #tpu.memory_space<vmem_shared>> -> memref<2048xf32, #tpu.memory_space<vmem_shared>>
        tpu.wait_dma2 semaphore(%run_scoped3A_174 : memref<!tpu.dma_semaphore, #tpu.memory_space<semaphore_mem>>) src(%dma_wait3A_186 : memref<2048xf32, #tpu.memory_space<vmem_shared>>) dst(%arg20 : memref<2048xf32, #tpu.memory_space<vmem>>)
        tpu.yield
      }) : () -> ()
      %scan3A_167 = arith.constant 0 : i32
      %scan3A_168 = arith.constant 0 : i32
      %scan3A_169 = arith.constant 128 : i32
      %scan3A_170 = arith.addi %scan3A_168, %scan3A_169 : i32
      %scan3A_171 = arith.constant 1 : i32
      %scan3A_172 = scf.for %scan3A_174 = %scan3A_168 to %scan3A_170 step %scan3A_171 iter_args(%scan3A_175 = %scan3A_167) -> (i32)  : i32 {
        %mul3A_176 = arith.constant 16 : i32
        %mul3A_177 = arith.muli %scan3A_174, %mul3A_176 : i32
        %get3A = arith.index_cast %mul3A_177 : i32 to index
        %get3A_178 = tpu.vector_load %arg19[%get3A] {strides = array<i32>} : memref<2048xf32, #tpu.memory_space<vmem>>, vector<16xf32>,
        %get3A_179 = arith.index_cast %mul3A_177 : i32 to index
        %get3A_180 = tpu.vector_load %arg20[%get3A_179] {strides = array<i32>} : memref<2048xf32, #tpu.memory_space<vmem>>, vector<16xf32>,
        %add3A_181 = arith.addf %get3A_178, %get3A_180 : vector<16xf32>
        %swap3A = arith.index_cast %mul3A_177 : i32 to index
        %swap3A_182 = tpu.vector_load %arg19[%swap3A] {strides = array<i32>} : memref<2048xf32, #tpu.memory_space<vmem>>, vector<16xf32>,
        tpu.vector_store %arg19[%swap3A], %add3A_181 {strides = array<i32>} : memref<2048xf32, #tpu.memory_space<vmem>>, vector<16xf32>,
        %scan3A_183 = arith.constant 0 : i32
        scf.yield %scan3A_183 : i32
      }
      %scan3A_173 = arith.constant 128 : i32
      "tpu.region"() ({
        %run_scoped3A_174 = tpu.sem_alloc : memref<!tpu.dma_semaphore, #tpu.memory_space<semaphore_mem>>
        %dma_start3A_175 = arith.constant 0 : i32
        %dma_start3A_176 = tpu.memref_slice %arg22[%arg1, %dma_start3A_175] : memref<16x2048xf32, #tpu.memory_space<vmem_shared>> -> memref<1x2048xf32, #tpu.memory_space<vmem_shared>>
        %dma_start3A_177 = tpu.memref_squeeze %dma_start3A_176 : memref<1x2048xf32, #tpu.memory_space<vmem_shared>> -> memref<2048xf32, #tpu.memory_space<vmem_shared>>
        %dma_start3A_178 = arith.constant 0 : i32
        %dma_start3A_179 = tpu.memref_slice %arg22[%arg1, %dma_start3A_178] : memref<16x2048xf32, #tpu.memory_space<vmem_shared>> -> memref<1x2048xf32, #tpu.memory_space<vmem_shared>>
        %dma_start3A_180 = tpu.memref_squeeze %dma_start3A_179 : memref<1x2048xf32, #tpu.memory_space<vmem_shared>> -> memref<2048xf32, #tpu.memory_space<vmem_shared>>
        tpu.enqueue_dma source(%arg19 : memref<2048xf32, #tpu.memory_space<vmem>>) target(%dma_start3A_180 : memref<2048xf32, #tpu.memory_space<vmem_shared>>) target_semaphore(%run_scoped3A_174 : memref<!tpu.dma_semaphore, #tpu.memory_space<semaphore_mem>>)
        %dma_wait3A_181 = arith.constant 0 : i32
        %dma_wait3A_182 = tpu.memref_slice %arg22[%arg1, %dma_wait3A_181] : memref<16x2048xf32, #tpu.memory_space<vmem_shared>> -> memref<1x2048xf32, #tpu.memory_space<vmem_shared>>
        %dma_wait3A_183 = tpu.memref_squeeze %dma_wait3A_182 : memref<1x2048xf32, #tpu.memory_space<vmem_shared>> -> memref<2048xf32, #tpu.memory_space<vmem_shared>>
        %dma_wait3A_184 = arith.constant 0 : i32
        %dma_wait3A_185 = tpu.memref_slice %arg22[%arg1, %dma_wait3A_184] : memref<16x2048xf32, #tpu.memory_space<vmem_shared>> -> memref<1x2048xf32, #tpu.memory_space<vmem_shared>>
        %dma_wait3A_186 = tpu.memref_squeeze %dma_wait3A_185 : memref<1x2048xf32, #tpu.memory_space<vmem_shared>> -> memref<2048xf32, #tpu.memory_space<vmem_shared>>
        tpu.wait_dma2 semaphore(%run_scoped3A_174 : memref<!tpu.dma_semaphore, #tpu.memory_space<semaphore_mem>>) src(%arg19 : memref<2048xf32, #tpu.memory_space<vmem>>) dst(%dma_wait3A_186 : memref<2048xf32, #tpu.memory_space<vmem_shared>>)
        tpu.yield
      }) : () -> ()
    } else {
    }
    %barrier3A_84 = arith.constant 0 : index
    tpu.barrier barrier_id(%barrier3A_84)
    %lt3A_85 = arith.constant 4 : i32
    %lt3A_86 = arith.cmpi slt, %arg1, %lt3A_85 : i32
    %convert_element_type3A_87 = arith.extui %lt3A_86 : i1 to i32
    %cond3A_88 = arith.constant 0 : i32
    %cond3A_89 = arith.cmpi ne, %convert_element_type3A_87, %cond3A_88 : i32
    scf.if %cond3A_89 {
      %add3A_165 = arith.constant 4 : i32
      %add3A_166 = arith.addi %arg1, %add3A_165 : i32
      "tpu.region"() ({
        %run_scoped3A_174 = tpu.sem_alloc : memref<!tpu.dma_semaphore, #tpu.memory_space<semaphore_mem>>
        %dma_start3A_175 = arith.constant 0 : i32
        %dma_start3A_176 = tpu.memref_slice %arg22[%add3A_166, %dma_start3A_175] : memref<16x2048xf32, #tpu.memory_space<vmem_shared>> -> memref<1x2048xf32, #tpu.memory_space<vmem_shared>>
        %dma_start3A_177 = tpu.memref_squeeze %dma_start3A_176 : memref<1x2048xf32, #tpu.memory_space<vmem_shared>> -> memref<2048xf32, #tpu.memory_space<vmem_shared>>
        %dma_start3A_178 = arith.constant 0 : i32
        %dma_start3A_179 = tpu.memref_slice %arg22[%add3A_166, %dma_start3A_178] : memref<16x2048xf32, #tpu.memory_space<vmem_shared>> -> memref<1x2048xf32, #tpu.memory_space<vmem_shared>>
        %dma_start3A_180 = tpu.memref_squeeze %dma_start3A_179 : memref<1x2048xf32, #tpu.memory_space<vmem_shared>> -> memref<2048xf32, #tpu.memory_space<vmem_shared>>
        tpu.enqueue_dma source(%dma_start3A_180 : memref<2048xf32, #tpu.memory_space<vmem_shared>>) target(%arg20 : memref<2048xf32, #tpu.memory_space<vmem>>) target_semaphore(%run_scoped3A_174 : memref<!tpu.dma_semaphore, #tpu.memory_space<semaphore_mem>>)
        %dma_wait3A_181 = arith.constant 0 : i32
        %dma_wait3A_182 = tpu.memref_slice %arg22[%add3A_166, %dma_wait3A_181] : memref<16x2048xf32, #tpu.memory_space<vmem_shared>> -> memref<1x2048xf32, #tpu.memory_space<vmem_shared>>
        %dma_wait3A_183 = tpu.memref_squeeze %dma_wait3A_182 : memref<1x2048xf32, #tpu.memory_space<vmem_shared>> -> memref<2048xf32, #tpu.memory_space<vmem_shared>>
        %dma_wait3A_184 = arith.constant 0 : i32
        %dma_wait3A_185 = tpu.memref_slice %arg22[%add3A_166, %dma_wait3A_184] : memref<16x2048xf32, #tpu.memory_space<vmem_shared>> -> memref<1x2048xf32, #tpu.memory_space<vmem_shared>>
        %dma_wait3A_186 = tpu.memref_squeeze %dma_wait3A_185 : memref<1x2048xf32, #tpu.memory_space<vmem_shared>> -> memref<2048xf32, #tpu.memory_space<vmem_shared>>
        tpu.wait_dma2 semaphore(%run_scoped3A_174 : memref<!tpu.dma_semaphore, #tpu.memory_space<semaphore_mem>>) src(%dma_wait3A_186 : memref<2048xf32, #tpu.memory_space<vmem_shared>>) dst(%arg20 : memref<2048xf32, #tpu.memory_space<vmem>>)
        tpu.yield
      }) : () -> ()
      %scan3A_167 = arith.constant 0 : i32
      %scan3A_168 = arith.constant 0 : i32
      %scan3A_169 = arith.constant 128 : i32
      %scan3A_170 = arith.addi %scan3A_168, %scan3A_169 : i32
      %scan3A_171 = arith.constant 1 : i32
      %scan3A_172 = scf.for %scan3A_174 = %scan3A_168 to %scan3A_170 step %scan3A_171 iter_args(%scan3A_175 = %scan3A_167) -> (i32)  : i32 {
        %mul3A_176 = arith.constant 16 : i32
        %mul3A_177 = arith.muli %scan3A_174, %mul3A_176 : i32
        %get3A = arith.index_cast %mul3A_177 : i32 to index
        %get3A_178 = tpu.vector_load %arg19[%get3A] {strides = array<i32>} : memref<2048xf32, #tpu.memory_space<vmem>>, vector<16xf32>,
        %get3A_179 = arith.index_cast %mul3A_177 : i32 to index
        %get3A_180 = tpu.vector_load %arg20[%get3A_179] {strides = array<i32>} : memref<2048xf32, #tpu.memory_space<vmem>>, vector<16xf32>,
        %add3A_181 = arith.addf %get3A_178, %get3A_180 : vector<16xf32>
        %swap3A = arith.index_cast %mul3A_177 : i32 to index
        %swap3A_182 = tpu.vector_load %arg19[%swap3A] {strides = array<i32>} : memref<2048xf32, #tpu.memory_space<vmem>>, vector<16xf32>,
        tpu.vector_store %arg19[%swap3A], %add3A_181 {strides = array<i32>} : memref<2048xf32, #tpu.memory_space<vmem>>, vector<16xf32>,
        %scan3A_183 = arith.constant 0 : i32
        scf.yield %scan3A_183 : i32
      }
      %scan3A_173 = arith.constant 128 : i32
      "tpu.region"() ({
        %run_scoped3A_174 = tpu.sem_alloc : memref<!tpu.dma_semaphore, #tpu.memory_space<semaphore_mem>>
        %dma_start3A_175 = arith.constant 0 : i32
        %dma_start3A_176 = tpu.memref_slice %arg22[%arg1, %dma_start3A_175] : memref<16x2048xf32, #tpu.memory_space<vmem_shared>> -> memref<1x2048xf32, #tpu.memory_space<vmem_shared>>
        %dma_start3A_177 = tpu.memref_squeeze %dma_start3A_176 : memref<1x2048xf32, #tpu.memory_space<vmem_shared>> -> memref<2048xf32, #tpu.memory_space<vmem_shared>>
        %dma_start3A_178 = arith.constant 0 : i32
        %dma_start3A_179 = tpu.memref_slice %arg22[%arg1, %dma_start3A_178] : memref<16x2048xf32, #tpu.memory_space<vmem_shared>> -> memref<1x2048xf32, #tpu.memory_space<vmem_shared>>
        %dma_start3A_180 = tpu.memref_squeeze %dma_start3A_179 : memref<1x2048xf32, #tpu.memory_space<vmem_shared>> -> memref<2048xf32, #tpu.memory_space<vmem_shared>>
        tpu.enqueue_dma source(%arg19 : memref<2048xf32, #tpu.memory_space<vmem>>) target(%dma_start3A_180 : memref<2048xf32, #tpu.memory_space<vmem_shared>>) target_semaphore(%run_scoped3A_174 : memref<!tpu.dma_semaphore, #tpu.memory_space<semaphore_mem>>)
        %dma_wait3A_181 = arith.constant 0 : i32
        %dma_wait3A_182 = tpu.memref_slice %arg22[%arg1, %dma_wait3A_181] : memref<16x2048xf32, #tpu.memory_space<vmem_shared>> -> memref<1x2048xf32, #tpu.memory_space<vmem_shared>>
        %dma_wait3A_183 = tpu.memref_squeeze %dma_wait3A_182 : memref<1x2048xf32, #tpu.memory_space<vmem_shared>> -> memref<2048xf32, #tpu.memory_space<vmem_shared>>
        %dma_wait3A_184 = arith.constant 0 : i32
        %dma_wait3A_185 = tpu.memref_slice %arg22[%arg1, %dma_wait3A_184] : memref<16x2048xf32, #tpu.memory_space<vmem_shared>> -> memref<1x2048xf32, #tpu.memory_space<vmem_shared>>
        %dma_wait3A_186 = tpu.memref_squeeze %dma_wait3A_185 : memref<1x2048xf32, #tpu.memory_space<vmem_shared>> -> memref<2048xf32, #tpu.memory_space<vmem_shared>>
        tpu.wait_dma2 semaphore(%run_scoped3A_174 : memref<!tpu.dma_semaphore, #tpu.memory_space<semaphore_mem>>) src(%arg19 : memref<2048xf32, #tpu.memory_space<vmem>>) dst(%dma_wait3A_186 : memref<2048xf32, #tpu.memory_space<vmem_shared>>)
        tpu.yield
      }) : () -> ()
    } else {
    }
    %barrier3A_90 = arith.constant 0 : index
    tpu.barrier barrier_id(%barrier3A_90)
    %lt3A_91 = arith.constant 2 : i32
    %lt3A_92 = arith.cmpi slt, %arg1, %lt3A_91 : i32
    %convert_element_type3A_93 = arith.extui %lt3A_92 : i1 to i32
    %cond3A_94 = arith.constant 0 : i32
    %cond3A_95 = arith.cmpi ne, %convert_element_type3A_93, %cond3A_94 : i32
    scf.if %cond3A_95 {
      %add3A_165 = arith.constant 2 : i32
      %add3A_166 = arith.addi %arg1, %add3A_165 : i32
      "tpu.region"() ({
        %run_scoped3A_174 = tpu.sem_alloc : memref<!tpu.dma_semaphore, #tpu.memory_space<semaphore_mem>>
        %dma_start3A_175 = arith.constant 0 : i32
        %dma_start3A_176 = tpu.memref_slice %arg22[%add3A_166, %dma_start3A_175] : memref<16x2048xf32, #tpu.memory_space<vmem_shared>> -> memref<1x2048xf32, #tpu.memory_space<vmem_shared>>
        %dma_start3A_177 = tpu.memref_squeeze %dma_start3A_176 : memref<1x2048xf32, #tpu.memory_space<vmem_shared>> -> memref<2048xf32, #tpu.memory_space<vmem_shared>>
        %dma_start3A_178 = arith.constant 0 : i32
        %dma_start3A_179 = tpu.memref_slice %arg22[%add3A_166, %dma_start3A_178] : memref<16x2048xf32, #tpu.memory_space<vmem_shared>> -> memref<1x2048xf32, #tpu.memory_space<vmem_shared>>
        %dma_start3A_180 = tpu.memref_squeeze %dma_start3A_179 : memref<1x2048xf32, #tpu.memory_space<vmem_shared>> -> memref<2048xf32, #tpu.memory_space<vmem_shared>>
        tpu.enqueue_dma source(%dma_start3A_180 : memref<2048xf32, #tpu.memory_space<vmem_shared>>) target(%arg20 : memref<2048xf32, #tpu.memory_space<vmem>>) target_semaphore(%run_scoped3A_174 : memref<!tpu.dma_semaphore, #tpu.memory_space<semaphore_mem>>)
        %dma_wait3A_181 = arith.constant 0 : i32
        %dma_wait3A_182 = tpu.memref_slice %arg22[%add3A_166, %dma_wait3A_181] : memref<16x2048xf32, #tpu.memory_space<vmem_shared>> -> memref<1x2048xf32, #tpu.memory_space<vmem_shared>>
        %dma_wait3A_183 = tpu.memref_squeeze %dma_wait3A_182 : memref<1x2048xf32, #tpu.memory_space<vmem_shared>> -> memref<2048xf32, #tpu.memory_space<vmem_shared>>
        %dma_wait3A_184 = arith.constant 0 : i32
        %dma_wait3A_185 = tpu.memref_slice %arg22[%add3A_166, %dma_wait3A_184] : memref<16x2048xf32, #tpu.memory_space<vmem_shared>> -> memref<1x2048xf32, #tpu.memory_space<vmem_shared>>
        %dma_wait3A_186 = tpu.memref_squeeze %dma_wait3A_185 : memref<1x2048xf32, #tpu.memory_space<vmem_shared>> -> memref<2048xf32, #tpu.memory_space<vmem_shared>>
        tpu.wait_dma2 semaphore(%run_scoped3A_174 : memref<!tpu.dma_semaphore, #tpu.memory_space<semaphore_mem>>) src(%dma_wait3A_186 : memref<2048xf32, #tpu.memory_space<vmem_shared>>) dst(%arg20 : memref<2048xf32, #tpu.memory_space<vmem>>)
        tpu.yield
      }) : () -> ()
      %scan3A_167 = arith.constant 0 : i32
      %scan3A_168 = arith.constant 0 : i32
      %scan3A_169 = arith.constant 128 : i32
      %scan3A_170 = arith.addi %scan3A_168, %scan3A_169 : i32
      %scan3A_171 = arith.constant 1 : i32
      %scan3A_172 = scf.for %scan3A_174 = %scan3A_168 to %scan3A_170 step %scan3A_171 iter_args(%scan3A_175 = %scan3A_167) -> (i32)  : i32 {
        %mul3A_176 = arith.constant 16 : i32
        %mul3A_177 = arith.muli %scan3A_174, %mul3A_176 : i32
        %get3A = arith.index_cast %mul3A_177 : i32 to index
        %get3A_178 = tpu.vector_load %arg19[%get3A] {strides = array<i32>} : memref<2048xf32, #tpu.memory_space<vmem>>, vector<16xf32>,
        %get3A_179 = arith.index_cast %mul3A_177 : i32 to index
        %get3A_180 = tpu.vector_load %arg20[%get3A_179] {strides = array<i32>} : memref<2048xf32, #tpu.memory_space<vmem>>, vector<16xf32>,
        %add3A_181 = arith.addf %get3A_178, %get3A_180 : vector<16xf32>
        %swap3A = arith.index_cast %mul3A_177 : i32 to index
        %swap3A_182 = tpu.vector_load %arg19[%swap3A] {strides = array<i32>} : memref<2048xf32, #tpu.memory_space<vmem>>, vector<16xf32>,
        tpu.vector_store %arg19[%swap3A], %add3A_181 {strides = array<i32>} : memref<2048xf32, #tpu.memory_space<vmem>>, vector<16xf32>,
        %scan3A_183 = arith.constant 0 : i32
        scf.yield %scan3A_183 : i32
      }
      %scan3A_173 = arith.constant 128 : i32
      "tpu.region"() ({
        %run_scoped3A_174 = tpu.sem_alloc : memref<!tpu.dma_semaphore, #tpu.memory_space<semaphore_mem>>
        %dma_start3A_175 = arith.constant 0 : i32
        %dma_start3A_176 = tpu.memref_slice %arg22[%arg1, %dma_start3A_175] : memref<16x2048xf32, #tpu.memory_space<vmem_shared>> -> memref<1x2048xf32, #tpu.memory_space<vmem_shared>>
        %dma_start3A_177 = tpu.memref_squeeze %dma_start3A_176 : memref<1x2048xf32, #tpu.memory_space<vmem_shared>> -> memref<2048xf32, #tpu.memory_space<vmem_shared>>
        %dma_start3A_178 = arith.constant 0 : i32
        %dma_start3A_179 = tpu.memref_slice %arg22[%arg1, %dma_start3A_178] : memref<16x2048xf32, #tpu.memory_space<vmem_shared>> -> memref<1x2048xf32, #tpu.memory_space<vmem_shared>>
        %dma_start3A_180 = tpu.memref_squeeze %dma_start3A_179 : memref<1x2048xf32, #tpu.memory_space<vmem_shared>> -> memref<2048xf32, #tpu.memory_space<vmem_shared>>
        tpu.enqueue_dma source(%arg19 : memref<2048xf32, #tpu.memory_space<vmem>>) target(%dma_start3A_180 : memref<2048xf32, #tpu.memory_space<vmem_shared>>) target_semaphore(%run_scoped3A_174 : memref<!tpu.dma_semaphore, #tpu.memory_space<semaphore_mem>>)
        %dma_wait3A_181 = arith.constant 0 : i32
        %dma_wait3A_182 = tpu.memref_slice %arg22[%arg1, %dma_wait3A_181] : memref<16x2048xf32, #tpu.memory_space<vmem_shared>> -> memref<1x2048xf32, #tpu.memory_space<vmem_shared>>
        %dma_wait3A_183 = tpu.memref_squeeze %dma_wait3A_182 : memref<1x2048xf32, #tpu.memory_space<vmem_shared>> -> memref<2048xf32, #tpu.memory_space<vmem_shared>>
        %dma_wait3A_184 = arith.constant 0 : i32
        %dma_wait3A_185 = tpu.memref_slice %arg22[%arg1, %dma_wait3A_184] : memref<16x2048xf32, #tpu.memory_space<vmem_shared>> -> memref<1x2048xf32, #tpu.memory_space<vmem_shared>>
        %dma_wait3A_186 = tpu.memref_squeeze %dma_wait3A_185 : memref<1x2048xf32, #tpu.memory_space<vmem_shared>> -> memref<2048xf32, #tpu.memory_space<vmem_shared>>
        tpu.wait_dma2 semaphore(%run_scoped3A_174 : memref<!tpu.dma_semaphore, #tpu.memory_space<semaphore_mem>>) src(%arg19 : memref<2048xf32, #tpu.memory_space<vmem>>) dst(%dma_wait3A_186 : memref<2048xf32, #tpu.memory_space<vmem_shared>>)
        tpu.yield
      }) : () -> ()
    } else {
    }
    %barrier3A_96 = arith.constant 0 : index
    tpu.barrier barrier_id(%barrier3A_96)
    %lt3A_97 = arith.constant 1 : i32
    %lt3A_98 = arith.cmpi slt, %arg1, %lt3A_97 : i32
    %convert_element_type3A_99 = arith.extui %lt3A_98 : i1 to i32
    %cond3A_100 = arith.constant 0 : i32
    %cond3A_101 = arith.cmpi ne, %convert_element_type3A_99, %cond3A_100 : i32
    scf.if %cond3A_101 {
      %add3A_165 = arith.constant 1 : i32
      %add3A_166 = arith.addi %arg1, %add3A_165 : i32
      "tpu.region"() ({
        %run_scoped3A_174 = tpu.sem_alloc : memref<!tpu.dma_semaphore, #tpu.memory_space<semaphore_mem>>
        %dma_start3A_175 = arith.constant 0 : i32
        %dma_start3A_176 = tpu.memref_slice %arg22[%add3A_166, %dma_start3A_175] : memref<16x2048xf32, #tpu.memory_space<vmem_shared>> -> memref<1x2048xf32, #tpu.memory_space<vmem_shared>>
        %dma_start3A_177 = tpu.memref_squeeze %dma_start3A_176 : memref<1x2048xf32, #tpu.memory_space<vmem_shared>> -> memref<2048xf32, #tpu.memory_space<vmem_shared>>
        %dma_start3A_178 = arith.constant 0 : i32
        %dma_start3A_179 = tpu.memref_slice %arg22[%add3A_166, %dma_start3A_178] : memref<16x2048xf32, #tpu.memory_space<vmem_shared>> -> memref<1x2048xf32, #tpu.memory_space<vmem_shared>>
        %dma_start3A_180 = tpu.memref_squeeze %dma_start3A_179 : memref<1x2048xf32, #tpu.memory_space<vmem_shared>> -> memref<2048xf32, #tpu.memory_space<vmem_shared>>
        tpu.enqueue_dma source(%dma_start3A_180 : memref<2048xf32, #tpu.memory_space<vmem_shared>>) target(%arg20 : memref<2048xf32, #tpu.memory_space<vmem>>) target_semaphore(%run_scoped3A_174 : memref<!tpu.dma_semaphore, #tpu.memory_space<semaphore_mem>>)
        %dma_wait3A_181 = arith.constant 0 : i32
        %dma_wait3A_182 = tpu.memref_slice %arg22[%add3A_166, %dma_wait3A_181] : memref<16x2048xf32, #tpu.memory_space<vmem_shared>> -> memref<1x2048xf32, #tpu.memory_space<vmem_shared>>
        %dma_wait3A_183 = tpu.memref_squeeze %dma_wait3A_182 : memref<1x2048xf32, #tpu.memory_space<vmem_shared>> -> memref<2048xf32, #tpu.memory_space<vmem_shared>>
        %dma_wait3A_184 = arith.constant 0 : i32
        %dma_wait3A_185 = tpu.memref_slice %arg22[%add3A_166, %dma_wait3A_184] : memref<16x2048xf32, #tpu.memory_space<vmem_shared>> -> memref<1x2048xf32, #tpu.memory_space<vmem_shared>>
        %dma_wait3A_186 = tpu.memref_squeeze %dma_wait3A_185 : memref<1x2048xf32, #tpu.memory_space<vmem_shared>> -> memref<2048xf32, #tpu.memory_space<vmem_shared>>
        tpu.wait_dma2 semaphore(%run_scoped3A_174 : memref<!tpu.dma_semaphore, #tpu.memory_space<semaphore_mem>>) src(%dma_wait3A_186 : memref<2048xf32, #tpu.memory_space<vmem_shared>>) dst(%arg20 : memref<2048xf32, #tpu.memory_space<vmem>>)
        tpu.yield
      }) : () -> ()
      %scan3A_167 = arith.constant 0 : i32
      %scan3A_168 = arith.constant 0 : i32
      %scan3A_169 = arith.constant 128 : i32
      %scan3A_170 = arith.addi %scan3A_168, %scan3A_169 : i32
      %scan3A_171 = arith.constant 1 : i32
      %scan3A_172 = scf.for %scan3A_174 = %scan3A_168 to %scan3A_170 step %scan3A_171 iter_args(%scan3A_175 = %scan3A_167) -> (i32)  : i32 {
        %mul3A_176 = arith.constant 16 : i32
        %mul3A_177 = arith.muli %scan3A_174, %mul3A_176 : i32
        %get3A = arith.index_cast %mul3A_177 : i32 to index
        %get3A_178 = tpu.vector_load %arg19[%get3A] {strides = array<i32>} : memref<2048xf32, #tpu.memory_space<vmem>>, vector<16xf32>,
        %get3A_179 = arith.index_cast %mul3A_177 : i32 to index
        %get3A_180 = tpu.vector_load %arg20[%get3A_179] {strides = array<i32>} : memref<2048xf32, #tpu.memory_space<vmem>>, vector<16xf32>,
        %add3A_181 = arith.addf %get3A_178, %get3A_180 : vector<16xf32>
        %swap3A = arith.index_cast %mul3A_177 : i32 to index
        %swap3A_182 = tpu.vector_load %arg19[%swap3A] {strides = array<i32>} : memref<2048xf32, #tpu.memory_space<vmem>>, vector<16xf32>,
        tpu.vector_store %arg19[%swap3A], %add3A_181 {strides = array<i32>} : memref<2048xf32, #tpu.memory_space<vmem>>, vector<16xf32>,
        %scan3A_183 = arith.constant 0 : i32
        scf.yield %scan3A_183 : i32
      }
      %scan3A_173 = arith.constant 128 : i32
      "tpu.region"() ({
        %run_scoped3A_174 = tpu.sem_alloc : memref<!tpu.dma_semaphore, #tpu.memory_space<semaphore_mem>>
        %dma_start3A_175 = arith.constant 0 : i32
        %dma_start3A_176 = tpu.memref_slice %arg22[%arg1, %dma_start3A_175] : memref<16x2048xf32, #tpu.memory_space<vmem_shared>> -> memref<1x2048xf32, #tpu.memory_space<vmem_shared>>
        %dma_start3A_177 = tpu.memref_squeeze %dma_start3A_176 : memref<1x2048xf32, #tpu.memory_space<vmem_shared>> -> memref<2048xf32, #tpu.memory_space<vmem_shared>>
        %dma_start3A_178 = arith.constant 0 : i32
        %dma_start3A_179 = tpu.memref_slice %arg22[%arg1, %dma_start3A_178] : memref<16x2048xf32, #tpu.memory_space<vmem_shared>> -> memref<1x2048xf32, #tpu.memory_space<vmem_shared>>
        %dma_start3A_180 = tpu.memref_squeeze %dma_start3A_179 : memref<1x2048xf32, #tpu.memory_space<vmem_shared>> -> memref<2048xf32, #tpu.memory_space<vmem_shared>>
        tpu.enqueue_dma source(%arg19 : memref<2048xf32, #tpu.memory_space<vmem>>) target(%dma_start3A_180 : memref<2048xf32, #tpu.memory_space<vmem_shared>>) target_semaphore(%run_scoped3A_174 : memref<!tpu.dma_semaphore, #tpu.memory_space<semaphore_mem>>)
        %dma_wait3A_181 = arith.constant 0 : i32
        %dma_wait3A_182 = tpu.memref_slice %arg22[%arg1, %dma_wait3A_181] : memref<16x2048xf32, #tpu.memory_space<vmem_shared>> -> memref<1x2048xf32, #tpu.memory_space<vmem_shared>>
        %dma_wait3A_183 = tpu.memref_squeeze %dma_wait3A_182 : memref<1x2048xf32, #tpu.memory_space<vmem_shared>> -> memref<2048xf32, #tpu.memory_space<vmem_shared>>
        %dma_wait3A_184 = arith.constant 0 : i32
        %dma_wait3A_185 = tpu.memref_slice %arg22[%arg1, %dma_wait3A_184] : memref<16x2048xf32, #tpu.memory_space<vmem_shared>> -> memref<1x2048xf32, #tpu.memory_space<vmem_shared>>
        %dma_wait3A_186 = tpu.memref_squeeze %dma_wait3A_185 : memref<1x2048xf32, #tpu.memory_space<vmem_shared>> -> memref<2048xf32, #tpu.memory_space<vmem_shared>>
        tpu.wait_dma2 semaphore(%run_scoped3A_174 : memref<!tpu.dma_semaphore, #tpu.memory_space<semaphore_mem>>) src(%arg19 : memref<2048xf32, #tpu.memory_space<vmem>>) dst(%dma_wait3A_186 : memref<2048xf32, #tpu.memory_space<vmem_shared>>)
        tpu.yield
      }) : () -> ()
    } else {
    }
    %barrier3A_102 = arith.constant 0 : index
    tpu.barrier barrier_id(%barrier3A_102)
    %eq3A = arith.constant 0 : i32
    %eq3A_103 = arith.cmpi eq, %arg0, %eq3A : i32
    %eq3A_104 = arith.constant 0 : i32
    %eq3A_105 = arith.cmpi eq, %arg1, %eq3A_104 : i32
    %and3A = arith.andi %eq3A_103, %eq3A_105 : i1
    %convert_element_type3A_106 = arith.extui %and3A : i1 to i32
    %cond3A_107 = arith.constant 0 : i32
    %cond3A_108 = arith.cmpi ne, %convert_element_type3A_106, %cond3A_107 : i32
    scf.if %cond3A_108 {
      "tpu.region"() ({
        %run_scoped3A_165 = tpu.sem_alloc : memref<!tpu.dma_semaphore, #tpu.memory_space<semaphore_mem>>
        tpu.enqueue_dma source(%arg17 : memref<10240xf32, #tpu.memory_space<vmem>>) target(%arg6 : memref<10240xf32, #tpu.memory_space<hbm>>) target_semaphore(%run_scoped3A_165 : memref<!tpu.dma_semaphore, #tpu.memory_space<semaphore_mem>>)
        tpu.wait_dma2 semaphore(%run_scoped3A_165 : memref<!tpu.dma_semaphore, #tpu.memory_space<semaphore_mem>>) src(%arg17 : memref<10240xf32, #tpu.memory_space<vmem>>) dst(%arg6 : memref<10240xf32, #tpu.memory_space<hbm>>)
        tpu.yield
      }) : () -> ()
      "tpu.region"() ({
        %run_scoped3A_165 = tpu.sem_alloc : memref<!tpu.dma_semaphore, #tpu.memory_space<semaphore_mem>>
        tpu.enqueue_dma source(%arg19 : memref<2048xf32, #tpu.memory_space<vmem>>) target(%arg7 : memref<2048xf32, #tpu.memory_space<hbm>>) target_semaphore(%run_scoped3A_165 : memref<!tpu.dma_semaphore, #tpu.memory_space<semaphore_mem>>)
        tpu.wait_dma2 semaphore(%run_scoped3A_165 : memref<!tpu.dma_semaphore, #tpu.memory_space<semaphore_mem>>) src(%arg19 : memref<2048xf32, #tpu.memory_space<vmem>>) dst(%arg7 : memref<2048xf32, #tpu.memory_space<hbm>>)
        tpu.yield
      }) : () -> ()
    } else {
    }
    %barrier3A_109 = arith.constant 0 : index
    tpu.barrier barrier_id(%barrier3A_109)
    %run_scoped3A = arith.constant 0 : i32
    "tpu.region"() ({
      %run_scoped3A_165 = tpu.sem_alloc : memref<!tpu.dma_semaphore, #tpu.memory_space<semaphore_mem>>
      %dma_start3A_166 = arith.constant 0 : i32
      %dma_start3A_167 = tpu.memref_slice %arg21[%run_scoped3A, %dma_start3A_166] : memref<16x10240xf32, #tpu.memory_space<vmem_shared>> -> memref<1x10240xf32, #tpu.memory_space<vmem_shared>>
      %dma_start3A_168 = tpu.memref_squeeze %dma_start3A_167 : memref<1x10240xf32, #tpu.memory_space<vmem_shared>> -> memref<10240xf32, #tpu.memory_space<vmem_shared>>
      %dma_start3A_169 = arith.constant 0 : i32
      %dma_start3A_170 = tpu.memref_slice %arg21[%run_scoped3A, %dma_start3A_169] : memref<16x10240xf32, #tpu.memory_space<vmem_shared>> -> memref<1x10240xf32, #tpu.memory_space<vmem_shared>>
      %dma_start3A_171 = tpu.memref_squeeze %dma_start3A_170 : memref<1x10240xf32, #tpu.memory_space<vmem_shared>> -> memref<10240xf32, #tpu.memory_space<vmem_shared>>
      tpu.enqueue_dma source(%dma_start3A_171 : memref<10240xf32, #tpu.memory_space<vmem_shared>>) target(%arg17 : memref<10240xf32, #tpu.memory_space<vmem>>) target_semaphore(%run_scoped3A_165 : memref<!tpu.dma_semaphore, #tpu.memory_space<semaphore_mem>>)
      %dma_wait3A_172 = arith.constant 0 : i32
      %dma_wait3A_173 = tpu.memref_slice %arg21[%run_scoped3A, %dma_wait3A_172] : memref<16x10240xf32, #tpu.memory_space<vmem_shared>> -> memref<1x10240xf32, #tpu.memory_space<vmem_shared>>
      %dma_wait3A_174 = tpu.memref_squeeze %dma_wait3A_173 : memref<1x10240xf32, #tpu.memory_space<vmem_shared>> -> memref<10240xf32, #tpu.memory_space<vmem_shared>>
      %dma_wait3A_175 = arith.constant 0 : i32
      %dma_wait3A_176 = tpu.memref_slice %arg21[%run_scoped3A, %dma_wait3A_175] : memref<16x10240xf32, #tpu.memory_space<vmem_shared>> -> memref<1x10240xf32, #tpu.memory_space<vmem_shared>>
      %dma_wait3A_177 = tpu.memref_squeeze %dma_wait3A_176 : memref<1x10240xf32, #tpu.memory_space<vmem_shared>> -> memref<10240xf32, #tpu.memory_space<vmem_shared>>
      tpu.wait_dma2 semaphore(%run_scoped3A_165 : memref<!tpu.dma_semaphore, #tpu.memory_space<semaphore_mem>>) src(%dma_wait3A_177 : memref<10240xf32, #tpu.memory_space<vmem_shared>>) dst(%arg17 : memref<10240xf32, #tpu.memory_space<vmem>>)
      tpu.yield
    }) : () -> ()
    %scan3A_110 = arith.constant 0 : i32
    %scan3A_111 = arith.constant 0 : i32
    %scan3A_112 = arith.constant 128 : i32
    %scan3A_113 = arith.addi %scan3A_111, %scan3A_112 : i32
    %scan3A_114 = arith.constant 1 : i32
    %scan3A_115 = scf.for %scan3A_165 = %scan3A_111 to %scan3A_113 step %scan3A_114 iter_args(%scan3A_166 = %scan3A_110) -> (i32)  : i32 {
      %broadcast_in_dim3A_167 = arith.constant 0.000000e+00 : f32
      %broadcast_in_dim3A_168 = vector.broadcast %broadcast_in_dim3A_167 : f32 to vector<16xf32>
      %mul3A_169 = arith.constant 16 : i32
      %mul3A_170 = arith.muli %scan3A_165, %mul3A_169 : i32
      %swap3A = arith.index_cast %mul3A_170 : i32 to index
      %swap3A_171 = tpu.vector_load %arg19[%swap3A] {strides = array<i32>} : memref<2048xf32, #tpu.memory_space<vmem>>, vector<16xf32>,
      tpu.vector_store %arg19[%swap3A], %broadcast_in_dim3A_168 {strides = array<i32>} : memref<2048xf32, #tpu.memory_space<vmem>>, vector<16xf32>,
      %scan3A_172 = arith.constant 0 : i32
      scf.yield %scan3A_172 : i32
    }
    %scan3A_116 = arith.constant 128 : i32
    %scan3A_117 = arith.constant 0 : i32
    %scan3A_118 = arith.constant 0 : i32
    %scan3A_119 = arith.constant 1280 : i32
    %scan3A_120 = arith.addi %scan3A_118, %scan3A_119 : i32
    %scan3A_121 = arith.constant 1 : i32
    %scan3A_122 = scf.for %scan3A_165 = %scan3A_118 to %scan3A_120 step %scan3A_121 iter_args(%scan3A_166 = %scan3A_117) -> (i32)  : i32 {
      %mul3A_167 = arith.constant 16 : i32
      %mul3A_168 = arith.muli %scan3A_165, %mul3A_167 : i32
      %get3A = arith.index_cast %mul3A_168 : i32 to index
      %get3A_169 = tpu.vector_load %arg9[%get3A] {strides = array<i32>} : memref<20480xi32, #tpu.memory_space<vmem>>, vector<16xi32>,
      %mul3A_170 = arith.constant 16 : i32
      %mul3A_171 = arith.muli %scan3A_165, %mul3A_170 : i32
      %get3A_172 = arith.index_cast %mul3A_171 : i32 to index
      %get3A_173 = tpu.vector_load %arg10[%get3A_172] {strides = array<i32>} : memref<20480xi32, #tpu.memory_space<vmem>>, vector<16xi32>,
      %gather3A = tpu.vector_load_idx %arg17[%get3A_169] : memref<10240xf32, #tpu.memory_space<vmem>>[vector<16xi32>], vector<16xf32>,
      tpu.vector_store_idx %arg19[%get3A_173], %gather3A {add = true} : memref<2048xf32, #tpu.memory_space<vmem>>[vector<16xi32>], vector<16xf32>,
      %scan3A_174 = arith.constant 0 : i32
      scf.yield %scan3A_174 : i32
    }
    %scan3A_123 = arith.constant 1280 : i32
    "tpu.region"() ({
      %run_scoped3A_165 = tpu.sem_alloc : memref<!tpu.dma_semaphore, #tpu.memory_space<semaphore_mem>>
      %dma_start3A_166 = arith.constant 0 : i32
      %dma_start3A_167 = tpu.memref_slice %arg22[%arg1, %dma_start3A_166] : memref<16x2048xf32, #tpu.memory_space<vmem_shared>> -> memref<1x2048xf32, #tpu.memory_space<vmem_shared>>
      %dma_start3A_168 = tpu.memref_squeeze %dma_start3A_167 : memref<1x2048xf32, #tpu.memory_space<vmem_shared>> -> memref<2048xf32, #tpu.memory_space<vmem_shared>>
      %dma_start3A_169 = arith.constant 0 : i32
      %dma_start3A_170 = tpu.memref_slice %arg22[%arg1, %dma_start3A_169] : memref<16x2048xf32, #tpu.memory_space<vmem_shared>> -> memref<1x2048xf32, #tpu.memory_space<vmem_shared>>
      %dma_start3A_171 = tpu.memref_squeeze %dma_start3A_170 : memref<1x2048xf32, #tpu.memory_space<vmem_shared>> -> memref<2048xf32, #tpu.memory_space<vmem_shared>>
      tpu.enqueue_dma source(%arg19 : memref<2048xf32, #tpu.memory_space<vmem>>) target(%dma_start3A_171 : memref<2048xf32, #tpu.memory_space<vmem_shared>>) target_semaphore(%run_scoped3A_165 : memref<!tpu.dma_semaphore, #tpu.memory_space<semaphore_mem>>)
      %dma_wait3A_172 = arith.constant 0 : i32
      %dma_wait3A_173 = tpu.memref_slice %arg22[%arg1, %dma_wait3A_172] : memref<16x2048xf32, #tpu.memory_space<vmem_shared>> -> memref<1x2048xf32, #tpu.memory_space<vmem_shared>>
      %dma_wait3A_174 = tpu.memref_squeeze %dma_wait3A_173 : memref<1x2048xf32, #tpu.memory_space<vmem_shared>> -> memref<2048xf32, #tpu.memory_space<vmem_shared>>
      %dma_wait3A_175 = arith.constant 0 : i32
      %dma_wait3A_176 = tpu.memref_slice %arg22[%arg1, %dma_wait3A_175] : memref<16x2048xf32, #tpu.memory_space<vmem_shared>> -> memref<1x2048xf32, #tpu.memory_space<vmem_shared>>
      %dma_wait3A_177 = tpu.memref_squeeze %dma_wait3A_176 : memref<1x2048xf32, #tpu.memory_space<vmem_shared>> -> memref<2048xf32, #tpu.memory_space<vmem_shared>>
      tpu.wait_dma2 semaphore(%run_scoped3A_165 : memref<!tpu.dma_semaphore, #tpu.memory_space<semaphore_mem>>) src(%arg19 : memref<2048xf32, #tpu.memory_space<vmem>>) dst(%dma_wait3A_177 : memref<2048xf32, #tpu.memory_space<vmem_shared>>)
      tpu.yield
    }) : () -> ()
    %barrier3A_124 = arith.constant 0 : index
    tpu.barrier barrier_id(%barrier3A_124)
    %lt3A_125 = arith.constant 8 : i32
    %lt3A_126 = arith.cmpi slt, %arg1, %lt3A_125 : i32
    %convert_element_type3A_127 = arith.extui %lt3A_126 : i1 to i32
    %cond3A_128 = arith.constant 0 : i32
    %cond3A_129 = arith.cmpi ne, %convert_element_type3A_127, %cond3A_128 : i32
    scf.if %cond3A_129 {
      %add3A_165 = arith.constant 8 : i32
      %add3A_166 = arith.addi %arg1, %add3A_165 : i32
      "tpu.region"() ({
        %run_scoped3A_174 = tpu.sem_alloc : memref<!tpu.dma_semaphore, #tpu.memory_space<semaphore_mem>>
        %dma_start3A_175 = arith.constant 0 : i32
        %dma_start3A_176 = tpu.memref_slice %arg22[%add3A_166, %dma_start3A_175] : memref<16x2048xf32, #tpu.memory_space<vmem_shared>> -> memref<1x2048xf32, #tpu.memory_space<vmem_shared>>
        %dma_start3A_177 = tpu.memref_squeeze %dma_start3A_176 : memref<1x2048xf32, #tpu.memory_space<vmem_shared>> -> memref<2048xf32, #tpu.memory_space<vmem_shared>>
        %dma_start3A_178 = arith.constant 0 : i32
        %dma_start3A_179 = tpu.memref_slice %arg22[%add3A_166, %dma_start3A_178] : memref<16x2048xf32, #tpu.memory_space<vmem_shared>> -> memref<1x2048xf32, #tpu.memory_space<vmem_shared>>
        %dma_start3A_180 = tpu.memref_squeeze %dma_start3A_179 : memref<1x2048xf32, #tpu.memory_space<vmem_shared>> -> memref<2048xf32, #tpu.memory_space<vmem_shared>>
        tpu.enqueue_dma source(%dma_start3A_180 : memref<2048xf32, #tpu.memory_space<vmem_shared>>) target(%arg20 : memref<2048xf32, #tpu.memory_space<vmem>>) target_semaphore(%run_scoped3A_174 : memref<!tpu.dma_semaphore, #tpu.memory_space<semaphore_mem>>)
        %dma_wait3A_181 = arith.constant 0 : i32
        %dma_wait3A_182 = tpu.memref_slice %arg22[%add3A_166, %dma_wait3A_181] : memref<16x2048xf32, #tpu.memory_space<vmem_shared>> -> memref<1x2048xf32, #tpu.memory_space<vmem_shared>>
        %dma_wait3A_183 = tpu.memref_squeeze %dma_wait3A_182 : memref<1x2048xf32, #tpu.memory_space<vmem_shared>> -> memref<2048xf32, #tpu.memory_space<vmem_shared>>
        %dma_wait3A_184 = arith.constant 0 : i32
        %dma_wait3A_185 = tpu.memref_slice %arg22[%add3A_166, %dma_wait3A_184] : memref<16x2048xf32, #tpu.memory_space<vmem_shared>> -> memref<1x2048xf32, #tpu.memory_space<vmem_shared>>
        %dma_wait3A_186 = tpu.memref_squeeze %dma_wait3A_185 : memref<1x2048xf32, #tpu.memory_space<vmem_shared>> -> memref<2048xf32, #tpu.memory_space<vmem_shared>>
        tpu.wait_dma2 semaphore(%run_scoped3A_174 : memref<!tpu.dma_semaphore, #tpu.memory_space<semaphore_mem>>) src(%dma_wait3A_186 : memref<2048xf32, #tpu.memory_space<vmem_shared>>) dst(%arg20 : memref<2048xf32, #tpu.memory_space<vmem>>)
        tpu.yield
      }) : () -> ()
      %scan3A_167 = arith.constant 0 : i32
      %scan3A_168 = arith.constant 0 : i32
      %scan3A_169 = arith.constant 128 : i32
      %scan3A_170 = arith.addi %scan3A_168, %scan3A_169 : i32
      %scan3A_171 = arith.constant 1 : i32
      %scan3A_172 = scf.for %scan3A_174 = %scan3A_168 to %scan3A_170 step %scan3A_171 iter_args(%scan3A_175 = %scan3A_167) -> (i32)  : i32 {
        %mul3A_176 = arith.constant 16 : i32
        %mul3A_177 = arith.muli %scan3A_174, %mul3A_176 : i32
        %get3A = arith.index_cast %mul3A_177 : i32 to index
        %get3A_178 = tpu.vector_load %arg19[%get3A] {strides = array<i32>} : memref<2048xf32, #tpu.memory_space<vmem>>, vector<16xf32>,
        %get3A_179 = arith.index_cast %mul3A_177 : i32 to index
        %get3A_180 = tpu.vector_load %arg20[%get3A_179] {strides = array<i32>} : memref<2048xf32, #tpu.memory_space<vmem>>, vector<16xf32>,
        %add3A_181 = arith.addf %get3A_178, %get3A_180 : vector<16xf32>
        %swap3A = arith.index_cast %mul3A_177 : i32 to index
        %swap3A_182 = tpu.vector_load %arg19[%swap3A] {strides = array<i32>} : memref<2048xf32, #tpu.memory_space<vmem>>, vector<16xf32>,
        tpu.vector_store %arg19[%swap3A], %add3A_181 {strides = array<i32>} : memref<2048xf32, #tpu.memory_space<vmem>>, vector<16xf32>,
        %scan3A_183 = arith.constant 0 : i32
        scf.yield %scan3A_183 : i32
      }
      %scan3A_173 = arith.constant 128 : i32
      "tpu.region"() ({
        %run_scoped3A_174 = tpu.sem_alloc : memref<!tpu.dma_semaphore, #tpu.memory_space<semaphore_mem>>
        %dma_start3A_175 = arith.constant 0 : i32
        %dma_start3A_176 = tpu.memref_slice %arg22[%arg1, %dma_start3A_175] : memref<16x2048xf32, #tpu.memory_space<vmem_shared>> -> memref<1x2048xf32, #tpu.memory_space<vmem_shared>>
        %dma_start3A_177 = tpu.memref_squeeze %dma_start3A_176 : memref<1x2048xf32, #tpu.memory_space<vmem_shared>> -> memref<2048xf32, #tpu.memory_space<vmem_shared>>
        %dma_start3A_178 = arith.constant 0 : i32
        %dma_start3A_179 = tpu.memref_slice %arg22[%arg1, %dma_start3A_178] : memref<16x2048xf32, #tpu.memory_space<vmem_shared>> -> memref<1x2048xf32, #tpu.memory_space<vmem_shared>>
        %dma_start3A_180 = tpu.memref_squeeze %dma_start3A_179 : memref<1x2048xf32, #tpu.memory_space<vmem_shared>> -> memref<2048xf32, #tpu.memory_space<vmem_shared>>
        tpu.enqueue_dma source(%arg19 : memref<2048xf32, #tpu.memory_space<vmem>>) target(%dma_start3A_180 : memref<2048xf32, #tpu.memory_space<vmem_shared>>) target_semaphore(%run_scoped3A_174 : memref<!tpu.dma_semaphore, #tpu.memory_space<semaphore_mem>>)
        %dma_wait3A_181 = arith.constant 0 : i32
        %dma_wait3A_182 = tpu.memref_slice %arg22[%arg1, %dma_wait3A_181] : memref<16x2048xf32, #tpu.memory_space<vmem_shared>> -> memref<1x2048xf32, #tpu.memory_space<vmem_shared>>
        %dma_wait3A_183 = tpu.memref_squeeze %dma_wait3A_182 : memref<1x2048xf32, #tpu.memory_space<vmem_shared>> -> memref<2048xf32, #tpu.memory_space<vmem_shared>>
        %dma_wait3A_184 = arith.constant 0 : i32
        %dma_wait3A_185 = tpu.memref_slice %arg22[%arg1, %dma_wait3A_184] : memref<16x2048xf32, #tpu.memory_space<vmem_shared>> -> memref<1x2048xf32, #tpu.memory_space<vmem_shared>>
        %dma_wait3A_186 = tpu.memref_squeeze %dma_wait3A_185 : memref<1x2048xf32, #tpu.memory_space<vmem_shared>> -> memref<2048xf32, #tpu.memory_space<vmem_shared>>
        tpu.wait_dma2 semaphore(%run_scoped3A_174 : memref<!tpu.dma_semaphore, #tpu.memory_space<semaphore_mem>>) src(%arg19 : memref<2048xf32, #tpu.memory_space<vmem>>) dst(%dma_wait3A_186 : memref<2048xf32, #tpu.memory_space<vmem_shared>>)
        tpu.yield
      }) : () -> ()
    } else {
    }
    %barrier3A_130 = arith.constant 0 : index
    tpu.barrier barrier_id(%barrier3A_130)
    %lt3A_131 = arith.constant 4 : i32
    %lt3A_132 = arith.cmpi slt, %arg1, %lt3A_131 : i32
    %convert_element_type3A_133 = arith.extui %lt3A_132 : i1 to i32
    %cond3A_134 = arith.constant 0 : i32
    %cond3A_135 = arith.cmpi ne, %convert_element_type3A_133, %cond3A_134 : i32
    scf.if %cond3A_135 {
      %add3A_165 = arith.constant 4 : i32
      %add3A_166 = arith.addi %arg1, %add3A_165 : i32
      "tpu.region"() ({
        %run_scoped3A_174 = tpu.sem_alloc : memref<!tpu.dma_semaphore, #tpu.memory_space<semaphore_mem>>
        %dma_start3A_175 = arith.constant 0 : i32
        %dma_start3A_176 = tpu.memref_slice %arg22[%add3A_166, %dma_start3A_175] : memref<16x2048xf32, #tpu.memory_space<vmem_shared>> -> memref<1x2048xf32, #tpu.memory_space<vmem_shared>>
        %dma_start3A_177 = tpu.memref_squeeze %dma_start3A_176 : memref<1x2048xf32, #tpu.memory_space<vmem_shared>> -> memref<2048xf32, #tpu.memory_space<vmem_shared>>
        %dma_start3A_178 = arith.constant 0 : i32
        %dma_start3A_179 = tpu.memref_slice %arg22[%add3A_166, %dma_start3A_178] : memref<16x2048xf32, #tpu.memory_space<vmem_shared>> -> memref<1x2048xf32, #tpu.memory_space<vmem_shared>>
        %dma_start3A_180 = tpu.memref_squeeze %dma_start3A_179 : memref<1x2048xf32, #tpu.memory_space<vmem_shared>> -> memref<2048xf32, #tpu.memory_space<vmem_shared>>
        tpu.enqueue_dma source(%dma_start3A_180 : memref<2048xf32, #tpu.memory_space<vmem_shared>>) target(%arg20 : memref<2048xf32, #tpu.memory_space<vmem>>) target_semaphore(%run_scoped3A_174 : memref<!tpu.dma_semaphore, #tpu.memory_space<semaphore_mem>>)
        %dma_wait3A_181 = arith.constant 0 : i32
        %dma_wait3A_182 = tpu.memref_slice %arg22[%add3A_166, %dma_wait3A_181] : memref<16x2048xf32, #tpu.memory_space<vmem_shared>> -> memref<1x2048xf32, #tpu.memory_space<vmem_shared>>
        %dma_wait3A_183 = tpu.memref_squeeze %dma_wait3A_182 : memref<1x2048xf32, #tpu.memory_space<vmem_shared>> -> memref<2048xf32, #tpu.memory_space<vmem_shared>>
        %dma_wait3A_184 = arith.constant 0 : i32
        %dma_wait3A_185 = tpu.memref_slice %arg22[%add3A_166, %dma_wait3A_184] : memref<16x2048xf32, #tpu.memory_space<vmem_shared>> -> memref<1x2048xf32, #tpu.memory_space<vmem_shared>>
        %dma_wait3A_186 = tpu.memref_squeeze %dma_wait3A_185 : memref<1x2048xf32, #tpu.memory_space<vmem_shared>> -> memref<2048xf32, #tpu.memory_space<vmem_shared>>
        tpu.wait_dma2 semaphore(%run_scoped3A_174 : memref<!tpu.dma_semaphore, #tpu.memory_space<semaphore_mem>>) src(%dma_wait3A_186 : memref<2048xf32, #tpu.memory_space<vmem_shared>>) dst(%arg20 : memref<2048xf32, #tpu.memory_space<vmem>>)
        tpu.yield
      }) : () -> ()
      %scan3A_167 = arith.constant 0 : i32
      %scan3A_168 = arith.constant 0 : i32
      %scan3A_169 = arith.constant 128 : i32
      %scan3A_170 = arith.addi %scan3A_168, %scan3A_169 : i32
      %scan3A_171 = arith.constant 1 : i32
      %scan3A_172 = scf.for %scan3A_174 = %scan3A_168 to %scan3A_170 step %scan3A_171 iter_args(%scan3A_175 = %scan3A_167) -> (i32)  : i32 {
        %mul3A_176 = arith.constant 16 : i32
        %mul3A_177 = arith.muli %scan3A_174, %mul3A_176 : i32
        %get3A = arith.index_cast %mul3A_177 : i32 to index
        %get3A_178 = tpu.vector_load %arg19[%get3A] {strides = array<i32>} : memref<2048xf32, #tpu.memory_space<vmem>>, vector<16xf32>,
        %get3A_179 = arith.index_cast %mul3A_177 : i32 to index
        %get3A_180 = tpu.vector_load %arg20[%get3A_179] {strides = array<i32>} : memref<2048xf32, #tpu.memory_space<vmem>>, vector<16xf32>,
        %add3A_181 = arith.addf %get3A_178, %get3A_180 : vector<16xf32>
        %swap3A = arith.index_cast %mul3A_177 : i32 to index
        %swap3A_182 = tpu.vector_load %arg19[%swap3A] {strides = array<i32>} : memref<2048xf32, #tpu.memory_space<vmem>>, vector<16xf32>,
        tpu.vector_store %arg19[%swap3A], %add3A_181 {strides = array<i32>} : memref<2048xf32, #tpu.memory_space<vmem>>, vector<16xf32>,
        %scan3A_183 = arith.constant 0 : i32
        scf.yield %scan3A_183 : i32
      }
      %scan3A_173 = arith.constant 128 : i32
      "tpu.region"() ({
        %run_scoped3A_174 = tpu.sem_alloc : memref<!tpu.dma_semaphore, #tpu.memory_space<semaphore_mem>>
        %dma_start3A_175 = arith.constant 0 : i32
        %dma_start3A_176 = tpu.memref_slice %arg22[%arg1, %dma_start3A_175] : memref<16x2048xf32, #tpu.memory_space<vmem_shared>> -> memref<1x2048xf32, #tpu.memory_space<vmem_shared>>
        %dma_start3A_177 = tpu.memref_squeeze %dma_start3A_176 : memref<1x2048xf32, #tpu.memory_space<vmem_shared>> -> memref<2048xf32, #tpu.memory_space<vmem_shared>>
        %dma_start3A_178 = arith.constant 0 : i32
        %dma_start3A_179 = tpu.memref_slice %arg22[%arg1, %dma_start3A_178] : memref<16x2048xf32, #tpu.memory_space<vmem_shared>> -> memref<1x2048xf32, #tpu.memory_space<vmem_shared>>
        %dma_start3A_180 = tpu.memref_squeeze %dma_start3A_179 : memref<1x2048xf32, #tpu.memory_space<vmem_shared>> -> memref<2048xf32, #tpu.memory_space<vmem_shared>>
        tpu.enqueue_dma source(%arg19 : memref<2048xf32, #tpu.memory_space<vmem>>) target(%dma_start3A_180 : memref<2048xf32, #tpu.memory_space<vmem_shared>>) target_semaphore(%run_scoped3A_174 : memref<!tpu.dma_semaphore, #tpu.memory_space<semaphore_mem>>)
        %dma_wait3A_181 = arith.constant 0 : i32
        %dma_wait3A_182 = tpu.memref_slice %arg22[%arg1, %dma_wait3A_181] : memref<16x2048xf32, #tpu.memory_space<vmem_shared>> -> memref<1x2048xf32, #tpu.memory_space<vmem_shared>>
        %dma_wait3A_183 = tpu.memref_squeeze %dma_wait3A_182 : memref<1x2048xf32, #tpu.memory_space<vmem_shared>> -> memref<2048xf32, #tpu.memory_space<vmem_shared>>
        %dma_wait3A_184 = arith.constant 0 : i32
        %dma_wait3A_185 = tpu.memref_slice %arg22[%arg1, %dma_wait3A_184] : memref<16x2048xf32, #tpu.memory_space<vmem_shared>> -> memref<1x2048xf32, #tpu.memory_space<vmem_shared>>
        %dma_wait3A_186 = tpu.memref_squeeze %dma_wait3A_185 : memref<1x2048xf32, #tpu.memory_space<vmem_shared>> -> memref<2048xf32, #tpu.memory_space<vmem_shared>>
        tpu.wait_dma2 semaphore(%run_scoped3A_174 : memref<!tpu.dma_semaphore, #tpu.memory_space<semaphore_mem>>) src(%arg19 : memref<2048xf32, #tpu.memory_space<vmem>>) dst(%dma_wait3A_186 : memref<2048xf32, #tpu.memory_space<vmem_shared>>)
        tpu.yield
      }) : () -> ()
    } else {
    }
    %barrier3A_136 = arith.constant 0 : index
    tpu.barrier barrier_id(%barrier3A_136)
    %lt3A_137 = arith.constant 2 : i32
    %lt3A_138 = arith.cmpi slt, %arg1, %lt3A_137 : i32
    %convert_element_type3A_139 = arith.extui %lt3A_138 : i1 to i32
    %cond3A_140 = arith.constant 0 : i32
    %cond3A_141 = arith.cmpi ne, %convert_element_type3A_139, %cond3A_140 : i32
    scf.if %cond3A_141 {
      %add3A_165 = arith.constant 2 : i32
      %add3A_166 = arith.addi %arg1, %add3A_165 : i32
      "tpu.region"() ({
        %run_scoped3A_174 = tpu.sem_alloc : memref<!tpu.dma_semaphore, #tpu.memory_space<semaphore_mem>>
        %dma_start3A_175 = arith.constant 0 : i32
        %dma_start3A_176 = tpu.memref_slice %arg22[%add3A_166, %dma_start3A_175] : memref<16x2048xf32, #tpu.memory_space<vmem_shared>> -> memref<1x2048xf32, #tpu.memory_space<vmem_shared>>
        %dma_start3A_177 = tpu.memref_squeeze %dma_start3A_176 : memref<1x2048xf32, #tpu.memory_space<vmem_shared>> -> memref<2048xf32, #tpu.memory_space<vmem_shared>>
        %dma_start3A_178 = arith.constant 0 : i32
        %dma_start3A_179 = tpu.memref_slice %arg22[%add3A_166, %dma_start3A_178] : memref<16x2048xf32, #tpu.memory_space<vmem_shared>> -> memref<1x2048xf32, #tpu.memory_space<vmem_shared>>
        %dma_start3A_180 = tpu.memref_squeeze %dma_start3A_179 : memref<1x2048xf32, #tpu.memory_space<vmem_shared>> -> memref<2048xf32, #tpu.memory_space<vmem_shared>>
        tpu.enqueue_dma source(%dma_start3A_180 : memref<2048xf32, #tpu.memory_space<vmem_shared>>) target(%arg20 : memref<2048xf32, #tpu.memory_space<vmem>>) target_semaphore(%run_scoped3A_174 : memref<!tpu.dma_semaphore, #tpu.memory_space<semaphore_mem>>)
        %dma_wait3A_181 = arith.constant 0 : i32
        %dma_wait3A_182 = tpu.memref_slice %arg22[%add3A_166, %dma_wait3A_181] : memref<16x2048xf32, #tpu.memory_space<vmem_shared>> -> memref<1x2048xf32, #tpu.memory_space<vmem_shared>>
        %dma_wait3A_183 = tpu.memref_squeeze %dma_wait3A_182 : memref<1x2048xf32, #tpu.memory_space<vmem_shared>> -> memref<2048xf32, #tpu.memory_space<vmem_shared>>
        %dma_wait3A_184 = arith.constant 0 : i32
        %dma_wait3A_185 = tpu.memref_slice %arg22[%add3A_166, %dma_wait3A_184] : memref<16x2048xf32, #tpu.memory_space<vmem_shared>> -> memref<1x2048xf32, #tpu.memory_space<vmem_shared>>
        %dma_wait3A_186 = tpu.memref_squeeze %dma_wait3A_185 : memref<1x2048xf32, #tpu.memory_space<vmem_shared>> -> memref<2048xf32, #tpu.memory_space<vmem_shared>>
        tpu.wait_dma2 semaphore(%run_scoped3A_174 : memref<!tpu.dma_semaphore, #tpu.memory_space<semaphore_mem>>) src(%dma_wait3A_186 : memref<2048xf32, #tpu.memory_space<vmem_shared>>) dst(%arg20 : memref<2048xf32, #tpu.memory_space<vmem>>)
        tpu.yield
      }) : () -> ()
      %scan3A_167 = arith.constant 0 : i32
      %scan3A_168 = arith.constant 0 : i32
      %scan3A_169 = arith.constant 128 : i32
      %scan3A_170 = arith.addi %scan3A_168, %scan3A_169 : i32
      %scan3A_171 = arith.constant 1 : i32
      %scan3A_172 = scf.for %scan3A_174 = %scan3A_168 to %scan3A_170 step %scan3A_171 iter_args(%scan3A_175 = %scan3A_167) -> (i32)  : i32 {
        %mul3A_176 = arith.constant 16 : i32
        %mul3A_177 = arith.muli %scan3A_174, %mul3A_176 : i32
        %get3A = arith.index_cast %mul3A_177 : i32 to index
        %get3A_178 = tpu.vector_load %arg19[%get3A] {strides = array<i32>} : memref<2048xf32, #tpu.memory_space<vmem>>, vector<16xf32>,
        %get3A_179 = arith.index_cast %mul3A_177 : i32 to index
        %get3A_180 = tpu.vector_load %arg20[%get3A_179] {strides = array<i32>} : memref<2048xf32, #tpu.memory_space<vmem>>, vector<16xf32>,
        %add3A_181 = arith.addf %get3A_178, %get3A_180 : vector<16xf32>
        %swap3A = arith.index_cast %mul3A_177 : i32 to index
        %swap3A_182 = tpu.vector_load %arg19[%swap3A] {strides = array<i32>} : memref<2048xf32, #tpu.memory_space<vmem>>, vector<16xf32>,
        tpu.vector_store %arg19[%swap3A], %add3A_181 {strides = array<i32>} : memref<2048xf32, #tpu.memory_space<vmem>>, vector<16xf32>,
        %scan3A_183 = arith.constant 0 : i32
        scf.yield %scan3A_183 : i32
      }
      %scan3A_173 = arith.constant 128 : i32
      "tpu.region"() ({
        %run_scoped3A_174 = tpu.sem_alloc : memref<!tpu.dma_semaphore, #tpu.memory_space<semaphore_mem>>
        %dma_start3A_175 = arith.constant 0 : i32
        %dma_start3A_176 = tpu.memref_slice %arg22[%arg1, %dma_start3A_175] : memref<16x2048xf32, #tpu.memory_space<vmem_shared>> -> memref<1x2048xf32, #tpu.memory_space<vmem_shared>>
        %dma_start3A_177 = tpu.memref_squeeze %dma_start3A_176 : memref<1x2048xf32, #tpu.memory_space<vmem_shared>> -> memref<2048xf32, #tpu.memory_space<vmem_shared>>
        %dma_start3A_178 = arith.constant 0 : i32
        %dma_start3A_179 = tpu.memref_slice %arg22[%arg1, %dma_start3A_178] : memref<16x2048xf32, #tpu.memory_space<vmem_shared>> -> memref<1x2048xf32, #tpu.memory_space<vmem_shared>>
        %dma_start3A_180 = tpu.memref_squeeze %dma_start3A_179 : memref<1x2048xf32, #tpu.memory_space<vmem_shared>> -> memref<2048xf32, #tpu.memory_space<vmem_shared>>
        tpu.enqueue_dma source(%arg19 : memref<2048xf32, #tpu.memory_space<vmem>>) target(%dma_start3A_180 : memref<2048xf32, #tpu.memory_space<vmem_shared>>) target_semaphore(%run_scoped3A_174 : memref<!tpu.dma_semaphore, #tpu.memory_space<semaphore_mem>>)
        %dma_wait3A_181 = arith.constant 0 : i32
        %dma_wait3A_182 = tpu.memref_slice %arg22[%arg1, %dma_wait3A_181] : memref<16x2048xf32, #tpu.memory_space<vmem_shared>> -> memref<1x2048xf32, #tpu.memory_space<vmem_shared>>
        %dma_wait3A_183 = tpu.memref_squeeze %dma_wait3A_182 : memref<1x2048xf32, #tpu.memory_space<vmem_shared>> -> memref<2048xf32, #tpu.memory_space<vmem_shared>>
        %dma_wait3A_184 = arith.constant 0 : i32
        %dma_wait3A_185 = tpu.memref_slice %arg22[%arg1, %dma_wait3A_184] : memref<16x2048xf32, #tpu.memory_space<vmem_shared>> -> memref<1x2048xf32, #tpu.memory_space<vmem_shared>>
        %dma_wait3A_186 = tpu.memref_squeeze %dma_wait3A_185 : memref<1x2048xf32, #tpu.memory_space<vmem_shared>> -> memref<2048xf32, #tpu.memory_space<vmem_shared>>
        tpu.wait_dma2 semaphore(%run_scoped3A_174 : memref<!tpu.dma_semaphore, #tpu.memory_space<semaphore_mem>>) src(%arg19 : memref<2048xf32, #tpu.memory_space<vmem>>) dst(%dma_wait3A_186 : memref<2048xf32, #tpu.memory_space<vmem_shared>>)
        tpu.yield
      }) : () -> ()
    } else {
    }
    %barrier3A_142 = arith.constant 0 : index
    tpu.barrier barrier_id(%barrier3A_142)
    %lt3A_143 = arith.constant 1 : i32
    %lt3A_144 = arith.cmpi slt, %arg1, %lt3A_143 : i32
    %convert_element_type3A_145 = arith.extui %lt3A_144 : i1 to i32
    %cond3A_146 = arith.constant 0 : i32
    %cond3A_147 = arith.cmpi ne, %convert_element_type3A_145, %cond3A_146 : i32
    scf.if %cond3A_147 {
      %add3A_165 = arith.constant 1 : i32
      %add3A_166 = arith.addi %arg1, %add3A_165 : i32
      "tpu.region"() ({
        %run_scoped3A_174 = tpu.sem_alloc : memref<!tpu.dma_semaphore, #tpu.memory_space<semaphore_mem>>
        %dma_start3A_175 = arith.constant 0 : i32
        %dma_start3A_176 = tpu.memref_slice %arg22[%add3A_166, %dma_start3A_175] : memref<16x2048xf32, #tpu.memory_space<vmem_shared>> -> memref<1x2048xf32, #tpu.memory_space<vmem_shared>>
        %dma_start3A_177 = tpu.memref_squeeze %dma_start3A_176 : memref<1x2048xf32, #tpu.memory_space<vmem_shared>> -> memref<2048xf32, #tpu.memory_space<vmem_shared>>
        %dma_start3A_178 = arith.constant 0 : i32
        %dma_start3A_179 = tpu.memref_slice %arg22[%add3A_166, %dma_start3A_178] : memref<16x2048xf32, #tpu.memory_space<vmem_shared>> -> memref<1x2048xf32, #tpu.memory_space<vmem_shared>>
        %dma_start3A_180 = tpu.memref_squeeze %dma_start3A_179 : memref<1x2048xf32, #tpu.memory_space<vmem_shared>> -> memref<2048xf32, #tpu.memory_space<vmem_shared>>
        tpu.enqueue_dma source(%dma_start3A_180 : memref<2048xf32, #tpu.memory_space<vmem_shared>>) target(%arg20 : memref<2048xf32, #tpu.memory_space<vmem>>) target_semaphore(%run_scoped3A_174 : memref<!tpu.dma_semaphore, #tpu.memory_space<semaphore_mem>>)
        %dma_wait3A_181 = arith.constant 0 : i32
        %dma_wait3A_182 = tpu.memref_slice %arg22[%add3A_166, %dma_wait3A_181] : memref<16x2048xf32, #tpu.memory_space<vmem_shared>> -> memref<1x2048xf32, #tpu.memory_space<vmem_shared>>
        %dma_wait3A_183 = tpu.memref_squeeze %dma_wait3A_182 : memref<1x2048xf32, #tpu.memory_space<vmem_shared>> -> memref<2048xf32, #tpu.memory_space<vmem_shared>>
        %dma_wait3A_184 = arith.constant 0 : i32
        %dma_wait3A_185 = tpu.memref_slice %arg22[%add3A_166, %dma_wait3A_184] : memref<16x2048xf32, #tpu.memory_space<vmem_shared>> -> memref<1x2048xf32, #tpu.memory_space<vmem_shared>>
        %dma_wait3A_186 = tpu.memref_squeeze %dma_wait3A_185 : memref<1x2048xf32, #tpu.memory_space<vmem_shared>> -> memref<2048xf32, #tpu.memory_space<vmem_shared>>
        tpu.wait_dma2 semaphore(%run_scoped3A_174 : memref<!tpu.dma_semaphore, #tpu.memory_space<semaphore_mem>>) src(%dma_wait3A_186 : memref<2048xf32, #tpu.memory_space<vmem_shared>>) dst(%arg20 : memref<2048xf32, #tpu.memory_space<vmem>>)
        tpu.yield
      }) : () -> ()
      %scan3A_167 = arith.constant 0 : i32
      %scan3A_168 = arith.constant 0 : i32
      %scan3A_169 = arith.constant 128 : i32
      %scan3A_170 = arith.addi %scan3A_168, %scan3A_169 : i32
      %scan3A_171 = arith.constant 1 : i32
      %scan3A_172 = scf.for %scan3A_174 = %scan3A_168 to %scan3A_170 step %scan3A_171 iter_args(%scan3A_175 = %scan3A_167) -> (i32)  : i32 {
        %mul3A_176 = arith.constant 16 : i32
        %mul3A_177 = arith.muli %scan3A_174, %mul3A_176 : i32
        %get3A = arith.index_cast %mul3A_177 : i32 to index
        %get3A_178 = tpu.vector_load %arg19[%get3A] {strides = array<i32>} : memref<2048xf32, #tpu.memory_space<vmem>>, vector<16xf32>,
        %get3A_179 = arith.index_cast %mul3A_177 : i32 to index
        %get3A_180 = tpu.vector_load %arg20[%get3A_179] {strides = array<i32>} : memref<2048xf32, #tpu.memory_space<vmem>>, vector<16xf32>,
        %add3A_181 = arith.addf %get3A_178, %get3A_180 : vector<16xf32>
        %swap3A = arith.index_cast %mul3A_177 : i32 to index
        %swap3A_182 = tpu.vector_load %arg19[%swap3A] {strides = array<i32>} : memref<2048xf32, #tpu.memory_space<vmem>>, vector<16xf32>,
        tpu.vector_store %arg19[%swap3A], %add3A_181 {strides = array<i32>} : memref<2048xf32, #tpu.memory_space<vmem>>, vector<16xf32>,
        %scan3A_183 = arith.constant 0 : i32
        scf.yield %scan3A_183 : i32
      }
      %scan3A_173 = arith.constant 128 : i32
      "tpu.region"() ({
        %run_scoped3A_174 = tpu.sem_alloc : memref<!tpu.dma_semaphore, #tpu.memory_space<semaphore_mem>>
        %dma_start3A_175 = arith.constant 0 : i32
        %dma_start3A_176 = tpu.memref_slice %arg22[%arg1, %dma_start3A_175] : memref<16x2048xf32, #tpu.memory_space<vmem_shared>> -> memref<1x2048xf32, #tpu.memory_space<vmem_shared>>
        %dma_start3A_177 = tpu.memref_squeeze %dma_start3A_176 : memref<1x2048xf32, #tpu.memory_space<vmem_shared>> -> memref<2048xf32, #tpu.memory_space<vmem_shared>>
        %dma_start3A_178 = arith.constant 0 : i32
        %dma_start3A_179 = tpu.memref_slice %arg22[%arg1, %dma_start3A_178] : memref<16x2048xf32, #tpu.memory_space<vmem_shared>> -> memref<1x2048xf32, #tpu.memory_space<vmem_shared>>
        %dma_start3A_180 = tpu.memref_squeeze %dma_start3A_179 : memref<1x2048xf32, #tpu.memory_space<vmem_shared>> -> memref<2048xf32, #tpu.memory_space<vmem_shared>>
        tpu.enqueue_dma source(%arg19 : memref<2048xf32, #tpu.memory_space<vmem>>) target(%dma_start3A_180 : memref<2048xf32, #tpu.memory_space<vmem_shared>>) target_semaphore(%run_scoped3A_174 : memref<!tpu.dma_semaphore, #tpu.memory_space<semaphore_mem>>)
        %dma_wait3A_181 = arith.constant 0 : i32
        %dma_wait3A_182 = tpu.memref_slice %arg22[%arg1, %dma_wait3A_181] : memref<16x2048xf32, #tpu.memory_space<vmem_shared>> -> memref<1x2048xf32, #tpu.memory_space<vmem_shared>>
        %dma_wait3A_183 = tpu.memref_squeeze %dma_wait3A_182 : memref<1x2048xf32, #tpu.memory_space<vmem_shared>> -> memref<2048xf32, #tpu.memory_space<vmem_shared>>
        %dma_wait3A_184 = arith.constant 0 : i32
        %dma_wait3A_185 = tpu.memref_slice %arg22[%arg1, %dma_wait3A_184] : memref<16x2048xf32, #tpu.memory_space<vmem_shared>> -> memref<1x2048xf32, #tpu.memory_space<vmem_shared>>
        %dma_wait3A_186 = tpu.memref_squeeze %dma_wait3A_185 : memref<1x2048xf32, #tpu.memory_space<vmem_shared>> -> memref<2048xf32, #tpu.memory_space<vmem_shared>>
        tpu.wait_dma2 semaphore(%run_scoped3A_174 : memref<!tpu.dma_semaphore, #tpu.memory_space<semaphore_mem>>) src(%arg19 : memref<2048xf32, #tpu.memory_space<vmem>>) dst(%dma_wait3A_186 : memref<2048xf32, #tpu.memory_space<vmem_shared>>)
        tpu.yield
      }) : () -> ()
    } else {
    }
    %barrier3A_148 = arith.constant 0 : index
    tpu.barrier barrier_id(%barrier3A_148)
    %eq3A_149 = arith.constant 0 : i32
    %eq3A_150 = arith.cmpi eq, %arg0, %eq3A_149 : i32
    %eq3A_151 = arith.constant 0 : i32
    %eq3A_152 = arith.cmpi eq, %arg1, %eq3A_151 : i32
    %and3A_153 = arith.andi %eq3A_150, %eq3A_152 : i1
    %convert_element_type3A_154 = arith.extui %and3A_153 : i1 to i32
    %cond3A_155 = arith.constant 0 : i32
    %cond3A_156 = arith.cmpi ne, %convert_element_type3A_154, %cond3A_155 : i32
    scf.if %cond3A_156 {
      "tpu.region"() ({
        %run_scoped3A_165 = tpu.sem_alloc : memref<!tpu.dma_semaphore, #tpu.memory_space<semaphore_mem>>
        tpu.enqueue_dma source(%arg19 : memref<2048xf32, #tpu.memory_space<vmem>>) target(%arg8 : memref<2048xf32, #tpu.memory_space<hbm>>) target_semaphore(%run_scoped3A_165 : memref<!tpu.dma_semaphore, #tpu.memory_space<semaphore_mem>>)
        tpu.wait_dma2 semaphore(%run_scoped3A_165 : memref<!tpu.dma_semaphore, #tpu.memory_space<semaphore_mem>>) src(%arg19 : memref<2048xf32, #tpu.memory_space<vmem>>) dst(%arg8 : memref<2048xf32, #tpu.memory_space<hbm>>)
        tpu.yield
      }) : () -> ()
    } else {
    }
    %barrier3A_157 = arith.constant 0 : index
    tpu.barrier barrier_id(%barrier3A_157)
    %mul3A_158 = arith.constant 128 : i32
    %mul3A_159 = arith.muli %arg1, %mul3A_158 : i32
    "tpu.region"() ({
      %run_scoped3A_165 = tpu.sem_alloc : memref<!tpu.dma_semaphore, #tpu.memory_space<semaphore_mem>>
      %dma_start3A_166 = arith.constant 0 : i32
      %dma_start3A_167 = tpu.memref_slice %arg23[%mul3A_159, %dma_start3A_166] : memref<2048x128xf32, #tpu.memory_space<vmem_shared>> -> memref<128x128xf32, #tpu.memory_space<vmem_shared>>
      %dma_start3A_168 = arith.constant 0 : i32
      %dma_start3A_169 = tpu.memref_slice %arg23[%mul3A_159, %dma_start3A_168] : memref<2048x128xf32, #tpu.memory_space<vmem_shared>> -> memref<128x128xf32, #tpu.memory_space<vmem_shared>>
      tpu.enqueue_dma source(%dma_start3A_169 : memref<128x128xf32, #tpu.memory_space<vmem_shared>>) target(%arg15 : memref<128x128xf32, #tpu.memory_space<vmem>>) target_semaphore(%run_scoped3A_165 : memref<!tpu.dma_semaphore, #tpu.memory_space<semaphore_mem>>)
      %dma_wait3A_170 = arith.constant 0 : i32
      %dma_wait3A_171 = tpu.memref_slice %arg23[%mul3A_159, %dma_wait3A_170] : memref<2048x128xf32, #tpu.memory_space<vmem_shared>> -> memref<128x128xf32, #tpu.memory_space<vmem_shared>>
      %dma_wait3A_172 = arith.constant 0 : i32
      %dma_wait3A_173 = tpu.memref_slice %arg23[%mul3A_159, %dma_wait3A_172] : memref<2048x128xf32, #tpu.memory_space<vmem_shared>> -> memref<128x128xf32, #tpu.memory_space<vmem_shared>>
      tpu.wait_dma2 semaphore(%run_scoped3A_165 : memref<!tpu.dma_semaphore, #tpu.memory_space<semaphore_mem>>) src(%dma_wait3A_173 : memref<128x128xf32, #tpu.memory_space<vmem_shared>>) dst(%arg15 : memref<128x128xf32, #tpu.memory_space<vmem>>)
      tpu.yield
    }) : () -> ()
    %mul3A_160 = arith.constant 2048 : i32
    %mul3A_161 = arith.muli %arg0, %mul3A_160 : i32
    %mul3A_162 = arith.constant 128 : i32
    %mul3A_163 = arith.muli %arg1, %mul3A_162 : i32
    %add3A_164 = arith.addi %mul3A_161, %mul3A_163 : i32
    "tpu.region"() ({
      %run_scoped3A_165 = tpu.sem_alloc : memref<!tpu.dma_semaphore, #tpu.memory_space<semaphore_mem>>
      %dma_start3A_166 = arith.constant 0 : i32
      %dma_start3A_167 = tpu.memref_slice %arg5[%add3A_164, %dma_start3A_166] : memref<4096x128xf32, #tpu.memory_space<hbm>> -> memref<128x128xf32, #tpu.memory_space<hbm>>
      %dma_start3A_168 = arith.constant 0 : i32
      %dma_start3A_169 = tpu.memref_slice %arg5[%add3A_164, %dma_start3A_168] : memref<4096x128xf32, #tpu.memory_space<hbm>> -> memref<128x128xf32, #tpu.memory_space<hbm>>
      tpu.enqueue_dma source(%arg15 : memref<128x128xf32, #tpu.memory_space<vmem>>) target(%dma_start3A_169 : memref<128x128xf32, #tpu.memory_space<hbm>>) target_semaphore(%run_scoped3A_165 : memref<!tpu.dma_semaphore, #tpu.memory_space<semaphore_mem>>)
      %dma_wait3A_170 = arith.constant 0 : i32
      %dma_wait3A_171 = tpu.memref_slice %arg5[%add3A_164, %dma_wait3A_170] : memref<4096x128xf32, #tpu.memory_space<hbm>> -> memref<128x128xf32, #tpu.memory_space<hbm>>
      %dma_wait3A_172 = arith.constant 0 : i32
      %dma_wait3A_173 = tpu.memref_slice %arg5[%add3A_164, %dma_wait3A_172] : memref<4096x128xf32, #tpu.memory_space<hbm>> -> memref<128x128xf32, #tpu.memory_space<hbm>>
      tpu.wait_dma2 semaphore(%run_scoped3A_165 : memref<!tpu.dma_semaphore, #tpu.memory_space<semaphore_mem>>) src(%arg15 : memref<128x128xf32, #tpu.memory_space<vmem>>) dst(%dma_wait3A_173 : memref<128x128xf32, #tpu.memory_space<hbm>>)
      tpu.yield
    }) : () -> ()
    return
  }
}

#map = affine_map<(d0, d1) -> (0, 0)>
#map1 = affine_map<(d0, d1) -> (0)>
module attributes {stable_mosaic.version = 14 : i64} {
  func.func @_k4(%arg0: i32, %arg1: i32, %arg2: memref<2048x128xf32, #tpu.memory_space<hbm>>, %arg3: memref<327680xi32, #tpu.memory_space<hbm>>, %arg4: memref<327680xi32, #tpu.memory_space<hbm>>, %arg5: memref<20480x128xf32, #tpu.memory_space<hbm>>, %arg6: memref<128xi32, #tpu.memory_space<vmem>>, %arg7: memref<128xi32, #tpu.memory_space<vmem>>, %arg8: memref<128xi32, #tpu.memory_space<vmem>>, %arg9: memref<128xi32, #tpu.memory_space<vmem>>, %arg10: memref<128x128xf32, #tpu.memory_space<vmem>>, %arg11: memref<128x128xf32, #tpu.memory_space<vmem>>, %arg12: memref<10240x128xf32, #tpu.memory_space<vmem_shared>>, %arg13: memref<!tpu.dma_semaphore, #tpu.memory_space<semaphore_mem>>, %arg14: memref<!tpu.dma_semaphore, #tpu.memory_space<semaphore_mem>>, %arg15: memref<!tpu.dma_semaphore, #tpu.memory_space<semaphore_mem>>, %arg16: memref<!tpu.dma_semaphore, #tpu.memory_space<semaphore_mem>>) attributes {dimension_semantics = [#tpu.dimension_semantics<core_parallel>, #tpu.dimension_semantics<subcore_parallel>], iteration_bounds = array<i64: 2, 16>, scalar_prefetch = 0 : i64, scratch_operands = 11 : i64, tpu.core_type = #tpu.core_type<sc_vector_subcore>, window_params = [{transform_indices = #map}, {transform_indices = #map1}, {transform_indices = #map1}, {transform_indices = #map}]} {
    %scan3A = arith.constant 0 : i32
    %scan3A_0 = arith.constant 0 : i32
    %scan3A_1 = arith.constant 1024 : i32
    %scan3A_2 = arith.addi %scan3A_0, %scan3A_1 : i32
    %scan3A_3 = arith.constant 1 : i32
    %scan3A_4 = scf.for %scan3A_91 = %scan3A_0 to %scan3A_2 step %scan3A_3 iter_args(%scan3A_92 = %scan3A) -> (i32)  : i32 {
      %jit3A = arith.constant 8 : i32
      %div3A = arith.divsi %scan3A_91, %jit3A : i32
      %sign3A = arith.constant 0 : i32
      %sign3A_93 = arith.cmpi sgt, %scan3A_91, %sign3A : i32
      %sign3A_94 = arith.extui %sign3A_93 : i1 to i32
      %sign3A_95 = arith.constant 0 : i32
      %sign3A_96 = arith.cmpi slt, %scan3A_91, %sign3A_95 : i32
      %sign3A_97 = arith.extui %sign3A_96 : i1 to i32
      %sign3A_98 = arith.subi %sign3A_94, %sign3A_97 : i32
      %sign3A_99 = arith.constant 0 : i32
      %sign3A_100 = arith.cmpi sgt, %jit3A, %sign3A_99 : i32
      %sign3A_101 = arith.extui %sign3A_100 : i1 to i32
      %sign3A_102 = arith.constant 0 : i32
      %sign3A_103 = arith.cmpi slt, %jit3A, %sign3A_102 : i32
      %sign3A_104 = arith.extui %sign3A_103 : i1 to i32
      %sign3A_105 = arith.subi %sign3A_101, %sign3A_104 : i32
      %ne3A = arith.cmpi ne, %sign3A_98, %sign3A_105 : i32
      %rem3A = arith.remsi %scan3A_91, %jit3A : i32
      %ne3A_106 = arith.constant 0 : i32
      %ne3A_107 = arith.cmpi ne, %rem3A, %ne3A_106 : i32
      %and3A = arith.andi %ne3A, %ne3A_107 : i1
      %sub3A = arith.constant 1 : i32
      %sub3A_108 = arith.subi %div3A, %sub3A : i32
      %select_n3A = arith.select %and3A, %sub3A_108, %div3A : i32
      %jit3A_109 = arith.constant 8 : i32
      %eq3A = arith.constant 0 : i32
      %eq3A_110 = arith.cmpi eq, %jit3A_109, %eq3A : i32
      %jit3A_111 = arith.constant 1 : i32
      %select_n3A_112 = arith.select %eq3A_110, %jit3A_111, %jit3A_109 : i32
      %rem3A_113 = arith.remsi %scan3A_91, %select_n3A_112 : i32
      %ne3A_114 = arith.constant 0 : i32
      %ne3A_115 = arith.cmpi ne, %rem3A_113, %ne3A_114 : i32
      %lt3A = arith.constant 0 : i32
      %lt3A_116 = arith.cmpi slt, %rem3A_113, %lt3A : i32
      %lt3A_117 = arith.constant 0 : i32
      %lt3A_118 = arith.cmpi slt, %select_n3A_112, %lt3A_117 : i32
      %ne3A_119 = arith.xori %lt3A_116, %lt3A_118 : i1
      %and3A_120 = arith.andi %ne3A_119, %ne3A_115 : i1
      %add3A_121 = arith.addi %rem3A_113, %select_n3A_112 : i32
      %select_n3A_122 = arith.select %and3A_120, %add3A_121, %rem3A_113 : i32
      %mul3A_123 = arith.constant 16 : i32
      %mul3A_124 = arith.muli %select_n3A_122, %mul3A_123 : i32
      %broadcast_in_dim3A = arith.constant 0.000000e+00 : f32
      %broadcast_in_dim3A_125 = vector.broadcast %broadcast_in_dim3A : f32 to vector<16xf32>
      %swap3A = arith.index_cast %select_n3A : i32 to index
      %swap3A_126 = arith.index_cast %mul3A_124 : i32 to index
      %swap3A_127 = tpu.vector_load %arg10[%swap3A, %swap3A_126] {strides = array<i32>} : memref<128x128xf32, #tpu.memory_space<vmem>>, vector<16xf32>,
      tpu.vector_store %arg10[%swap3A, %swap3A_126], %broadcast_in_dim3A_125 {strides = array<i32>} : memref<128x128xf32, #tpu.memory_space<vmem>>, vector<16xf32>,
      %scan3A_128 = arith.constant 0 : i32
      scf.yield %scan3A_128 : i32
    }
    %scan3A_5 = arith.constant 1024 : i32
    %mul3A = arith.constant 640 : i32
    %mul3A_6 = arith.muli %arg1, %mul3A : i32
    %add3A = arith.constant 0 : i32
    %add3A_7 = arith.addi %mul3A_6, %add3A : i32
    "tpu.region"() ({
      %run_scoped3A = tpu.sem_alloc : memref<!tpu.dma_semaphore, #tpu.memory_space<semaphore_mem>>
      %dma_start3A_91 = arith.constant 0 : i32
      %dma_start3A_92 = tpu.memref_slice %arg12[%add3A_7, %dma_start3A_91] : memref<10240x128xf32, #tpu.memory_space<vmem_shared>> -> memref<128x128xf32, #tpu.memory_space<vmem_shared>>
      %dma_start3A_93 = arith.constant 0 : i32
      %dma_start3A_94 = tpu.memref_slice %arg12[%add3A_7, %dma_start3A_93] : memref<10240x128xf32, #tpu.memory_space<vmem_shared>> -> memref<128x128xf32, #tpu.memory_space<vmem_shared>>
      tpu.enqueue_dma source(%arg10 : memref<128x128xf32, #tpu.memory_space<vmem>>) target(%dma_start3A_94 : memref<128x128xf32, #tpu.memory_space<vmem_shared>>) target_semaphore(%run_scoped3A : memref<!tpu.dma_semaphore, #tpu.memory_space<semaphore_mem>>)
      %dma_wait3A_95 = arith.constant 0 : i32
      %dma_wait3A_96 = tpu.memref_slice %arg12[%add3A_7, %dma_wait3A_95] : memref<10240x128xf32, #tpu.memory_space<vmem_shared>> -> memref<128x128xf32, #tpu.memory_space<vmem_shared>>
      %dma_wait3A_97 = arith.constant 0 : i32
      %dma_wait3A_98 = tpu.memref_slice %arg12[%add3A_7, %dma_wait3A_97] : memref<10240x128xf32, #tpu.memory_space<vmem_shared>> -> memref<128x128xf32, #tpu.memory_space<vmem_shared>>
      tpu.wait_dma2 semaphore(%run_scoped3A : memref<!tpu.dma_semaphore, #tpu.memory_space<semaphore_mem>>) src(%arg10 : memref<128x128xf32, #tpu.memory_space<vmem>>) dst(%dma_wait3A_98 : memref<128x128xf32, #tpu.memory_space<vmem_shared>>)
      tpu.yield
    }) : () -> ()
    %mul3A_8 = arith.constant 640 : i32
    %mul3A_9 = arith.muli %arg1, %mul3A_8 : i32
    %add3A_10 = arith.constant 128 : i32
    %add3A_11 = arith.addi %mul3A_9, %add3A_10 : i32
    "tpu.region"() ({
      %run_scoped3A = tpu.sem_alloc : memref<!tpu.dma_semaphore, #tpu.memory_space<semaphore_mem>>
      %dma_start3A_91 = arith.constant 0 : i32
      %dma_start3A_92 = tpu.memref_slice %arg12[%add3A_11, %dma_start3A_91] : memref<10240x128xf32, #tpu.memory_space<vmem_shared>> -> memref<128x128xf32, #tpu.memory_space<vmem_shared>>
      %dma_start3A_93 = arith.constant 0 : i32
      %dma_start3A_94 = tpu.memref_slice %arg12[%add3A_11, %dma_start3A_93] : memref<10240x128xf32, #tpu.memory_space<vmem_shared>> -> memref<128x128xf32, #tpu.memory_space<vmem_shared>>
      tpu.enqueue_dma source(%arg10 : memref<128x128xf32, #tpu.memory_space<vmem>>) target(%dma_start3A_94 : memref<128x128xf32, #tpu.memory_space<vmem_shared>>) target_semaphore(%run_scoped3A : memref<!tpu.dma_semaphore, #tpu.memory_space<semaphore_mem>>)
      %dma_wait3A_95 = arith.constant 0 : i32
      %dma_wait3A_96 = tpu.memref_slice %arg12[%add3A_11, %dma_wait3A_95] : memref<10240x128xf32, #tpu.memory_space<vmem_shared>> -> memref<128x128xf32, #tpu.memory_space<vmem_shared>>
      %dma_wait3A_97 = arith.constant 0 : i32
      %dma_wait3A_98 = tpu.memref_slice %arg12[%add3A_11, %dma_wait3A_97] : memref<10240x128xf32, #tpu.memory_space<vmem_shared>> -> memref<128x128xf32, #tpu.memory_space<vmem_shared>>
      tpu.wait_dma2 semaphore(%run_scoped3A : memref<!tpu.dma_semaphore, #tpu.memory_space<semaphore_mem>>) src(%arg10 : memref<128x128xf32, #tpu.memory_space<vmem>>) dst(%dma_wait3A_98 : memref<128x128xf32, #tpu.memory_space<vmem_shared>>)
      tpu.yield
    }) : () -> ()
    %mul3A_12 = arith.constant 640 : i32
    %mul3A_13 = arith.muli %arg1, %mul3A_12 : i32
    %add3A_14 = arith.constant 256 : i32
    %add3A_15 = arith.addi %mul3A_13, %add3A_14 : i32
    "tpu.region"() ({
      %run_scoped3A = tpu.sem_alloc : memref<!tpu.dma_semaphore, #tpu.memory_space<semaphore_mem>>
      %dma_start3A_91 = arith.constant 0 : i32
      %dma_start3A_92 = tpu.memref_slice %arg12[%add3A_15, %dma_start3A_91] : memref<10240x128xf32, #tpu.memory_space<vmem_shared>> -> memref<128x128xf32, #tpu.memory_space<vmem_shared>>
      %dma_start3A_93 = arith.constant 0 : i32
      %dma_start3A_94 = tpu.memref_slice %arg12[%add3A_15, %dma_start3A_93] : memref<10240x128xf32, #tpu.memory_space<vmem_shared>> -> memref<128x128xf32, #tpu.memory_space<vmem_shared>>
      tpu.enqueue_dma source(%arg10 : memref<128x128xf32, #tpu.memory_space<vmem>>) target(%dma_start3A_94 : memref<128x128xf32, #tpu.memory_space<vmem_shared>>) target_semaphore(%run_scoped3A : memref<!tpu.dma_semaphore, #tpu.memory_space<semaphore_mem>>)
      %dma_wait3A_95 = arith.constant 0 : i32
      %dma_wait3A_96 = tpu.memref_slice %arg12[%add3A_15, %dma_wait3A_95] : memref<10240x128xf32, #tpu.memory_space<vmem_shared>> -> memref<128x128xf32, #tpu.memory_space<vmem_shared>>
      %dma_wait3A_97 = arith.constant 0 : i32
      %dma_wait3A_98 = tpu.memref_slice %arg12[%add3A_15, %dma_wait3A_97] : memref<10240x128xf32, #tpu.memory_space<vmem_shared>> -> memref<128x128xf32, #tpu.memory_space<vmem_shared>>
      tpu.wait_dma2 semaphore(%run_scoped3A : memref<!tpu.dma_semaphore, #tpu.memory_space<semaphore_mem>>) src(%arg10 : memref<128x128xf32, #tpu.memory_space<vmem>>) dst(%dma_wait3A_98 : memref<128x128xf32, #tpu.memory_space<vmem_shared>>)
      tpu.yield
    }) : () -> ()
    %mul3A_16 = arith.constant 640 : i32
    %mul3A_17 = arith.muli %arg1, %mul3A_16 : i32
    %add3A_18 = arith.constant 384 : i32
    %add3A_19 = arith.addi %mul3A_17, %add3A_18 : i32
    "tpu.region"() ({
      %run_scoped3A = tpu.sem_alloc : memref<!tpu.dma_semaphore, #tpu.memory_space<semaphore_mem>>
      %dma_start3A_91 = arith.constant 0 : i32
      %dma_start3A_92 = tpu.memref_slice %arg12[%add3A_19, %dma_start3A_91] : memref<10240x128xf32, #tpu.memory_space<vmem_shared>> -> memref<128x128xf32, #tpu.memory_space<vmem_shared>>
      %dma_start3A_93 = arith.constant 0 : i32
      %dma_start3A_94 = tpu.memref_slice %arg12[%add3A_19, %dma_start3A_93] : memref<10240x128xf32, #tpu.memory_space<vmem_shared>> -> memref<128x128xf32, #tpu.memory_space<vmem_shared>>
      tpu.enqueue_dma source(%arg10 : memref<128x128xf32, #tpu.memory_space<vmem>>) target(%dma_start3A_94 : memref<128x128xf32, #tpu.memory_space<vmem_shared>>) target_semaphore(%run_scoped3A : memref<!tpu.dma_semaphore, #tpu.memory_space<semaphore_mem>>)
      %dma_wait3A_95 = arith.constant 0 : i32
      %dma_wait3A_96 = tpu.memref_slice %arg12[%add3A_19, %dma_wait3A_95] : memref<10240x128xf32, #tpu.memory_space<vmem_shared>> -> memref<128x128xf32, #tpu.memory_space<vmem_shared>>
      %dma_wait3A_97 = arith.constant 0 : i32
      %dma_wait3A_98 = tpu.memref_slice %arg12[%add3A_19, %dma_wait3A_97] : memref<10240x128xf32, #tpu.memory_space<vmem_shared>> -> memref<128x128xf32, #tpu.memory_space<vmem_shared>>
      tpu.wait_dma2 semaphore(%run_scoped3A : memref<!tpu.dma_semaphore, #tpu.memory_space<semaphore_mem>>) src(%arg10 : memref<128x128xf32, #tpu.memory_space<vmem>>) dst(%dma_wait3A_98 : memref<128x128xf32, #tpu.memory_space<vmem_shared>>)
      tpu.yield
    }) : () -> ()
    %mul3A_20 = arith.constant 640 : i32
    %mul3A_21 = arith.muli %arg1, %mul3A_20 : i32
    %add3A_22 = arith.constant 512 : i32
    %add3A_23 = arith.addi %mul3A_21, %add3A_22 : i32
    "tpu.region"() ({
      %run_scoped3A = tpu.sem_alloc : memref<!tpu.dma_semaphore, #tpu.memory_space<semaphore_mem>>
      %dma_start3A_91 = arith.constant 0 : i32
      %dma_start3A_92 = tpu.memref_slice %arg12[%add3A_23, %dma_start3A_91] : memref<10240x128xf32, #tpu.memory_space<vmem_shared>> -> memref<128x128xf32, #tpu.memory_space<vmem_shared>>
      %dma_start3A_93 = arith.constant 0 : i32
      %dma_start3A_94 = tpu.memref_slice %arg12[%add3A_23, %dma_start3A_93] : memref<10240x128xf32, #tpu.memory_space<vmem_shared>> -> memref<128x128xf32, #tpu.memory_space<vmem_shared>>
      tpu.enqueue_dma source(%arg10 : memref<128x128xf32, #tpu.memory_space<vmem>>) target(%dma_start3A_94 : memref<128x128xf32, #tpu.memory_space<vmem_shared>>) target_semaphore(%run_scoped3A : memref<!tpu.dma_semaphore, #tpu.memory_space<semaphore_mem>>)
      %dma_wait3A_95 = arith.constant 0 : i32
      %dma_wait3A_96 = tpu.memref_slice %arg12[%add3A_23, %dma_wait3A_95] : memref<10240x128xf32, #tpu.memory_space<vmem_shared>> -> memref<128x128xf32, #tpu.memory_space<vmem_shared>>
      %dma_wait3A_97 = arith.constant 0 : i32
      %dma_wait3A_98 = tpu.memref_slice %arg12[%add3A_23, %dma_wait3A_97] : memref<10240x128xf32, #tpu.memory_space<vmem_shared>> -> memref<128x128xf32, #tpu.memory_space<vmem_shared>>
      tpu.wait_dma2 semaphore(%run_scoped3A : memref<!tpu.dma_semaphore, #tpu.memory_space<semaphore_mem>>) src(%arg10 : memref<128x128xf32, #tpu.memory_space<vmem>>) dst(%dma_wait3A_98 : memref<128x128xf32, #tpu.memory_space<vmem_shared>>)
      tpu.yield
    }) : () -> ()
    %barrier3A = arith.constant 0 : index
    tpu.barrier barrier_id(%barrier3A)
    %mul3A_24 = arith.constant 163840 : i32
    %mul3A_25 = arith.muli %arg0, %mul3A_24 : i32
    %mul3A_26 = arith.constant 10240 : i32
    %mul3A_27 = arith.muli %arg1, %mul3A_26 : i32
    %add3A_28 = arith.addi %mul3A_25, %mul3A_27 : i32
    %add3A_29 = arith.constant 0 : i32
    %add3A_30 = arith.addi %add3A_28, %add3A_29 : i32
    %dma_start3A = tpu.memref_slice %arg4[%add3A_30] : memref<327680xi32, #tpu.memory_space<hbm>> -> memref<128xi32, #tpu.memory_space<hbm>>
    %dma_start3A_31 = tpu.memref_slice %arg4[%add3A_30] : memref<327680xi32, #tpu.memory_space<hbm>> -> memref<128xi32, #tpu.memory_space<hbm>>
    tpu.enqueue_dma source(%dma_start3A_31 : memref<128xi32, #tpu.memory_space<hbm>>) target(%arg6 : memref<128xi32, #tpu.memory_space<vmem>>) target_semaphore(%arg13 : memref<!tpu.dma_semaphore, #tpu.memory_space<semaphore_mem>>)
    %dma_start3A_32 = tpu.memref_slice %arg3[%add3A_30] : memref<327680xi32, #tpu.memory_space<hbm>> -> memref<128xi32, #tpu.memory_space<hbm>>
    %dma_start3A_33 = tpu.memref_slice %arg3[%add3A_30] : memref<327680xi32, #tpu.memory_space<hbm>> -> memref<128xi32, #tpu.memory_space<hbm>>
    tpu.enqueue_dma source(%dma_start3A_33 : memref<128xi32, #tpu.memory_space<hbm>>) target(%arg7 : memref<128xi32, #tpu.memory_space<vmem>>) target_semaphore(%arg13 : memref<!tpu.dma_semaphore, #tpu.memory_space<semaphore_mem>>)
    %add3A_34 = arith.constant 0 : i32
    %add3A_35 = arith.addi %add3A_28, %add3A_34 : i32
    %dma_wait3A = tpu.memref_slice %arg4[%add3A_35] : memref<327680xi32, #tpu.memory_space<hbm>> -> memref<128xi32, #tpu.memory_space<hbm>>
    %dma_wait3A_36 = tpu.memref_slice %arg4[%add3A_35] : memref<327680xi32, #tpu.memory_space<hbm>> -> memref<128xi32, #tpu.memory_space<hbm>>
    tpu.wait_dma2 semaphore(%arg13 : memref<!tpu.dma_semaphore, #tpu.memory_space<semaphore_mem>>) src(%dma_wait3A_36 : memref<128xi32, #tpu.memory_space<hbm>>) dst(%arg6 : memref<128xi32, #tpu.memory_space<vmem>>)
    %dma_wait3A_37 = tpu.memref_slice %arg3[%add3A_35] : memref<327680xi32, #tpu.memory_space<hbm>> -> memref<128xi32, #tpu.memory_space<hbm>>
    %dma_wait3A_38 = tpu.memref_slice %arg3[%add3A_35] : memref<327680xi32, #tpu.memory_space<hbm>> -> memref<128xi32, #tpu.memory_space<hbm>>
    tpu.wait_dma2 semaphore(%arg13 : memref<!tpu.dma_semaphore, #tpu.memory_space<semaphore_mem>>) src(%dma_wait3A_38 : memref<128xi32, #tpu.memory_space<hbm>>) dst(%arg7 : memref<128xi32, #tpu.memory_space<vmem>>)
    %dma_start3A_39 = arith.constant 0 : i32
    %dma_start3A_40 = arith.constant 0 : i32
    %dma_start3A_41 = tpu.memref_slice %arg2[%dma_start3A_39, %dma_start3A_40] : memref<2048x128xf32, #tpu.memory_space<hbm>> -> memref<2048x128xf32, #tpu.memory_space<hbm>>
    tpu.enqueue_indirect_dma source(%dma_start3A_41 : memref<2048x128xf32, #tpu.memory_space<hbm>>) target(%arg10 : memref<128x128xf32, #tpu.memory_space<vmem>>) offsets(%arg6 : memref<128xi32, #tpu.memory_space<vmem>>) semaphore(%arg15 : memref<!tpu.dma_semaphore, #tpu.memory_space<semaphore_mem>>)
    %add3A_42 = arith.constant 128 : i32
    %add3A_43 = arith.addi %add3A_28, %add3A_42 : i32
    %dma_start3A_44 = tpu.memref_slice %arg4[%add3A_43] : memref<327680xi32, #tpu.memory_space<hbm>> -> memref<128xi32, #tpu.memory_space<hbm>>
    %dma_start3A_45 = tpu.memref_slice %arg4[%add3A_43] : memref<327680xi32, #tpu.memory_space<hbm>> -> memref<128xi32, #tpu.memory_space<hbm>>
    tpu.enqueue_dma source(%dma_start3A_45 : memref<128xi32, #tpu.memory_space<hbm>>) target(%arg8 : memref<128xi32, #tpu.memory_space<vmem>>) target_semaphore(%arg14 : memref<!tpu.dma_semaphore, #tpu.memory_space<semaphore_mem>>)
    %dma_start3A_46 = tpu.memref_slice %arg3[%add3A_43] : memref<327680xi32, #tpu.memory_space<hbm>> -> memref<128xi32, #tpu.memory_space<hbm>>
    %dma_start3A_47 = tpu.memref_slice %arg3[%add3A_43] : memref<327680xi32, #tpu.memory_space<hbm>> -> memref<128xi32, #tpu.memory_space<hbm>>
    tpu.enqueue_dma source(%dma_start3A_47 : memref<128xi32, #tpu.memory_space<hbm>>) target(%arg9 : memref<128xi32, #tpu.memory_space<vmem>>) target_semaphore(%arg14 : memref<!tpu.dma_semaphore, #tpu.memory_space<semaphore_mem>>)
    %scan3A_48 = arith.constant 0 : i32
    %scan3A_49 = arith.constant 0 : i32
    %scan3A_50 = arith.constant 40 : i32
    %scan3A_51 = arith.addi %scan3A_49, %scan3A_50 : i32
    %scan3A_52 = arith.constant 1 : i32
    %scan3A_53 = scf.for %scan3A_91 = %scan3A_49 to %scan3A_51 step %scan3A_52 iter_args(%scan3A_92 = %scan3A_48) -> (i32)  : i32 {
      %mul3A_93 = arith.constant 2 : i32
      %mul3A_94 = arith.muli %mul3A_93, %scan3A_91 : i32
      %add3A_95 = arith.constant 1 : i32
      %add3A_96 = arith.addi %mul3A_94, %add3A_95 : i32
      %mul3A_97 = arith.constant 128 : i32
      %mul3A_98 = arith.muli %add3A_96, %mul3A_97 : i32
      %add3A_99 = arith.addi %add3A_28, %mul3A_98 : i32
      %dma_wait3A_100 = tpu.memref_slice %arg4[%add3A_99] : memref<327680xi32, #tpu.memory_space<hbm>> -> memref<128xi32, #tpu.memory_space<hbm>>
      %dma_wait3A_101 = tpu.memref_slice %arg4[%add3A_99] : memref<327680xi32, #tpu.memory_space<hbm>> -> memref<128xi32, #tpu.memory_space<hbm>>
      tpu.wait_dma2 semaphore(%arg14 : memref<!tpu.dma_semaphore, #tpu.memory_space<semaphore_mem>>) src(%dma_wait3A_101 : memref<128xi32, #tpu.memory_space<hbm>>) dst(%arg8 : memref<128xi32, #tpu.memory_space<vmem>>)
      %dma_wait3A_102 = tpu.memref_slice %arg3[%add3A_99] : memref<327680xi32, #tpu.memory_space<hbm>> -> memref<128xi32, #tpu.memory_space<hbm>>
      %dma_wait3A_103 = tpu.memref_slice %arg3[%add3A_99] : memref<327680xi32, #tpu.memory_space<hbm>> -> memref<128xi32, #tpu.memory_space<hbm>>
      tpu.wait_dma2 semaphore(%arg14 : memref<!tpu.dma_semaphore, #tpu.memory_space<semaphore_mem>>) src(%dma_wait3A_103 : memref<128xi32, #tpu.memory_space<hbm>>) dst(%arg9 : memref<128xi32, #tpu.memory_space<vmem>>)
      %dma_start3A_104 = arith.constant 0 : i32
      %dma_start3A_105 = arith.constant 0 : i32
      %dma_start3A_106 = tpu.memref_slice %arg2[%dma_start3A_104, %dma_start3A_105] : memref<2048x128xf32, #tpu.memory_space<hbm>> -> memref<2048x128xf32, #tpu.memory_space<hbm>>
      tpu.enqueue_indirect_dma source(%dma_start3A_106 : memref<2048x128xf32, #tpu.memory_space<hbm>>) target(%arg11 : memref<128x128xf32, #tpu.memory_space<vmem>>) offsets(%arg8 : memref<128xi32, #tpu.memory_space<vmem>>) semaphore(%arg16 : memref<!tpu.dma_semaphore, #tpu.memory_space<semaphore_mem>>)
      %dma_wait3A_107 = arith.constant 0 : i32
      %dma_wait3A_108 = arith.constant 0 : i32
      %dma_wait3A_109 = tpu.memref_slice %arg2[%dma_wait3A_107, %dma_wait3A_108] : memref<2048x128xf32, #tpu.memory_space<hbm>> -> memref<2048x128xf32, #tpu.memory_space<hbm>>
      tpu.wait_indirect_dma semaphore(%arg15 : memref<!tpu.dma_semaphore, #tpu.memory_space<semaphore_mem>>) src(%dma_wait3A_109 : memref<2048x128xf32, #tpu.memory_space<hbm>>) dst(%arg10 : memref<128x128xf32, #tpu.memory_space<vmem>>)
      "tpu.region"() ({
        %run_scoped3A = tpu.sem_alloc : memref<!tpu.dma_semaphore, #tpu.memory_space<semaphore_mem>>
        %dma_start3A_125 = arith.constant 0 : i32
        %dma_start3A_126 = arith.constant 0 : i32
        %dma_start3A_127 = tpu.memref_slice %arg12[%dma_start3A_125, %dma_start3A_126] : memref<10240x128xf32, #tpu.memory_space<vmem_shared>> -> memref<10240x128xf32, #tpu.memory_space<vmem_shared>>
        tpu.enqueue_indirect_dma source(%arg10 : memref<128x128xf32, #tpu.memory_space<vmem>>) target(%dma_start3A_127 : memref<10240x128xf32, #tpu.memory_space<vmem_shared>>) offsets(%arg7 : memref<128xi32, #tpu.memory_space<vmem>>) semaphore(%run_scoped3A : memref<!tpu.dma_semaphore, #tpu.memory_space<semaphore_mem>>) {add = true}
        %dma_wait3A_128 = arith.constant 0 : i32
        %dma_wait3A_129 = arith.constant 0 : i32
        %dma_wait3A_130 = tpu.memref_slice %arg12[%dma_wait3A_128, %dma_wait3A_129] : memref<10240x128xf32, #tpu.memory_space<vmem_shared>> -> memref<10240x128xf32, #tpu.memory_space<vmem_shared>>
        tpu.wait_indirect_dma semaphore(%run_scoped3A : memref<!tpu.dma_semaphore, #tpu.memory_space<semaphore_mem>>) src(%arg10 : memref<128x128xf32, #tpu.memory_space<vmem>>) dst(%dma_wait3A_130 : memref<10240x128xf32, #tpu.memory_space<vmem_shared>>)
        tpu.yield
      }) : () -> ()
      %add3A_110 = arith.constant 2 : i32
      %add3A_111 = arith.addi %mul3A_94, %add3A_110 : i32
      %lt3A = arith.constant 80 : i32
      %lt3A_112 = arith.cmpi slt, %add3A_111, %lt3A : i32
      %convert_element_type3A = arith.extui %lt3A_112 : i1 to i32
      %cond3A = arith.constant 0 : i32
      %cond3A_113 = arith.cmpi ne, %convert_element_type3A, %cond3A : i32
      scf.if %cond3A_113 {
        %add3A_125 = arith.constant 2 : i32
        %add3A_126 = arith.addi %mul3A_94, %add3A_125 : i32
        %mul3A_127 = arith.constant 128 : i32
        %mul3A_128 = arith.muli %add3A_126, %mul3A_127 : i32
        %add3A_129 = arith.addi %add3A_28, %mul3A_128 : i32
        %dma_start3A_130 = tpu.memref_slice %arg4[%add3A_129] : memref<327680xi32, #tpu.memory_space<hbm>> -> memref<128xi32, #tpu.memory_space<hbm>>
        %dma_start3A_131 = tpu.memref_slice %arg4[%add3A_129] : memref<327680xi32, #tpu.memory_space<hbm>> -> memref<128xi32, #tpu.memory_space<hbm>>
        tpu.enqueue_dma source(%dma_start3A_131 : memref<128xi32, #tpu.memory_space<hbm>>) target(%arg6 : memref<128xi32, #tpu.memory_space<vmem>>) target_semaphore(%arg13 : memref<!tpu.dma_semaphore, #tpu.memory_space<semaphore_mem>>)
        %dma_start3A_132 = tpu.memref_slice %arg3[%add3A_129] : memref<327680xi32, #tpu.memory_space<hbm>> -> memref<128xi32, #tpu.memory_space<hbm>>
        %dma_start3A_133 = tpu.memref_slice %arg3[%add3A_129] : memref<327680xi32, #tpu.memory_space<hbm>> -> memref<128xi32, #tpu.memory_space<hbm>>
        tpu.enqueue_dma source(%dma_start3A_133 : memref<128xi32, #tpu.memory_space<hbm>>) target(%arg7 : memref<128xi32, #tpu.memory_space<vmem>>) target_semaphore(%arg13 : memref<!tpu.dma_semaphore, #tpu.memory_space<semaphore_mem>>)
        %add3A_134 = arith.constant 2 : i32
        %add3A_135 = arith.addi %mul3A_94, %add3A_134 : i32
        %mul3A_136 = arith.constant 128 : i32
        %mul3A_137 = arith.muli %add3A_135, %mul3A_136 : i32
        %add3A_138 = arith.addi %add3A_28, %mul3A_137 : i32
        %dma_wait3A_139 = tpu.memref_slice %arg4[%add3A_138] : memref<327680xi32, #tpu.memory_space<hbm>> -> memref<128xi32, #tpu.memory_space<hbm>>
        %dma_wait3A_140 = tpu.memref_slice %arg4[%add3A_138] : memref<327680xi32, #tpu.memory_space<hbm>> -> memref<128xi32, #tpu.memory_space<hbm>>
        tpu.wait_dma2 semaphore(%arg13 : memref<!tpu.dma_semaphore, #tpu.memory_space<semaphore_mem>>) src(%dma_wait3A_140 : memref<128xi32, #tpu.memory_space<hbm>>) dst(%arg6 : memref<128xi32, #tpu.memory_space<vmem>>)
        %dma_wait3A_141 = tpu.memref_slice %arg3[%add3A_138] : memref<327680xi32, #tpu.memory_space<hbm>> -> memref<128xi32, #tpu.memory_space<hbm>>
        %dma_wait3A_142 = tpu.memref_slice %arg3[%add3A_138] : memref<327680xi32, #tpu.memory_space<hbm>> -> memref<128xi32, #tpu.memory_space<hbm>>
        tpu.wait_dma2 semaphore(%arg13 : memref<!tpu.dma_semaphore, #tpu.memory_space<semaphore_mem>>) src(%dma_wait3A_142 : memref<128xi32, #tpu.memory_space<hbm>>) dst(%arg7 : memref<128xi32, #tpu.memory_space<vmem>>)
        %dma_start3A_143 = arith.constant 0 : i32
        %dma_start3A_144 = arith.constant 0 : i32
        %dma_start3A_145 = tpu.memref_slice %arg2[%dma_start3A_143, %dma_start3A_144] : memref<2048x128xf32, #tpu.memory_space<hbm>> -> memref<2048x128xf32, #tpu.memory_space<hbm>>
        tpu.enqueue_indirect_dma source(%dma_start3A_145 : memref<2048x128xf32, #tpu.memory_space<hbm>>) target(%arg10 : memref<128x128xf32, #tpu.memory_space<vmem>>) offsets(%arg6 : memref<128xi32, #tpu.memory_space<vmem>>) semaphore(%arg15 : memref<!tpu.dma_semaphore, #tpu.memory_space<semaphore_mem>>)
      } else {
      }
      %dma_wait3A_114 = arith.constant 0 : i32
      %dma_wait3A_115 = arith.constant 0 : i32
      %dma_wait3A_116 = tpu.memref_slice %arg2[%dma_wait3A_114, %dma_wait3A_115] : memref<2048x128xf32, #tpu.memory_space<hbm>> -> memref<2048x128xf32, #tpu.memory_space<hbm>>
      tpu.wait_indirect_dma semaphore(%arg16 : memref<!tpu.dma_semaphore, #tpu.memory_space<semaphore_mem>>) src(%dma_wait3A_116 : memref<2048x128xf32, #tpu.memory_space<hbm>>) dst(%arg11 : memref<128x128xf32, #tpu.memory_space<vmem>>)
      "tpu.region"() ({
        %run_scoped3A = tpu.sem_alloc : memref<!tpu.dma_semaphore, #tpu.memory_space<semaphore_mem>>
        %dma_start3A_125 = arith.constant 0 : i32
        %dma_start3A_126 = arith.constant 0 : i32
        %dma_start3A_127 = tpu.memref_slice %arg12[%dma_start3A_125, %dma_start3A_126] : memref<10240x128xf32, #tpu.memory_space<vmem_shared>> -> memref<10240x128xf32, #tpu.memory_space<vmem_shared>>
        tpu.enqueue_indirect_dma source(%arg11 : memref<128x128xf32, #tpu.memory_space<vmem>>) target(%dma_start3A_127 : memref<10240x128xf32, #tpu.memory_space<vmem_shared>>) offsets(%arg9 : memref<128xi32, #tpu.memory_space<vmem>>) semaphore(%run_scoped3A : memref<!tpu.dma_semaphore, #tpu.memory_space<semaphore_mem>>) {add = true}
        %dma_wait3A_128 = arith.constant 0 : i32
        %dma_wait3A_129 = arith.constant 0 : i32
        %dma_wait3A_130 = tpu.memref_slice %arg12[%dma_wait3A_128, %dma_wait3A_129] : memref<10240x128xf32, #tpu.memory_space<vmem_shared>> -> memref<10240x128xf32, #tpu.memory_space<vmem_shared>>
        tpu.wait_indirect_dma semaphore(%run_scoped3A : memref<!tpu.dma_semaphore, #tpu.memory_space<semaphore_mem>>) src(%arg11 : memref<128x128xf32, #tpu.memory_space<vmem>>) dst(%dma_wait3A_130 : memref<10240x128xf32, #tpu.memory_space<vmem_shared>>)
        tpu.yield
      }) : () -> ()
      %add3A_117 = arith.constant 2 : i32
      %add3A_118 = arith.addi %add3A_96, %add3A_117 : i32
      %lt3A_119 = arith.constant 80 : i32
      %lt3A_120 = arith.cmpi slt, %add3A_118, %lt3A_119 : i32
      %convert_element_type3A_121 = arith.extui %lt3A_120 : i1 to i32
      %cond3A_122 = arith.constant 0 : i32
      %cond3A_123 = arith.cmpi ne, %convert_element_type3A_121, %cond3A_122 : i32
      scf.if %cond3A_123 {
        %add3A_125 = arith.constant 2 : i32
        %add3A_126 = arith.addi %add3A_96, %add3A_125 : i32
        %mul3A_127 = arith.constant 128 : i32
        %mul3A_128 = arith.muli %add3A_126, %mul3A_127 : i32
        %add3A_129 = arith.addi %add3A_28, %mul3A_128 : i32
        %dma_start3A_130 = tpu.memref_slice %arg4[%add3A_129] : memref<327680xi32, #tpu.memory_space<hbm>> -> memref<128xi32, #tpu.memory_space<hbm>>
        %dma_start3A_131 = tpu.memref_slice %arg4[%add3A_129] : memref<327680xi32, #tpu.memory_space<hbm>> -> memref<128xi32, #tpu.memory_space<hbm>>
        tpu.enqueue_dma source(%dma_start3A_131 : memref<128xi32, #tpu.memory_space<hbm>>) target(%arg8 : memref<128xi32, #tpu.memory_space<vmem>>) target_semaphore(%arg14 : memref<!tpu.dma_semaphore, #tpu.memory_space<semaphore_mem>>)
        %dma_start3A_132 = tpu.memref_slice %arg3[%add3A_129] : memref<327680xi32, #tpu.memory_space<hbm>> -> memref<128xi32, #tpu.memory_space<hbm>>
        %dma_start3A_133 = tpu.memref_slice %arg3[%add3A_129] : memref<327680xi32, #tpu.memory_space<hbm>> -> memref<128xi32, #tpu.memory_space<hbm>>
        tpu.enqueue_dma source(%dma_start3A_133 : memref<128xi32, #tpu.memory_space<hbm>>) target(%arg9 : memref<128xi32, #tpu.memory_space<vmem>>) target_semaphore(%arg14 : memref<!tpu.dma_semaphore, #tpu.memory_space<semaphore_mem>>)
      } else {
      }
      %scan3A_124 = arith.constant 0 : i32
      scf.yield %scan3A_124 : i32
    }
    %scan3A_54 = arith.constant 40 : i32
    %barrier3A_55 = arith.constant 0 : index
    tpu.barrier barrier_id(%barrier3A_55)
    %mul3A_56 = arith.constant 640 : i32
    %mul3A_57 = arith.muli %arg1, %mul3A_56 : i32
    %add3A_58 = arith.constant 0 : i32
    %add3A_59 = arith.addi %mul3A_57, %add3A_58 : i32
    "tpu.region"() ({
      %run_scoped3A = tpu.sem_alloc : memref<!tpu.dma_semaphore, #tpu.memory_space<semaphore_mem>>
      %dma_start3A_91 = arith.constant 0 : i32
      %dma_start3A_92 = tpu.memref_slice %arg12[%add3A_59, %dma_start3A_91] : memref<10240x128xf32, #tpu.memory_space<vmem_shared>> -> memref<128x128xf32, #tpu.memory_space<vmem_shared>>
      %dma_start3A_93 = arith.constant 0 : i32
      %dma_start3A_94 = tpu.memref_slice %arg12[%add3A_59, %dma_start3A_93] : memref<10240x128xf32, #tpu.memory_space<vmem_shared>> -> memref<128x128xf32, #tpu.memory_space<vmem_shared>>
      tpu.enqueue_dma source(%dma_start3A_94 : memref<128x128xf32, #tpu.memory_space<vmem_shared>>) target(%arg10 : memref<128x128xf32, #tpu.memory_space<vmem>>) target_semaphore(%run_scoped3A : memref<!tpu.dma_semaphore, #tpu.memory_space<semaphore_mem>>)
      %dma_wait3A_95 = arith.constant 0 : i32
      %dma_wait3A_96 = tpu.memref_slice %arg12[%add3A_59, %dma_wait3A_95] : memref<10240x128xf32, #tpu.memory_space<vmem_shared>> -> memref<128x128xf32, #tpu.memory_space<vmem_shared>>
      %dma_wait3A_97 = arith.constant 0 : i32
      %dma_wait3A_98 = tpu.memref_slice %arg12[%add3A_59, %dma_wait3A_97] : memref<10240x128xf32, #tpu.memory_space<vmem_shared>> -> memref<128x128xf32, #tpu.memory_space<vmem_shared>>
      tpu.wait_dma2 semaphore(%run_scoped3A : memref<!tpu.dma_semaphore, #tpu.memory_space<semaphore_mem>>) src(%dma_wait3A_98 : memref<128x128xf32, #tpu.memory_space<vmem_shared>>) dst(%arg10 : memref<128x128xf32, #tpu.memory_space<vmem>>)
      tpu.yield
    }) : () -> ()
    %mul3A_60 = arith.constant 10240 : i32
    %mul3A_61 = arith.muli %arg0, %mul3A_60 : i32
    %add3A_62 = arith.addi %mul3A_61, %add3A_59 : i32
    "tpu.region"() ({
      %run_scoped3A = tpu.sem_alloc : memref<!tpu.dma_semaphore, #tpu.memory_space<semaphore_mem>>
      %dma_start3A_91 = arith.constant 0 : i32
      %dma_start3A_92 = tpu.memref_slice %arg5[%add3A_62, %dma_start3A_91] : memref<20480x128xf32, #tpu.memory_space<hbm>> -> memref<128x128xf32, #tpu.memory_space<hbm>>
      %dma_start3A_93 = arith.constant 0 : i32
      %dma_start3A_94 = tpu.memref_slice %arg5[%add3A_62, %dma_start3A_93] : memref<20480x128xf32, #tpu.memory_space<hbm>> -> memref<128x128xf32, #tpu.memory_space<hbm>>
      tpu.enqueue_dma source(%arg10 : memref<128x128xf32, #tpu.memory_space<vmem>>) target(%dma_start3A_94 : memref<128x128xf32, #tpu.memory_space<hbm>>) target_semaphore(%run_scoped3A : memref<!tpu.dma_semaphore, #tpu.memory_space<semaphore_mem>>)
      %dma_wait3A_95 = arith.constant 0 : i32
      %dma_wait3A_96 = tpu.memref_slice %arg5[%add3A_62, %dma_wait3A_95] : memref<20480x128xf32, #tpu.memory_space<hbm>> -> memref<128x128xf32, #tpu.memory_space<hbm>>
      %dma_wait3A_97 = arith.constant 0 : i32
      %dma_wait3A_98 = tpu.memref_slice %arg5[%add3A_62, %dma_wait3A_97] : memref<20480x128xf32, #tpu.memory_space<hbm>> -> memref<128x128xf32, #tpu.memory_space<hbm>>
      tpu.wait_dma2 semaphore(%run_scoped3A : memref<!tpu.dma_semaphore, #tpu.memory_space<semaphore_mem>>) src(%arg10 : memref<128x128xf32, #tpu.memory_space<vmem>>) dst(%dma_wait3A_98 : memref<128x128xf32, #tpu.memory_space<hbm>>)
      tpu.yield
    }) : () -> ()
    %mul3A_63 = arith.constant 640 : i32
    %mul3A_64 = arith.muli %arg1, %mul3A_63 : i32
    %add3A_65 = arith.constant 128 : i32
    %add3A_66 = arith.addi %mul3A_64, %add3A_65 : i32
    "tpu.region"() ({
      %run_scoped3A = tpu.sem_alloc : memref<!tpu.dma_semaphore, #tpu.memory_space<semaphore_mem>>
      %dma_start3A_91 = arith.constant 0 : i32
      %dma_start3A_92 = tpu.memref_slice %arg12[%add3A_66, %dma_start3A_91] : memref<10240x128xf32, #tpu.memory_space<vmem_shared>> -> memref<128x128xf32, #tpu.memory_space<vmem_shared>>
      %dma_start3A_93 = arith.constant 0 : i32
      %dma_start3A_94 = tpu.memref_slice %arg12[%add3A_66, %dma_start3A_93] : memref<10240x128xf32, #tpu.memory_space<vmem_shared>> -> memref<128x128xf32, #tpu.memory_space<vmem_shared>>
      tpu.enqueue_dma source(%dma_start3A_94 : memref<128x128xf32, #tpu.memory_space<vmem_shared>>) target(%arg10 : memref<128x128xf32, #tpu.memory_space<vmem>>) target_semaphore(%run_scoped3A : memref<!tpu.dma_semaphore, #tpu.memory_space<semaphore_mem>>)
      %dma_wait3A_95 = arith.constant 0 : i32
      %dma_wait3A_96 = tpu.memref_slice %arg12[%add3A_66, %dma_wait3A_95] : memref<10240x128xf32, #tpu.memory_space<vmem_shared>> -> memref<128x128xf32, #tpu.memory_space<vmem_shared>>
      %dma_wait3A_97 = arith.constant 0 : i32
      %dma_wait3A_98 = tpu.memref_slice %arg12[%add3A_66, %dma_wait3A_97] : memref<10240x128xf32, #tpu.memory_space<vmem_shared>> -> memref<128x128xf32, #tpu.memory_space<vmem_shared>>
      tpu.wait_dma2 semaphore(%run_scoped3A : memref<!tpu.dma_semaphore, #tpu.memory_space<semaphore_mem>>) src(%dma_wait3A_98 : memref<128x128xf32, #tpu.memory_space<vmem_shared>>) dst(%arg10 : memref<128x128xf32, #tpu.memory_space<vmem>>)
      tpu.yield
    }) : () -> ()
    %mul3A_67 = arith.constant 10240 : i32
    %mul3A_68 = arith.muli %arg0, %mul3A_67 : i32
    %add3A_69 = arith.addi %mul3A_68, %add3A_66 : i32
    "tpu.region"() ({
      %run_scoped3A = tpu.sem_alloc : memref<!tpu.dma_semaphore, #tpu.memory_space<semaphore_mem>>
      %dma_start3A_91 = arith.constant 0 : i32
      %dma_start3A_92 = tpu.memref_slice %arg5[%add3A_69, %dma_start3A_91] : memref<20480x128xf32, #tpu.memory_space<hbm>> -> memref<128x128xf32, #tpu.memory_space<hbm>>
      %dma_start3A_93 = arith.constant 0 : i32
      %dma_start3A_94 = tpu.memref_slice %arg5[%add3A_69, %dma_start3A_93] : memref<20480x128xf32, #tpu.memory_space<hbm>> -> memref<128x128xf32, #tpu.memory_space<hbm>>
      tpu.enqueue_dma source(%arg10 : memref<128x128xf32, #tpu.memory_space<vmem>>) target(%dma_start3A_94 : memref<128x128xf32, #tpu.memory_space<hbm>>) target_semaphore(%run_scoped3A : memref<!tpu.dma_semaphore, #tpu.memory_space<semaphore_mem>>)
      %dma_wait3A_95 = arith.constant 0 : i32
      %dma_wait3A_96 = tpu.memref_slice %arg5[%add3A_69, %dma_wait3A_95] : memref<20480x128xf32, #tpu.memory_space<hbm>> -> memref<128x128xf32, #tpu.memory_space<hbm>>
      %dma_wait3A_97 = arith.constant 0 : i32
      %dma_wait3A_98 = tpu.memref_slice %arg5[%add3A_69, %dma_wait3A_97] : memref<20480x128xf32, #tpu.memory_space<hbm>> -> memref<128x128xf32, #tpu.memory_space<hbm>>
      tpu.wait_dma2 semaphore(%run_scoped3A : memref<!tpu.dma_semaphore, #tpu.memory_space<semaphore_mem>>) src(%arg10 : memref<128x128xf32, #tpu.memory_space<vmem>>) dst(%dma_wait3A_98 : memref<128x128xf32, #tpu.memory_space<hbm>>)
      tpu.yield
    }) : () -> ()
    %mul3A_70 = arith.constant 640 : i32
    %mul3A_71 = arith.muli %arg1, %mul3A_70 : i32
    %add3A_72 = arith.constant 256 : i32
    %add3A_73 = arith.addi %mul3A_71, %add3A_72 : i32
    "tpu.region"() ({
      %run_scoped3A = tpu.sem_alloc : memref<!tpu.dma_semaphore, #tpu.memory_space<semaphore_mem>>
      %dma_start3A_91 = arith.constant 0 : i32
      %dma_start3A_92 = tpu.memref_slice %arg12[%add3A_73, %dma_start3A_91] : memref<10240x128xf32, #tpu.memory_space<vmem_shared>> -> memref<128x128xf32, #tpu.memory_space<vmem_shared>>
      %dma_start3A_93 = arith.constant 0 : i32
      %dma_start3A_94 = tpu.memref_slice %arg12[%add3A_73, %dma_start3A_93] : memref<10240x128xf32, #tpu.memory_space<vmem_shared>> -> memref<128x128xf32, #tpu.memory_space<vmem_shared>>
      tpu.enqueue_dma source(%dma_start3A_94 : memref<128x128xf32, #tpu.memory_space<vmem_shared>>) target(%arg10 : memref<128x128xf32, #tpu.memory_space<vmem>>) target_semaphore(%run_scoped3A : memref<!tpu.dma_semaphore, #tpu.memory_space<semaphore_mem>>)
      %dma_wait3A_95 = arith.constant 0 : i32
      %dma_wait3A_96 = tpu.memref_slice %arg12[%add3A_73, %dma_wait3A_95] : memref<10240x128xf32, #tpu.memory_space<vmem_shared>> -> memref<128x128xf32, #tpu.memory_space<vmem_shared>>
      %dma_wait3A_97 = arith.constant 0 : i32
      %dma_wait3A_98 = tpu.memref_slice %arg12[%add3A_73, %dma_wait3A_97] : memref<10240x128xf32, #tpu.memory_space<vmem_shared>> -> memref<128x128xf32, #tpu.memory_space<vmem_shared>>
      tpu.wait_dma2 semaphore(%run_scoped3A : memref<!tpu.dma_semaphore, #tpu.memory_space<semaphore_mem>>) src(%dma_wait3A_98 : memref<128x128xf32, #tpu.memory_space<vmem_shared>>) dst(%arg10 : memref<128x128xf32, #tpu.memory_space<vmem>>)
      tpu.yield
    }) : () -> ()
    %mul3A_74 = arith.constant 10240 : i32
    %mul3A_75 = arith.muli %arg0, %mul3A_74 : i32
    %add3A_76 = arith.addi %mul3A_75, %add3A_73 : i32
    "tpu.region"() ({
      %run_scoped3A = tpu.sem_alloc : memref<!tpu.dma_semaphore, #tpu.memory_space<semaphore_mem>>
      %dma_start3A_91 = arith.constant 0 : i32
      %dma_start3A_92 = tpu.memref_slice %arg5[%add3A_76, %dma_start3A_91] : memref<20480x128xf32, #tpu.memory_space<hbm>> -> memref<128x128xf32, #tpu.memory_space<hbm>>
      %dma_start3A_93 = arith.constant 0 : i32
      %dma_start3A_94 = tpu.memref_slice %arg5[%add3A_76, %dma_start3A_93] : memref<20480x128xf32, #tpu.memory_space<hbm>> -> memref<128x128xf32, #tpu.memory_space<hbm>>
      tpu.enqueue_dma source(%arg10 : memref<128x128xf32, #tpu.memory_space<vmem>>) target(%dma_start3A_94 : memref<128x128xf32, #tpu.memory_space<hbm>>) target_semaphore(%run_scoped3A : memref<!tpu.dma_semaphore, #tpu.memory_space<semaphore_mem>>)
      %dma_wait3A_95 = arith.constant 0 : i32
      %dma_wait3A_96 = tpu.memref_slice %arg5[%add3A_76, %dma_wait3A_95] : memref<20480x128xf32, #tpu.memory_space<hbm>> -> memref<128x128xf32, #tpu.memory_space<hbm>>
      %dma_wait3A_97 = arith.constant 0 : i32
      %dma_wait3A_98 = tpu.memref_slice %arg5[%add3A_76, %dma_wait3A_97] : memref<20480x128xf32, #tpu.memory_space<hbm>> -> memref<128x128xf32, #tpu.memory_space<hbm>>
      tpu.wait_dma2 semaphore(%run_scoped3A : memref<!tpu.dma_semaphore, #tpu.memory_space<semaphore_mem>>) src(%arg10 : memref<128x128xf32, #tpu.memory_space<vmem>>) dst(%dma_wait3A_98 : memref<128x128xf32, #tpu.memory_space<hbm>>)
      tpu.yield
    }) : () -> ()
    %mul3A_77 = arith.constant 640 : i32
    %mul3A_78 = arith.muli %arg1, %mul3A_77 : i32
    %add3A_79 = arith.constant 384 : i32
    %add3A_80 = arith.addi %mul3A_78, %add3A_79 : i32
    "tpu.region"() ({
      %run_scoped3A = tpu.sem_alloc : memref<!tpu.dma_semaphore, #tpu.memory_space<semaphore_mem>>
      %dma_start3A_91 = arith.constant 0 : i32
      %dma_start3A_92 = tpu.memref_slice %arg12[%add3A_80, %dma_start3A_91] : memref<10240x128xf32, #tpu.memory_space<vmem_shared>> -> memref<128x128xf32, #tpu.memory_space<vmem_shared>>
      %dma_start3A_93 = arith.constant 0 : i32
      %dma_start3A_94 = tpu.memref_slice %arg12[%add3A_80, %dma_start3A_93] : memref<10240x128xf32, #tpu.memory_space<vmem_shared>> -> memref<128x128xf32, #tpu.memory_space<vmem_shared>>
      tpu.enqueue_dma source(%dma_start3A_94 : memref<128x128xf32, #tpu.memory_space<vmem_shared>>) target(%arg10 : memref<128x128xf32, #tpu.memory_space<vmem>>) target_semaphore(%run_scoped3A : memref<!tpu.dma_semaphore, #tpu.memory_space<semaphore_mem>>)
      %dma_wait3A_95 = arith.constant 0 : i32
      %dma_wait3A_96 = tpu.memref_slice %arg12[%add3A_80, %dma_wait3A_95] : memref<10240x128xf32, #tpu.memory_space<vmem_shared>> -> memref<128x128xf32, #tpu.memory_space<vmem_shared>>
      %dma_wait3A_97 = arith.constant 0 : i32
      %dma_wait3A_98 = tpu.memref_slice %arg12[%add3A_80, %dma_wait3A_97] : memref<10240x128xf32, #tpu.memory_space<vmem_shared>> -> memref<128x128xf32, #tpu.memory_space<vmem_shared>>
      tpu.wait_dma2 semaphore(%run_scoped3A : memref<!tpu.dma_semaphore, #tpu.memory_space<semaphore_mem>>) src(%dma_wait3A_98 : memref<128x128xf32, #tpu.memory_space<vmem_shared>>) dst(%arg10 : memref<128x128xf32, #tpu.memory_space<vmem>>)
      tpu.yield
    }) : () -> ()
    %mul3A_81 = arith.constant 10240 : i32
    %mul3A_82 = arith.muli %arg0, %mul3A_81 : i32
    %add3A_83 = arith.addi %mul3A_82, %add3A_80 : i32
    "tpu.region"() ({
      %run_scoped3A = tpu.sem_alloc : memref<!tpu.dma_semaphore, #tpu.memory_space<semaphore_mem>>
      %dma_start3A_91 = arith.constant 0 : i32
      %dma_start3A_92 = tpu.memref_slice %arg5[%add3A_83, %dma_start3A_91] : memref<20480x128xf32, #tpu.memory_space<hbm>> -> memref<128x128xf32, #tpu.memory_space<hbm>>
      %dma_start3A_93 = arith.constant 0 : i32
      %dma_start3A_94 = tpu.memref_slice %arg5[%add3A_83, %dma_start3A_93] : memref<20480x128xf32, #tpu.memory_space<hbm>> -> memref<128x128xf32, #tpu.memory_space<hbm>>
      tpu.enqueue_dma source(%arg10 : memref<128x128xf32, #tpu.memory_space<vmem>>) target(%dma_start3A_94 : memref<128x128xf32, #tpu.memory_space<hbm>>) target_semaphore(%run_scoped3A : memref<!tpu.dma_semaphore, #tpu.memory_space<semaphore_mem>>)
      %dma_wait3A_95 = arith.constant 0 : i32
      %dma_wait3A_96 = tpu.memref_slice %arg5[%add3A_83, %dma_wait3A_95] : memref<20480x128xf32, #tpu.memory_space<hbm>> -> memref<128x128xf32, #tpu.memory_space<hbm>>
      %dma_wait3A_97 = arith.constant 0 : i32
      %dma_wait3A_98 = tpu.memref_slice %arg5[%add3A_83, %dma_wait3A_97] : memref<20480x128xf32, #tpu.memory_space<hbm>> -> memref<128x128xf32, #tpu.memory_space<hbm>>
      tpu.wait_dma2 semaphore(%run_scoped3A : memref<!tpu.dma_semaphore, #tpu.memory_space<semaphore_mem>>) src(%arg10 : memref<128x128xf32, #tpu.memory_space<vmem>>) dst(%dma_wait3A_98 : memref<128x128xf32, #tpu.memory_space<hbm>>)
      tpu.yield
    }) : () -> ()
    %mul3A_84 = arith.constant 640 : i32
    %mul3A_85 = arith.muli %arg1, %mul3A_84 : i32
    %add3A_86 = arith.constant 512 : i32
    %add3A_87 = arith.addi %mul3A_85, %add3A_86 : i32
    "tpu.region"() ({
      %run_scoped3A = tpu.sem_alloc : memref<!tpu.dma_semaphore, #tpu.memory_space<semaphore_mem>>
      %dma_start3A_91 = arith.constant 0 : i32
      %dma_start3A_92 = tpu.memref_slice %arg12[%add3A_87, %dma_start3A_91] : memref<10240x128xf32, #tpu.memory_space<vmem_shared>> -> memref<128x128xf32, #tpu.memory_space<vmem_shared>>
      %dma_start3A_93 = arith.constant 0 : i32
      %dma_start3A_94 = tpu.memref_slice %arg12[%add3A_87, %dma_start3A_93] : memref<10240x128xf32, #tpu.memory_space<vmem_shared>> -> memref<128x128xf32, #tpu.memory_space<vmem_shared>>
      tpu.enqueue_dma source(%dma_start3A_94 : memref<128x128xf32, #tpu.memory_space<vmem_shared>>) target(%arg10 : memref<128x128xf32, #tpu.memory_space<vmem>>) target_semaphore(%run_scoped3A : memref<!tpu.dma_semaphore, #tpu.memory_space<semaphore_mem>>)
      %dma_wait3A_95 = arith.constant 0 : i32
      %dma_wait3A_96 = tpu.memref_slice %arg12[%add3A_87, %dma_wait3A_95] : memref<10240x128xf32, #tpu.memory_space<vmem_shared>> -> memref<128x128xf32, #tpu.memory_space<vmem_shared>>
      %dma_wait3A_97 = arith.constant 0 : i32
      %dma_wait3A_98 = tpu.memref_slice %arg12[%add3A_87, %dma_wait3A_97] : memref<10240x128xf32, #tpu.memory_space<vmem_shared>> -> memref<128x128xf32, #tpu.memory_space<vmem_shared>>
      tpu.wait_dma2 semaphore(%run_scoped3A : memref<!tpu.dma_semaphore, #tpu.memory_space<semaphore_mem>>) src(%dma_wait3A_98 : memref<128x128xf32, #tpu.memory_space<vmem_shared>>) dst(%arg10 : memref<128x128xf32, #tpu.memory_space<vmem>>)
      tpu.yield
    }) : () -> ()
    %mul3A_88 = arith.constant 10240 : i32
    %mul3A_89 = arith.muli %arg0, %mul3A_88 : i32
    %add3A_90 = arith.addi %mul3A_89, %add3A_87 : i32
    "tpu.region"() ({
      %run_scoped3A = tpu.sem_alloc : memref<!tpu.dma_semaphore, #tpu.memory_space<semaphore_mem>>
      %dma_start3A_91 = arith.constant 0 : i32
      %dma_start3A_92 = tpu.memref_slice %arg5[%add3A_90, %dma_start3A_91] : memref<20480x128xf32, #tpu.memory_space<hbm>> -> memref<128x128xf32, #tpu.memory_space<hbm>>
      %dma_start3A_93 = arith.constant 0 : i32
      %dma_start3A_94 = tpu.memref_slice %arg5[%add3A_90, %dma_start3A_93] : memref<20480x128xf32, #tpu.memory_space<hbm>> -> memref<128x128xf32, #tpu.memory_space<hbm>>
      tpu.enqueue_dma source(%arg10 : memref<128x128xf32, #tpu.memory_space<vmem>>) target(%dma_start3A_94 : memref<128x128xf32, #tpu.memory_space<hbm>>) target_semaphore(%run_scoped3A : memref<!tpu.dma_semaphore, #tpu.memory_space<semaphore_mem>>)
      %dma_wait3A_95 = arith.constant 0 : i32
      %dma_wait3A_96 = tpu.memref_slice %arg5[%add3A_90, %dma_wait3A_95] : memref<20480x128xf32, #tpu.memory_space<hbm>> -> memref<128x128xf32, #tpu.memory_space<hbm>>
      %dma_wait3A_97 = arith.constant 0 : i32
      %dma_wait3A_98 = tpu.memref_slice %arg5[%add3A_90, %dma_wait3A_97] : memref<20480x128xf32, #tpu.memory_space<hbm>> -> memref<128x128xf32, #tpu.memory_space<hbm>>
      tpu.wait_dma2 semaphore(%run_scoped3A : memref<!tpu.dma_semaphore, #tpu.memory_space<semaphore_mem>>) src(%arg10 : memref<128x128xf32, #tpu.memory_space<vmem>>) dst(%dma_wait3A_98 : memref<128x128xf32, #tpu.memory_space<hbm>>)
      tpu.yield
    }) : () -> ()
    return
  }
}

module attributes {stable_mosaic.version = 14 : i64} {
  func.func @_k0_body(%arg0: i32, %arg1: memref<2048x128xf32, #tpu.memory_space<vmem>>, %arg2: memref<2048x1xf32, #tpu.memory_space<vmem>>, %arg3: memref<128x128xf32, #tpu.memory_space<vmem>>, %arg4: memref<1x128xf32, #tpu.memory_space<vmem>>, %arg5: memref<2048x128xf32, #tpu.memory_space<vmem>>) attributes {dimension_semantics = [#tpu.dimension_semantics<arbitrary>], iteration_bounds = array<i64: 5>, scalar_prefetch = 0 : i64, scratch_operands = 0 : i64, tpu.core_type = #tpu.core_type<tc>, window_params = [{transform_indices = @transform_0, window_bounds = array<i64: 2048, 128>}, {transform_indices = @transform_1, window_bounds = array<i64: 2048, 1>}, {pipeline_mode = #tpu.pipeline_mode<synchronous>, transform_indices = @transform_2, window_bounds = array<i64: 128, 128>}, {pipeline_mode = #tpu.pipeline_mode<synchronous>, transform_indices = @transform_3, window_bounds = array<i64: 1, 128>}, {transform_indices = @transform_4, window_bounds = array<i64: 2048, 128>}]} {
    %get3A = arith.constant 0 : index
    %get3A_0 = arith.constant 0 : index
    %get3A_1 = vector.load %arg1[%get3A, %get3A_0] : memref<2048x128xf32, #tpu.memory_space<vmem>>, vector<2048x128xf32>
    %get3A_2 = arith.constant 0 : index
    %get3A_3 = arith.constant 0 : index
    %get3A_4 = vector.load %arg2[%get3A_2, %get3A_3] : memref<2048x1xf32, #tpu.memory_space<vmem>>, vector<2048x1xf32>
    %mul3A = vector.broadcast %get3A_4 : vector<2048x1xf32> to vector<2048x128xf32>
    %mul3A_5 = arith.mulf %get3A_1, %mul3A : vector<2048x128xf32>
    %get3A_6 = arith.constant 0 : index
    %get3A_7 = arith.constant 0 : index
    %get3A_8 = vector.load %arg3[%get3A_6, %get3A_7] : memref<128x128xf32, #tpu.memory_space<vmem>>, vector<128x128xf32>
    %dot_general3A = arith.constant dense<0.000000e+00> : vector<2048x128xf32>
    %dot_general3A_9 = tpu.matmul %mul3A_5, %get3A_8, %dot_general3A {dimension_numbers = #tpu.dot_dimension_numbers<[1], [0], [0], [1], [0, 0, 1, 1], [], []>, transpose_lhs_hint = false} : vector<2048x128xf32>, vector<128x128xf32>, vector<2048x128xf32> -> vector<2048x128xf32>
    %get3A_10 = arith.constant 0 : index
    %get3A_11 = arith.constant 0 : index
    %get3A_12 = vector.load %arg4[%get3A_10, %get3A_11] : memref<1x128xf32, #tpu.memory_space<vmem>>, vector<1x128xf32>
    %add3A = vector.broadcast %get3A_12 : vector<1x128xf32> to vector<2048x128xf32>
    %add3A_13 = arith.addf %dot_general3A_9, %add3A : vector<2048x128xf32>
    %swap3A = arith.constant 0 : index
    %swap3A_14 = arith.constant 0 : index
    %swap3A_15 = vector.load %arg5[%swap3A, %swap3A_14] : memref<2048x128xf32, #tpu.memory_space<vmem>>, vector<2048x128xf32>
    tpu.vector_store %arg5[%swap3A, %swap3A_14], %add3A_13 {strides = array<i32>} : memref<2048x128xf32, #tpu.memory_space<vmem>>, vector<2048x128xf32>,
    return
  }
  func.func @transform_0(%arg0: i32) -> (i32, i32) {
    %c0_i32 = arith.constant 0 : i32
    %c0_i32_0 = arith.constant 0 : i32
    return %arg0, %c0_i32 : i32, i32
  }
  func.func @transform_1(%arg0: i32) -> (i32, i32) {
    %c0_i32 = arith.constant 0 : i32
    %c0_i32_0 = arith.constant 0 : i32
    return %arg0, %c0_i32 : i32, i32
  }
  func.func @transform_2(%arg0: i32) -> (i32, i32) {
    %c0_i32 = arith.constant 0 : i32
    %c0_i32_0 = arith.constant 0 : i32
    %c0_i32_1 = arith.constant 0 : i32
    return %c0_i32, %c0_i32_0 : i32, i32
  }
  func.func @transform_3(%arg0: i32) -> (i32, i32) {
    %c0_i32 = arith.constant 0 : i32
    %c0_i32_0 = arith.constant 0 : i32
    %c0_i32_1 = arith.constant 0 : i32
    return %c0_i32, %c0_i32_0 : i32, i32
  }
  func.func @transform_4(%arg0: i32) -> (i32, i32) {
    %c0_i32 = arith.constant 0 : i32
    %c0_i32_0 = arith.constant 0 : i32
    return %arg0, %c0_i32 : i32, i32
  }
}

module attributes {stable_mosaic.version = 14 : i64} {
  func.func @_k3_body(%arg0: i32, %arg1: memref<2x2048x128xf32, #tpu.memory_space<vmem>>, %arg2: memref<2048x1xf32, #tpu.memory_space<vmem>>, %arg3: memref<2048x1xf32, #tpu.memory_space<vmem>>, %arg4: memref<2048x128xf32, #tpu.memory_space<vmem>>) attributes {dimension_semantics = [#tpu.dimension_semantics<arbitrary>], iteration_bounds = array<i64: 1>, scalar_prefetch = 0 : i64, scratch_operands = 0 : i64, tpu.core_type = #tpu.core_type<tc>, window_params = [{pipeline_mode = #tpu.pipeline_mode<synchronous>, transform_indices = @transform_0, window_bounds = array<i64: 2, 2048, 128>}, {pipeline_mode = #tpu.pipeline_mode<synchronous>, transform_indices = @transform_1, window_bounds = array<i64: 2048, 1>}, {pipeline_mode = #tpu.pipeline_mode<synchronous>, transform_indices = @transform_2, window_bounds = array<i64: 2048, 1>}, {pipeline_mode = #tpu.pipeline_mode<synchronous>, transform_indices = @transform_3, window_bounds = array<i64: 2048, 128>}]} {
    %get3A = arith.constant 0 : index
    %get3A_0 = arith.constant 0 : index
    %get3A_1 = arith.constant 0 : index
    %get3A_2 = vector.load %arg1[%get3A, %get3A_0, %get3A_1] : memref<2x2048x128xf32, #tpu.memory_space<vmem>>, vector<1x2048x128xf32>
    %get3A_3 = vector.shape_cast %get3A_2 : vector<1x2048x128xf32> to vector<2048x128xf32>
    %get3A_4 = arith.constant 1 : index
    %get3A_5 = arith.constant 0 : index
    %get3A_6 = arith.constant 0 : index
    %get3A_7 = vector.load %arg1[%get3A_4, %get3A_5, %get3A_6] : memref<2x2048x128xf32, #tpu.memory_space<vmem>>, vector<1x2048x128xf32>
    %get3A_8 = vector.shape_cast %get3A_7 : vector<1x2048x128xf32> to vector<2048x128xf32>
    %add3A = arith.addf %get3A_3, %get3A_8 : vector<2048x128xf32>
    %get3A_9 = arith.constant 0 : index
    %get3A_10 = arith.constant 0 : index
    %get3A_11 = vector.load %arg2[%get3A_9, %get3A_10] : memref<2048x1xf32, #tpu.memory_space<vmem>>, vector<2048x1xf32>
    %max3A = arith.constant 1.000000e+00 : f32
    %max3A_12 = vector.broadcast %max3A : f32 to vector<2048x1xf32>
    %max3A_13 = arith.maximumf %get3A_11, %max3A_12 : vector<2048x1xf32>
    %div3A = vector.broadcast %max3A_13 : vector<2048x1xf32> to vector<2048x128xf32>
    %div3A_14 = arith.divf %add3A, %div3A : vector<2048x128xf32>
    %get3A_15 = arith.constant 0 : index
    %get3A_16 = arith.constant 0 : index
    %get3A_17 = vector.load %arg3[%get3A_15, %get3A_16] : memref<2048x1xf32, #tpu.memory_space<vmem>>, vector<2048x1xf32>
    %div3A_18 = arith.divf %get3A_17, %max3A_13 : vector<2048x1xf32>
    %max3A_19 = arith.constant 1.000000e+00 : f32
    %max3A_20 = vector.broadcast %max3A_19 : f32 to vector<2048x1xf32>
    %max3A_21 = arith.maximumf %div3A_18, %max3A_20 : vector<2048x1xf32>
    %rsqrt3A = math.rsqrt %max3A_21 : vector<2048x1xf32>
    %mul3A = vector.broadcast %rsqrt3A : vector<2048x1xf32> to vector<2048x128xf32>
    %mul3A_22 = arith.mulf %div3A_14, %mul3A : vector<2048x128xf32>
    %swap3A = arith.constant 0 : index
    %swap3A_23 = arith.constant 0 : index
    %swap3A_24 = vector.load %arg4[%swap3A, %swap3A_23] : memref<2048x128xf32, #tpu.memory_space<vmem>>, vector<2048x128xf32>
    tpu.vector_store %arg4[%swap3A, %swap3A_23], %mul3A_22 {strides = array<i32>} : memref<2048x128xf32, #tpu.memory_space<vmem>>, vector<2048x128xf32>,
    return
  }
  func.func @transform_0(%arg0: i32) -> (i32, i32, i32) {
    %c0_i32 = arith.constant 0 : i32
    %c0_i32_0 = arith.constant 0 : i32
    %c0_i32_1 = arith.constant 0 : i32
    %c0_i32_2 = arith.constant 0 : i32
    return %c0_i32, %c0_i32_0, %c0_i32_1 : i32, i32, i32
  }
  func.func @transform_1(%arg0: i32) -> (i32, i32) {
    %c0_i32 = arith.constant 0 : i32
    %c0_i32_0 = arith.constant 0 : i32
    %c0_i32_1 = arith.constant 0 : i32
    return %c0_i32, %c0_i32_0 : i32, i32
  }
  func.func @transform_2(%arg0: i32) -> (i32, i32) {
    %c0_i32 = arith.constant 0 : i32
    %c0_i32_0 = arith.constant 0 : i32
    %c0_i32_1 = arith.constant 0 : i32
    return %c0_i32, %c0_i32_0 : i32, i32
  }
  func.func @transform_3(%arg0: i32) -> (i32, i32) {
    %c0_i32 = arith.constant 0 : i32
    %c0_i32_0 = arith.constant 0 : i32
    %c0_i32_1 = arith.constant 0 : i32
    return %c0_i32, %c0_i32_0 : i32, i32
  }
}

module attributes {stable_mosaic.version = 14 : i64} {
  func.func @_k5_body(%arg0: i32, %arg1: memref<2x2000x128xf32, #tpu.memory_space<vmem>>, %arg2: memref<2000x1xf32, #tpu.memory_space<vmem>>, %arg3: memref<2000x128xf32, #tpu.memory_space<vmem>>) attributes {dimension_semantics = [#tpu.dimension_semantics<arbitrary>], iteration_bounds = array<i64: 5>, scalar_prefetch = 0 : i64, scratch_operands = 0 : i64, tpu.core_type = #tpu.core_type<tc>, window_params = [{transform_indices = @transform_0, window_bounds = array<i64: 2, 2000, 128>}, {transform_indices = @transform_1, window_bounds = array<i64: 2000, 1>}, {transform_indices = @transform_2, window_bounds = array<i64: 2000, 128>}]} {
    %get3A = arith.constant 0 : index
    %get3A_0 = arith.constant 0 : index
    %get3A_1 = vector.load %arg2[%get3A, %get3A_0] : memref<2000x1xf32, #tpu.memory_space<vmem>>, vector<2000x1xf32>
    %max3A = arith.constant 1.000000e+00 : f32
    %max3A_2 = vector.broadcast %max3A : f32 to vector<2000x1xf32>
    %max3A_3 = arith.maximumf %get3A_1, %max3A_2 : vector<2000x1xf32>
    %rsqrt3A = math.rsqrt %max3A_3 : vector<2000x1xf32>
    %get3A_4 = arith.constant 0 : index
    %get3A_5 = arith.constant 0 : index
    %get3A_6 = arith.constant 0 : index
    %get3A_7 = vector.load %arg1[%get3A_4, %get3A_5, %get3A_6] : memref<2x2000x128xf32, #tpu.memory_space<vmem>>, vector<1x2000x128xf32>
    %get3A_8 = vector.shape_cast %get3A_7 : vector<1x2000x128xf32> to vector<2000x128xf32>
    %get3A_9 = arith.constant 1 : index
    %get3A_10 = arith.constant 0 : index
    %get3A_11 = arith.constant 0 : index
    %get3A_12 = vector.load %arg1[%get3A_9, %get3A_10, %get3A_11] : memref<2x2000x128xf32, #tpu.memory_space<vmem>>, vector<1x2000x128xf32>
    %get3A_13 = vector.shape_cast %get3A_12 : vector<1x2000x128xf32> to vector<2000x128xf32>
    %add3A = arith.addf %get3A_8, %get3A_13 : vector<2000x128xf32>
    %mul3A = vector.broadcast %rsqrt3A : vector<2000x1xf32> to vector<2000x128xf32>
    %mul3A_14 = arith.mulf %add3A, %mul3A : vector<2000x128xf32>
    %swap3A = arith.constant 0 : index
    %swap3A_15 = arith.constant 0 : index
    %swap3A_16 = vector.load %arg3[%swap3A, %swap3A_15] : memref<2000x128xf32, #tpu.memory_space<vmem>>, vector<2000x128xf32>
    tpu.vector_store %arg3[%swap3A, %swap3A_15], %mul3A_14 {strides = array<i32>} : memref<2000x128xf32, #tpu.memory_space<vmem>>, vector<2000x128xf32>,
    return
  }
  func.func @transform_0(%arg0: i32) -> (i32, i32, i32) {
    %c0_i32 = arith.constant 0 : i32
    %c0_i32_0 = arith.constant 0 : i32
    %c0_i32_1 = arith.constant 0 : i32
    return %c0_i32, %arg0, %c0_i32_0 : i32, i32, i32
  }
  func.func @transform_1(%arg0: i32) -> (i32, i32) {
    %c0_i32 = arith.constant 0 : i32
    %c0_i32_0 = arith.constant 0 : i32
    return %arg0, %c0_i32 : i32, i32
  }
  func.func @transform_2(%arg0: i32) -> (i32, i32) {
    %c0_i32 = arith.constant 0 : i32
    %c0_i32_0 = arith.constant 0 : i32
    return %arg0, %c0_i32 : i32, i32
  }
}

</mosaic_0001>

<sc_bundles>
// kernel: kernel.10.cloned.1.call-start
scs
__scs_entry_jumppad:
0x0: {  	(pc) =	sbr.rel $0x88, $3  }
0x1: {  	(tag) =	ssettag $0x0;
	lr =	simm.s32 $0x1  }
0x2: {  	[smem:$0x3F9B] =	sst lr;
	_ =	strace $0xD0000000  }
0x3: {  	_ = 	snop  }
0x4: {  	_ = 	snop  }
0x5: {  	_ = 	snop  }
0x6: {  	_ = 	snop  }
0x7: {  	_ = 	snop  }
__scs_overlays_trampoline_lowered:
0x8: {  	[smem:$0x3FAA] =	sst s0  }
0x9: {  	[smem:$0x3FAB] =	sst s1  }
0xa: {  	[smem:$0x3FAC] =	sst s2  }
0xb: {  	[smem:$0x3FAD] =	sst s3  }
0xc: {  	[smem:$0x3FAE] =	sst s4  }
0xd: {  	[smem:$0x3FAF] =	sst s5  }
0xe: {  	[smem:$0x3FB0] =	sst s6  }
0xf: {  	[smem:$0x3FB1] =	sst s7  }
0x10: {  	[smem:$0x3FB2] =	sst s8  }
0x11: {  	[smem:$0x3FB3] =	sst s9;
	s0 =	simm.s32 @!p0 $0x0  }
0x12: {  	s1 =	sld [smem:$0x3F99];
	s0 =	simm.s32 @p0 $0x1  }
0x13: {  	[smem:$0x3FB4] =	sst s0;
	s0 =	simm.s32 @!p1 $0x0  }
0x14: {  	s2 =	sld [smem:$0x3F98];
	s0 =	simm.s32 @p1 $0x1  }
0x15: {  	[smem:$0x3FB5] =	sst s0;
	s0 =	simm.s32 @!p2 $0x0  }
0x16: {  	s3 =	sld [smem:$0x3FDB];
	s0 =	simm.s32 @p2 $0x1  }
0x17: {  	s4 =	simm.s32 $0x1BF5;
	[smem:$0x3FB7] =	sst s0  }
0x18: {  	s0 =	sld [smem:$0x3F9A];
	_ =	swait.ge [sflag:s4], $0x0  }
0x19: {  	s7 =	sld [smem:$0x3F9B]  }
0x1a: {  	s8 =	sadd.s32 $0xFFFFE003, lr  }
0x1b: {  	s9 =	sadd.s32 $0xFFFFFEF7, lr;
	s5 =	simm.s32 $0xFFFFFFFF;
	p2 =	slt.u32 s8, $0xFFFFF086  }
0x1c: {  	p1 =	slt.u32 s9, $0xF7A;
	s5 =	simm.s32 @!p2 $0x0  }
0x1d: {  	s5 =	simm.s32 @p1 $0x1;
	p0 =	seq.s32 s7, s2  }
0x1e: {  	s7 =	smul.u32 @!p0 $0xF7A, s2;
	p2 =	seq.s32 @!p0 s5, $0x0  }
0x1f: {  	s9 =	smul.u32 $0xF7A, s1;
	s8 =	simm.s32 @!p0 $0x1BF5;
	p2 =	por !p2, p0  }
0x20: {  	[sflag:s8] =	ssyncset.s32 @!p0 $0xFFFFF086;
	s6 =	sadd.s32 @!p0 s3, s7;
	s7 =	simm.s32 @!p0 $0x108  }
0x21: {  	s3 =	sadd.s32 s3, s9;
	s6 =	sadd.s32 @!p0 $0x88, s6;
	s7 =	simm.s32 @p2 $0x1082  }
0x22: {  	[simem:s7], [sflag:s8] =	dma.local @!p0 [hbm:s6], $0xF7A  }
0x23: {  	s9 =	sor.u32 $0xD0000000, s2;
	s6 =	simm.s32 $0x108;
	_ =	swait.ge @!p0 [sflag:s8], $0x0  }
0x24: {  	s3 =	sadd.s32 $0x88, s3;
	s6 =	simm.s32 @!p1 $0x1082;
	[sflag:s4] =	ssyncset.s32 $0xFFFFF086  }
0x25: {  	[simem:s6], [sflag:s4] =	dma.local [hbm:s3], $0xF7A  }
0x26: {  	[smem:$0x3F9B] =	sst s1;
	(tag) =	ssettag s2;
	_ =	strace s9  }
0x27: {  	s1 =	sld [smem:$0x3FAB]  }
0x28: {  	s2 =	sld [smem:$0x3FAC]  }
0x29: {  	s4 =	sld [smem:$0x3FAE]  }
0x2a: {  	p0 =	seq.s32 s5, $0x0;
	s5 =	sld [smem:$0x3FAF]  }
0x2b: {  	s6 =	sld [smem:$0x3FB0]  }
0x2c: {  	s7 =	sld [smem:$0x3FB1]  }
0x2d: {  	s3 =	simm.s32 $0x108;
	s8 =	sld [smem:$0x3FB2]  }
0x2e: {  	s3 =	simm.s32 @!p0 $0x1082;
	s9 =	sld [smem:$0x3FB3]  }
0x2f: {  	lr =	sadd.s32 s0, s3;
	s0 =	sld [smem:$0x3FAA]  }
0x30: {  	s3 =	sld [smem:$0x3FAD]  }
0x31: {  	[smem:$0x3FB6] =	sst s10  }
0x32: {  	s10 =	sld [smem:$0x3FB4];
	_ =	sdelay $0x3  }
0x33: {  	p0 =	seq.s32 s10, $0x1;
	s10 =	sld [smem:$0x3FB6];
	_ =	sdelay $0x3  }
0x34: {  	[smem:$0x3FB6] =	sst s10  }
0x35: {  	s10 =	sld [smem:$0x3FB5];
	_ =	sdelay $0x3  }
0x36: {  	p1 =	seq.s32 s10, $0x1;
	s10 =	sld [smem:$0x3FB6];
	_ =	sdelay $0x3  }
0x37: {  	[smem:$0x3FB6] =	sst s10  }
0x38: {  	s10 =	sld [smem:$0x3FB7]  }
0x39: {  	_ = 	snop;
	(pc) =	sbr.ind lr, $3  }
0x3a: {  	_ = 	snop  }
0x3b: {  	_ = 	snop  }
0x3c: {  	p2 =	seq.s32 s10, $0x1;
	s10 =	sld [smem:$0x3FB6]  }
0x3d: {  	_ =	shalt  }
0x3e: {  	_ =	shalt  }
0x3f: {  	_ =	shalt  }
0x40: {  	_ =	shalt  }
0x41: {  	_ =	shalt  }
0x42: {  	_ =	shalt  }
0x43: {  	_ =	shalt  }
0x44: {  	_ =	shalt  }
0x45: {  	_ =	shalt  }
0x46: {  	_ =	shalt  }
0x47: {  	_ =	shalt  }
0x48: {  	_ =	shalt  }
0x49: {  	_ =	shalt  }
0x4a: {  	_ =	shalt  }
0x4b: {  	_ =	shalt  }
0x4c: {  	_ =	shalt  }
0x4d: {  	_ =	shalt  }
0x4e: {  	_ =	shalt  }
0x4f: {  	_ =	shalt  }
0x50: {  	_ =	shalt  }
0x51: {  	_ =	shalt  }
0x52: {  	_ =	shalt  }
0x53: {  	_ =	shalt  }
0x54: {  	_ =	shalt  }
0x55: {  	_ =	shalt  }
0x56: {  	_ =	shalt  }
0x57: {  	_ =	shalt  }
0x58: {  	_ =	shalt  }
0x59: {  	_ =	shalt  }
0x5a: {  	_ =	shalt  }
0x5b: {  	_ =	shalt  }
0x5c: {  	_ =	shalt  }
0x5d: {  	_ =	shalt  }
0x5e: {  	_ =	shalt  }
0x5f: {  	_ =	shalt  }
0x60: {  	_ =	shalt  }
0x61: {  	_ =	shalt  }
0x62: {  	_ =	shalt  }
0x63: {  	_ =	shalt  }
0x64: {  	_ =	shalt  }
0x65: {  	_ =	shalt  }
0x66: {  	_ =	shalt  }
0x67: {  	_ =	shalt  }
0x68: {  	_ =	shalt  }
0x69: {  	_ =	shalt  }
0x6a: {  	_ =	shalt  }
0x6b: {  	_ =	shalt  }
0x6c: {  	_ =	shalt  }
0x6d: {  	_ =	shalt  }
0x6e: {  	_ =	shalt  }
0x6f: {  	_ =	shalt  }
0x70: {  	_ =	shalt  }
0x71: {  	_ =	shalt  }
0x72: {  	_ =	shalt  }
0x73: {  	_ =	shalt  }
0x74: {  	_ =	shalt  }
0x75: {  	_ =	shalt  }
0x76: {  	_ =	shalt  }
0x77: {  	_ =	shalt  }
0x78: {  	_ =	shalt  }
0x79: {  	_ =	shalt  }
0x7a: {  	_ =	shalt  }
0x7b: {  	_ =	shalt  }
0x7c: {  	_ =	shalt  }
0x7d: {  	_ =	shalt  }
0x7e: {  	_ =	shalt  }
0x7f: {  	_ =	shalt  }
0x80: {  	_ =	shalt  }
0x81: {  	_ =	shalt  }
0x82: {  	_ =	shalt  }
0x83: {  	_ =	shalt  }
0x84: {  	_ =	shalt  }
0x85: {  	_ =	shalt  }
0x86: {  	_ =	shalt  }
0x87: {  	_ =	shalt  }
.Lfunc_end0:
.L_simem_size_0:
called_computation.1_lowered:
.L_overlay_start_0:
0x88: {  	s2 =	sld [smem:$0x3FD9]  }
0x89: {  	s3 =	sld [smem:$0x3FFE];
	_ =	sdelay $0x1  }
0x8a: {  	s1 =	srdreg.scid  }
0x8b: {  	s0 =	sand.u32 $0x1, s1  }
0x8c: {  	s17 =	sshll.u32 s0, $0xA;
	s2 =	sadd.s32 s3, s2  }
0x8d: {  	s2 =	sadd.s32 s2, s17  }
0x8e: {  	[smem:$0x3FC2] =	sst s2  }
0x8f: {  	_ = 	snop  }
0x90: {  	s2 =	sld [smem:$0x3FD0];
	(tm) =	ssettm $0x1  }
0x91: {  	s18 =	sld [smem:$0x3FFB];
	_ =	sdelay $0x3  }
0x92: {  	_ =	strace s18  }
0x93: {  	s3 =	sld [smem:$0x3FFC];
	_ =	sdelay $0x3  }
0x94: {  	_ =	strace s3  }
0x95: {  	s3 =	sld [smem:$0x3FFD];
	_ =	sdelay $0x3  }
0x96: {  	_ =	strace s3  }
0x97: {  	_ =	strace $0x8FFFFFFF  }
0x98: {  	s19 =	sld [smem:$0x3FDB];
	_ =	sdelay $0x1  }
0x99: {  	s4 =	simm.s32 $_scs_section_size  }
0x9a: {  	s5 =	simm.s32 $_size__tile_overlayer_lowered;
	s6 =	simm.s32 $_tile_overlayer_lowered  }
0x9b: {  	s22 =	simm.s32 $0x1BFF;
	s21 =	sshll.u32 s6, $0x1;
	s3 =	sadd.s32 s4, s19  }
0x9c: {  	s7 =	simm.s32 $0x0;
	s20 =	sshll.u32 s5, $0x1;
	s5 =	sadd.s32 s21, s3  }
0x9d: {  	[timem:s7], [sflag:s22] =	dma.local [hbm:s5], s20  }
0x9e: {  	_ =	swait.ge [sflag:s22], s20  }
0x9f: {  	s4 =	ssub.s32 $0x0, s20;
	[sflag:s22] =	ssyncset.done $0x0  }
0xa0: {  	[sflag:s22] =	ssyncadd.s32 s4;
	_ =	sdelay $0x1  }
0xa1: {  	s23 =	simm.s32 $0x1B8B  }
0xa2: {  	_ =	swait.ge [sflag:s23], $0x1  }
0xa3: {  	[sflag:s23] =	ssyncset.done $0x0  }
0xa4: {  	s25 =	simm.s32 $0x1B8E;
	s24 =	sld [smem:$0x3FFE];
	[sflag:s23] =	ssyncadd.s32 $0xFFFFFFFF  }
0xa5: {  	s26 =	simm.s32 $execute0_lowered;
	[smem:$0x3FD2] =	sst s25  }
0xa6: {  	s5 =	sshll.u32 s26, $0x1;
	_ =	strace $0x80000049;
	[dreg:$0x1] =	wrdreg $0xFFFFFFFF  }
0xa7: {  	s28 =	simm.s32 $_size_execute0_lowered;
	s3 =	sadd.s32 s3, s5;
	[dreg:$0x0] =	wrdreg $0x0  }
0xa8: {  	s5 =	sshll.u32 s28, $0x1;
	[dreg:$0x2] =	wrdreg s3  }
0xa9: {  	[dreg:$0x3] =	wrdreg s5  }
0xaa: {  	[dreg:$0x4] =	wrdreg $0xC0  }
0xab: {  	_ =	task [dreg:s7], $0x5FFFF  }
0xac: {  	[dreg:$0x1] =	wrdreg $0xFFFFFFFF  }
0xad: {  	[dreg:$0x0] =	wrdreg $0x60  }
0xae: {  	[dreg:$0x2] =	wrdreg s2  }
0xaf: {  	[dreg:$0x3] =	wrdreg s24  }
0xb0: {  	[dreg:$0x4] =	wrdreg $0x82000  }
0xb1: {  	[dreg:$0x5] =	wrdreg $0x9  }
0xb2: {  	_ =	task.clear_ibuf [dreg:s7], $0x6FFFF;
	_ =	strace $0x90000049  }
0xb3: {  	s29 =	simm.s32 $0x9;
	_ =	strace $0x8000004B  }
0xb4: {  	_ =	swait.ge [sflag:s29], $0x1  }
0xb5: {  	[sflag:s29] =	ssyncadd.s32 $0xFFFFFFFF  }
0xb6: {  	_ =	strace $0x9000004B  }
0xb7: {  	_ =	sfence  }
0xb8: {  	s30 =	sld [smem:$0x0];
	_ =	sdelay $0x2  }
0xb9: {  	s31 =	sshll.u32 s1, $0xD;
	s1 =	sshrl.u32 s1, $0x2  }
0xba: {  	s3 =	sand.u32 $0x4000, s31;
	s1 =	sadd.s32 s1, s30  }
0xbb: {  	s0 =	sor.u32 s3, s0;
	s1 =	sshll.u32 s1, $0x11  }
0xbc: {  	s0 =	sor.u32 s1, s0  }
0xbd: {  	s0 =	sadd.s32 $0x8F2B, s0  }
0xbe: {  	[sflag:s0] =	ssyncadd.remote.s32 $0x1  }
0xbf: {  	_ =	sfence.sel $0xFFFF  }
0xc0: {  	[dreg:$0x0] =	wrdreg $0xFFFFFFFF;
	(pc) =	sbr.abs _section_cstart, $3  }
0xc1: {  	[dreg:$0x1] =	wrdreg $0xFFFFFFFF  }
0xc2: {  	_ =	task.clear_ibuf [dreg:s7], $0x2FFFF;
	_ =	strace $0x9FFFFFFF  }
0xc3: {  	(tm) =	ssettm $0x7FFFFFFF  }
tec
execute0_lowered:
.L_overlay_start_1:
0x0: {  	(tag) =	ssettag $0x1  }
0x1: {  	s1 =	rddreg [dreg:$0x0]  }
0x2: {  	s0 =	rddreg [dreg:$0x1]  }
0x3: {  	s2 =	rddreg [dreg:$0x2];
	s4 =	simm.s32 $0x0  }
0x4: {  	s3 =	srdreg.scid;
	s9 =	stileid.u32;
	s28 =	simm.s32 $0x1  }
0x5: {  	s29 =	simm.s32 $0x100;
	s30 =	simm.s32 $0x180;
	s5 =	smul.u32 $0x50000, s9  }
0x6: {  	s31 =	simm.s32 $0x2;
	[smem:$0x7FF] =	sst s4;
	s12 =	smul.u32 $0x280, s9  }
0x7: {  	s3 =	sand.u32 $0x1, s3;
	s10 =	sadd.s32 $0x2200, s0;
	s9 =	smul.u32 $0x2800, s9  }
0x8: {  	s11 =	sadd.s32 $0xC200, s0;
	s0 =	sadd.s32 $0x3EC00, s0;
	s8 =	smul.u32 $0x28000, s3  }
0x9: {  	_ =	strace $0x8000004A;
	s6 =	ssub.s32 $0x2, s3;
	s3 =	smul.u32 $0x2800, s3  }
0xa: {  	s7 =	sshrl.u32 s6, $0x1;
	s5 =	sshrl.u32 s5, $0x2;
	s14 =	sadd.s32 $0x80, s12  }
0xb: {  	s16 =	sadd.s32 $0x100, s12;
	s17 =	sadd.s32 $0x180, s12;
	s18 =	sadd.s32 $0x200, s12  }
0xc: {  	s13 =	ssub.s32 s6, s7;
	s5 =	sadd.s32 s5, s2;
	s22 =	sshll.u32 s14, $0x7  }
0xd: {  	s23 =	sshll.u32 s16, $0x7;
	s15 =	sshll.u32 s17, $0x7;
	s19 =	sadd.s32 s9, s8  }
0xe: {  	s24 =	sshll.u32 s18, $0x7;
	s12 =	sadd.s32 s12, s3;
	s14 =	sadd.s32 s3, s14  }
0xf: {  	s6 =	sadd.s32 s22, s2;
	s7 =	sadd.s32 s23, s2;
	s20 =	sshrl.u32 s19, $0x3  }
0x10: {  	s8 =	sadd.s32 s15, s2;
	s9 =	sadd.s32 s24, s2;
	s12 =	sshll.u32 s12, $0x4  }
0x11: {  	s22 =	sshll.u32 s14, $0x4;
	s23 =	sadd.s32 s3, s16;
	s24 =	sadd.s32 s3, s17  }
0x12: {  	s3 =	sadd.s32 s3, s18;
	s25 =	sadd.s32 s11, s20;
	s26 =	sadd.s32 s10, s20  }
0x13: {  	s21 =	sor.u32 $0x10, s20;
	s12 =	sadd.s32 s0, s12;
	s14 =	sshll.u32 s24, $0x4  }
0x14: {  	s3 =	sshll.u32 s3, $0x4;
	s24 =	simm.s32 $0x200;
	[dreg:$0x4] =	wrdreg s25  }
0x15: {  	[dreg:$0x5] =	wrdreg s26;
	s20 =	sadd.s32 s11, s21;
	s15 =	sadd.s32 s10, s21  }
0x16: {  	[dreg:$0x8] =	wrdreg s12;
	s12 =	sadd.s32 s0, s22;
	s17 =	sadd.s32 s0, s14  }
0x17: {  	s18 =	sadd.s32 s0, s3;
	s25 =	sor.u32 $0x180, s19;
	[dreg:$0x6] =	wrdreg s20  }
0x18: {  	s26 =	sor.u32 $0x100, s19;
	s19 =	smax.u32 s13, $0x1;
	[dreg:$0x7] =	wrdreg s15  }
0x19: {  	[dreg:$0x9] =	wrdreg s12;
	s12 =	sshll.u32 s23, $0x4;
	s3 =	sshrl.u32 s26, $0x3  }
0x1a: {  	s26 =	simm.s32 $0x80;
	s16 =	sadd.s32 s0, s12;
	s0 =	sshrl.u32 s25, $0x3  }
0x1b: {  	s22 =	sadd.s32 s3, s10;
	s23 =	sadd.s32 s3, s11;
	s25 =	simm.s32 $0x5  }
0x1c: {  	s3 =	simm.s32 $0x3;
	s20 =	sadd.s32 s0, s10;
	s21 =	sadd.s32 s0, s11  }
0x1d: {  	v0 =	vimm.f32 $0.0e+00;
	s0 =	simm.s32 $0x4200;
	s10 =	simm.s32 $0x4;
	s11 =	simm.s32 $0x0  }
.LBB2_1:
0x1e: {  	s12 =	sand.u32 $0xFE00, s4  }
0x1f: {  	s13 =	sand.u32 $0x70, s4;
	s14 =	sshrl.u32 s12, $0x2  }
0x20: {  	s12 =	simm.s32 $0x40;
	s14 =	sor.u32 s13, s14;
	s13 =	simm.s32 $0x0  }
.LBB2_2:
0x21: {  	p0 =	sne.s32 s12, $0xFFC0  }
0x22: {  	[tilespmem:s14+$0x200] =	vst v0;
	s13 =	sadd.s32 $0x10, s13;
	s14 =	smov.u32 s12;
	s12 =	sadd.s32 $0x40, s12  }
.Ltmp0:
0x23: {  	(pc) =	sbr.rel @p0 .LBB2_2-.Ltmp0, $4  }
0x24: {  	_ = 	snop  }
0x25: {  	s14 =	sand.u32 $0xFE00, s14  }
0x26: {  	s15 =	sand.u32 $0x70, s13;
	s14 =	sshrl.u32 s14, $0x2  }
0x27: {  	s14 =	sor.u32 s15, s14  }
0x28: {  	[tilespmem:s14+$0x200] =	vst v0  }
0x29: {  	[spmem:s5] =	stream.linear.scatter [tilespmem:s24], [sflag:$0x5], $0x4000, $0x38;
	[tilespmem:$0x1C200] =	vst v63  }
0x2a: {  	_ =	swait.ge [sflag:s25], $0x4000  }
0x2b: {  	[sflag:s25] =	ssyncset.done $0x0  }
0x2c: {  	[sflag:s25] =	ssyncadd.s32 $0xFFFFC000  }
0x2d: {  	[spmem:s6] =	stream.linear.scatter [tilespmem:s24], [sflag:$0x5], $0x4000, $0x38;
	[tilespmem:$0x1C200] =	vst v63  }
0x2e: {  	_ =	swait.ge [sflag:s25], $0x4000  }
0x2f: {  	[sflag:s25] =	ssyncset.done $0x0  }
0x30: {  	[sflag:s25] =	ssyncadd.s32 $0xFFFFC000  }
0x31: {  	[spmem:s7] =	stream.linear.scatter [tilespmem:s24], [sflag:$0x5], $0x4000, $0x38;
	[tilespmem:$0x1C200] =	vst v63  }
0x32: {  	_ =	swait.ge [sflag:s25], $0x4000  }
0x33: {  	[sflag:s25] =	ssyncset.done $0x0  }
0x34: {  	[sflag:s25] =	ssyncadd.s32 $0xFFFFC000  }
0x35: {  	[spmem:s8] =	stream.linear.scatter [tilespmem:s24], [sflag:$0x5], $0x4000, $0x38;
	[tilespmem:$0x1C200] =	vst v63  }
0x36: {  	_ =	swait.ge [sflag:s25], $0x4000  }
0x37: {  	[sflag:s25] =	ssyncset.done $0x0  }
0x38: {  	[sflag:s25] =	ssyncadd.s32 $0xFFFFC000  }
0x39: {  	[spmem:s9] =	stream.linear.scatter [tilespmem:s24], [sflag:$0x5], $0x4000, $0x38;
	[tilespmem:$0x1C200] =	vst v63  }
0x3a: {  	_ =	swait.ge [sflag:s25], $0x4000  }
0x3b: {  	[sflag:s25] =	ssyncset.done $0x0  }
0x3c: {  	[sflag:s25] =	ssyncadd.s32 $0xFFFFC000  }
0x3d: {  	[bflag:$0x0] =	sbarrier.arrive $0xFFFF  }
0x3e: {  	s12 =	simm.s32 $0x0;
	s13 =	rddreg [dreg:$0x4]  }
0x3f: {  	[tilespmem:s12], [sflag:$0x1] =	stream.linear.gather [hbm4b:s13+s12], $0x80, $0x38;
	[tilespmem:$0x1C200] =	vst v63  }
0x40: {  	s15 =	rddreg [dreg:$0x5]  }
0x41: {  	[tilespmem:s26], [sflag:$0x1] =	stream.linear.gather [hbm4b:s15+s12], $0x80, $0x38;
	[tilespmem:$0x1C200] =	vst v63  }
0x42: {  	_ =	swait.ge [sflag:s28], $0x80  }
0x43: {  	[sflag:s28] =	ssyncset.done $0x0  }
0x44: {  	[sflag:s28] =	ssyncadd.s32 $0xFFFFFF80  }
0x45: {  	_ =	swait.ge [sflag:s28], $0x80  }
0x46: {  	[sflag:s28] =	ssyncset.done $0x0  }
0x47: {  	[sflag:s28] =	ssyncadd.s32 $0xFFFFFF80  }
0x48: {  	[tilespmem:s24], [sflag:$0x3] =	stream.indirect.gather [hbm4b:s1+s26], $0x80, s12, s26, $0xb8;
	[tilespmem:$0x1C200] =	vst v63  }
0x49: {  	s14 =	rddreg [dreg:$0x6]  }
0x4a: {  	[tilespmem:s29], [sflag:$0x2] =	stream.linear.gather [hbm4b:s14+s12], $0x80, $0x38;
	[tilespmem:$0x1C200] =	vst v63  }
0x4b: {  	s15 =	rddreg [dreg:$0x7]  }
0x4c: {  	[tilespmem:s30], [sflag:$0x2] =	stream.linear.gather [hbm4b:s15+s12], $0x80, $0x38;
	[tilespmem:$0x1C200] =	vst v63  }
0x4d: {  	_ =	swait.ge [sflag:s31], $0x80  }
0x4e: {  	[sflag:s31] =	ssyncset.done $0x0  }
0x4f: {  	[sflag:s31] =	ssyncadd.s32 $0xFFFFFF80  }
0x50: {  	_ =	swait.ge [sflag:s31], $0x80  }
0x51: {  	[sflag:s31] =	ssyncset.done $0x0  }
0x52: {  	[sflag:s31] =	ssyncadd.s32 $0xFFFFFF80  }
0x53: {  	[tilespmem:s0], [sflag:$0x4] =	stream.indirect.gather [hbm4b:s1+s26], $0x80, s29, s26, $0xb8;
	[tilespmem:$0x1C200] =	vst v63  }
0x54: {  	_ =	swait.ge [sflag:s3], $0x4000  }
0x55: {  	[sflag:s3] =	ssyncset.done $0x0  }
0x56: {  	[sflag:s3] =	ssyncadd.s32 $0xFFFFC000  }
0x57: {  	[spmem:s2] =	stream.indirect.scatter.add.f32 [tilespmem:s24], [sflag:$0x5], $0x80, s26, s26, $0xb8;
	[tilespmem:$0x1C200] =	vst v63  }
0x58: {  	_ =	swait.ge [sflag:s25], $0x4000  }
0x59: {  	[sflag:s25] =	ssyncset.done $0x0  }
0x5a: {  	s13 =	sadd.s32 $0x0, s23;
	[sflag:s25] =	ssyncadd.s32 $0xFFFFC000  }
0x5b: {  	[tilespmem:s4], [sflag:$0x1] =	stream.linear.gather [hbm4b:s13+s4], $0x80, $0x38;
	[tilespmem:$0x1C200] =	vst v63  }
0x5c: {  	s14 =	sadd.s32 $0x0, s22  }
0x5d: {  	[tilespmem:s26], [sflag:$0x1] =	stream.linear.gather [hbm4b:s14+s4], $0x80, $0x38;
	[tilespmem:$0x1C200] =	vst v63  }
0x5e: {  	_ =	swait.ge [sflag:s28], $0x80  }
0x5f: {  	[sflag:s28] =	ssyncset.done $0x0  }
0x60: {  	[sflag:s28] =	ssyncadd.s32 $0xFFFFFF80  }
0x61: {  	_ =	swait.ge [sflag:s28], $0x80  }
0x62: {  	[sflag:s28] =	ssyncset.done $0x0  }
0x63: {  	[sflag:s28] =	ssyncadd.s32 $0xFFFFFF80  }
0x64: {  	[tilespmem:s24], [sflag:$0x3] =	stream.indirect.gather [hbm4b:s1+s26], $0x80, s4, s26, $0xb8;
	[tilespmem:$0x1C200] =	vst v63  }
0x65: {  	_ =	swait.ge [sflag:s10], $0x4000  }
0x66: {  	[sflag:s10] =	ssyncset.done $0x0  }
0x67: {  	[sflag:s10] =	ssyncadd.s32 $0xFFFFC000  }
0x68: {  	[spmem:s2] =	stream.indirect.scatter.add.f32 [tilespmem:s0], [sflag:$0x5], $0x80, s30, s26, $0xb8;
	[tilespmem:$0x1C200] =	vst v63  }
0x69: {  	_ =	swait.ge [sflag:s25], $0x4000  }
0x6a: {  	s15 =	sadd.s32 $0x0, s21;
	[sflag:s25] =	ssyncset.done $0x0  }
0x6b: {  	s12 =	simm.s32 $0x20;
	s13 =	sadd.s32 $0x0, s20;
	[sflag:s25] =	ssyncadd.s32 $0xFFFFC000  }
0x6c: {  	[tilespmem:s29], [sflag:$0x2] =	stream.linear.gather [hbm4b:s15+s4], $0x80, $0x38;
	[tilespmem:$0x1C200] =	vst v63  }
.LBB2_4:
0x6d: {  	[tilespmem:s30], [sflag:$0x2] =	stream.linear.gather [hbm4b:s13+s4], $0x80, $0x38;
	[tilespmem:$0x1C200] =	vst v63  }
0x6e: {  	s13 =	smov.u32 s12  }
0x6f: {  	p0 =	sne.s32 s12, $0x4C0;
	s12 =	sadd.s32 $0x20, s12;
	_ =	swait.ge [sflag:s31], $0x80  }
0x70: {  	[sflag:s31] =	ssyncset.done $0x0  }
0x71: {  	[sflag:s31] =	ssyncadd.s32 $0xFFFFFF80  }
0x72: {  	_ =	swait.ge [sflag:s31], $0x80  }
0x73: {  	[sflag:s31] =	ssyncset.done $0x0  }
0x74: {  	[sflag:s31] =	ssyncadd.s32 $0xFFFFFF80  }
0x75: {  	[tilespmem:s0], [sflag:$0x4] =	stream.indirect.gather [hbm4b:s1+s26], $0x80, s29, s26, $0xb8;
	[tilespmem:$0x1C200] =	vst v63  }
0x76: {  	_ =	swait.ge [sflag:s3], $0x4000  }
0x77: {  	[sflag:s3] =	ssyncset.done $0x0  }
0x78: {  	[sflag:s3] =	ssyncadd.s32 $0xFFFFC000  }
0x79: {  	[spmem:s2] =	stream.indirect.scatter.add.f32 [tilespmem:s24], [sflag:$0x5], $0x80, s26, s26, $0xb8;
	[tilespmem:$0x1C200] =	vst v63  }
0x7a: {  	_ =	swait.ge [sflag:s25], $0x4000  }
0x7b: {  	[sflag:s25] =	ssyncset.done $0x0  }
0x7c: {  	s14 =	sadd.s32 s13, s23;
	[sflag:s25] =	ssyncadd.s32 $0xFFFFC000  }
0x7d: {  	[tilespmem:s4], [sflag:$0x1] =	stream.linear.gather [hbm4b:s14+s4], $0x80, $0x38;
	[tilespmem:$0x1C200] =	vst v63  }
0x7e: {  	s14 =	sadd.s32 s13, s22  }
0x7f: {  	[tilespmem:s26], [sflag:$0x1] =	stream.linear.gather [hbm4b:s14+s4], $0x80, $0x38;
	[tilespmem:$0x1C200] =	vst v63  }
0x80: {  	_ =	swait.ge [sflag:s28], $0x80  }
0x81: {  	[sflag:s28] =	ssyncset.done $0x0  }
0x82: {  	[sflag:s28] =	ssyncadd.s32 $0xFFFFFF80  }
0x83: {  	_ =	swait.ge [sflag:s28], $0x80  }
0x84: {  	[sflag:s28] =	ssyncset.done $0x0  }
0x85: {  	[sflag:s28] =	ssyncadd.s32 $0xFFFFFF80  }
0x86: {  	[tilespmem:s24], [sflag:$0x3] =	stream.indirect.gather [hbm4b:s1+s26], $0x80, s4, s26, $0xb8;
	[tilespmem:$0x1C200] =	vst v63  }
0x87: {  	_ =	swait.ge [sflag:s10], $0x4000  }
0x88: {  	[sflag:s10] =	ssyncset.done $0x0  }
0x89: {  	[sflag:s10] =	ssyncadd.s32 $0xFFFFC000  }
0x8a: {  	[spmem:s2] =	stream.indirect.scatter.add.f32 [tilespmem:s0], [sflag:$0x5], $0x80, s30, s26, $0xb8;
	[tilespmem:$0x1C200] =	vst v63  }
.Ltmp1:
0x8b: {  	_ =	swait.ge [sflag:s25], $0x4000;
	(pc) =	sbr.rel @p0 .LBB2_4-.Ltmp1, $4  }
0x8c: {  	[sflag:s25] =	ssyncset.done $0x0  }
0x8d: {  	s14 =	sadd.s32 s13, s21;
	[sflag:s25] =	ssyncadd.s32 $0xFFFFC000  }
0x8e: {  	[tilespmem:s29], [sflag:$0x2] =	stream.linear.gather [hbm4b:s14+s4], $0x80, $0x38;
	[tilespmem:$0x1C200] =	vst v63  }
0x8f: {  	s13 =	sadd.s32 s13, s20  }
0x90: {  	[tilespmem:s30], [sflag:$0x2] =	stream.linear.gather [hbm4b:s13+s4], $0x80, $0x38;
	[tilespmem:$0x1C200] =	vst v63  }
0x91: {  	_ =	swait.ge [sflag:s31], $0x80  }
0x92: {  	[sflag:s31] =	ssyncset.done $0x0  }
0x93: {  	[sflag:s31] =	ssyncadd.s32 $0xFFFFFF80  }
0x94: {  	_ =	swait.ge [sflag:s31], $0x80  }
0x95: {  	[sflag:s31] =	ssyncset.done $0x0  }
0x96: {  	[sflag:s31] =	ssyncadd.s32 $0xFFFFFF80  }
0x97: {  	[tilespmem:s0], [sflag:$0x4] =	stream.indirect.gather [hbm4b:s1+s26], $0x80, s29, s26, $0xb8;
	[tilespmem:$0x1C200] =	vst v63  }
0x98: {  	_ =	swait.ge [sflag:s3], $0x4000  }
0x99: {  	[sflag:s3] =	ssyncset.done $0x0  }
0x9a: {  	[sflag:s3] =	ssyncadd.s32 $0xFFFFC000  }
0x9b: {  	[spmem:s2] =	stream.indirect.scatter.add.f32 [tilespmem:s24], [sflag:$0x5], $0x80, s26, s26, $0xb8;
	[tilespmem:$0x1C200] =	vst v63  }
0x9c: {  	_ =	swait.ge [sflag:s25], $0x4000  }
0x9d: {  	[sflag:s25] =	ssyncset.done $0x0  }
0x9e: {  	[sflag:s25] =	ssyncadd.s32 $0xFFFFC000  }
0x9f: {  	_ =	swait.ge [sflag:s10], $0x4000  }
0xa0: {  	[sflag:s10] =	ssyncset.done $0x0  }
0xa1: {  	[sflag:s10] =	ssyncadd.s32 $0xFFFFC000  }
0xa2: {  	[spmem:s2] =	stream.indirect.scatter.add.f32 [tilespmem:s0], [sflag:$0x5], $0x80, s30, s26, $0xb8;
	[tilespmem:$0x1C200] =	vst v63  }
0xa3: {  	_ =	swait.ge [sflag:s25], $0x4000  }
0xa4: {  	[sflag:s25] =	ssyncset.done $0x0  }
0xa5: {  	[sflag:s25] =	ssyncadd.s32 $0xFFFFC000  }
0xa6: {  	[bflag:$0x0] =	sbarrier.arrive $0xFFFF  }
0xa7: {  	[tilespmem:s24], [sflag:$0x5] =	stream.linear.gather [spmem:s5], $0x4000, $0x38;
	[tilespmem:$0x1C200] =	vst v63  }
0xa8: {  	_ =	swait.ge [sflag:s25], $0x4000  }
0xa9: {  	[sflag:s25] =	ssyncset.done $0x0  }
0xaa: {  	s12 =	rddreg [dreg:$0x8];
	[sflag:s25] =	ssyncadd.s32 $0xFFFFC000  }
0xab: {  	[hbm4b:s12+s4] =	stream.linear.scatter [tilespmem:s24], [sflag:$0x5], $0x4000, $0x38;
	[tilespmem:$0x1C200] =	vst v63  }
0xac: {  	_ =	swait.ge [sflag:s25], $0x4000  }
0xad: {  	[sflag:s25] =	ssyncset.done $0x0  }
0xae: {  	[sflag:s25] =	ssyncadd.s32 $0xFFFFC000  }
0xaf: {  	[tilespmem:s24], [sflag:$0x5] =	stream.linear.gather [spmem:s6], $0x4000, $0x38;
	[tilespmem:$0x1C200] =	vst v63  }
0xb0: {  	_ =	swait.ge [sflag:s25], $0x4000  }
0xb1: {  	[sflag:s25] =	ssyncset.done $0x0  }
0xb2: {  	s15 =	rddreg [dreg:$0x9];
	[sflag:s25] =	ssyncadd.s32 $0xFFFFC000  }
0xb3: {  	[hbm4b:s15+s4] =	stream.linear.scatter [tilespmem:s24], [sflag:$0x5], $0x4000, $0x38;
	[tilespmem:$0x1C200] =	vst v63  }
0xb4: {  	_ =	swait.ge [sflag:s25], $0x4000  }
0xb5: {  	[sflag:s25] =	ssyncset.done $0x0  }
0xb6: {  	[sflag:s25] =	ssyncadd.s32 $0xFFFFC000  }
0xb7: {  	[tilespmem:s24], [sflag:$0x5] =	stream.linear.gather [spmem:s7], $0x4000, $0x38;
	[tilespmem:$0x1C200] =	vst v63  }
0xb8: {  	_ =	swait.ge [sflag:s25], $0x4000  }
0xb9: {  	[sflag:s25] =	ssyncset.done $0x0  }
0xba: {  	[sflag:s25] =	ssyncadd.s32 $0xFFFFC000  }
0xbb: {  	[hbm4b:s16+s4] =	stream.linear.scatter [tilespmem:s24], [sflag:$0x5], $0x4000, $0x38;
	[tilespmem:$0x1C200] =	vst v63  }
0xbc: {  	_ =	swait.ge [sflag:s25], $0x4000  }
0xbd: {  	[sflag:s25] =	ssyncset.done $0x0  }
0xbe: {  	[sflag:s25] =	ssyncadd.s32 $0xFFFFC000  }
0xbf: {  	[tilespmem:s24], [sflag:$0x5] =	stream.linear.gather [spmem:s8], $0x4000, $0x38;
	[tilespmem:$0x1C200] =	vst v63  }
0xc0: {  	_ =	swait.ge [sflag:s25], $0x4000  }
0xc1: {  	[sflag:s25] =	ssyncset.done $0x0  }
0xc2: {  	[sflag:s25] =	ssyncadd.s32 $0xFFFFC000  }
0xc3: {  	[hbm4b:s17+s4] =	stream.linear.scatter [tilespmem:s24], [sflag:$0x5], $0x4000, $0x38;
	[tilespmem:$0x1C200] =	vst v63  }
0xc4: {  	_ =	swait.ge [sflag:s25], $0x4000  }
0xc5: {  	[sflag:s25] =	ssyncset.done $0x0  }
0xc6: {  	[sflag:s25] =	ssyncadd.s32 $0xFFFFC000  }
0xc7: {  	[tilespmem:s24], [sflag:$0x5] =	stream.linear.gather [spmem:s9], $0x4000, $0x38;
	[tilespmem:$0x1C200] =	vst v63  }
0xc8: {  	s11 =	sadd.s32 $0x1, s11;
	_ =	swait.ge [sflag:s25], $0x4000  }
0xc9: {  	p0 =	sne.s32 s11, s19;
	[sflag:s25] =	ssyncset.done $0x0  }
.Ltmp2:
0xca: {  	[sflag:s25] =	ssyncadd.s32 $0xFFFFC000;
	(pc) =	sbr.rel @p0 .LBB2_1-.Ltmp2, $4  }
0xcb: {  	[hbm4b:s18+s4] =	stream.linear.scatter [tilespmem:s24], [sflag:$0x5], $0x4000, $0x38;
	[tilespmem:$0x1C200] =	vst v63  }
0xcc: {  	_ =	swait.ge [sflag:s25], $0x4000  }
0xcd: {  	[sflag:s25] =	ssyncset.done $0x0  }
0xce: {  	[sflag:s25] =	ssyncadd.s32 $0xFFFFC000  }
0xcf: {  	_ =	sfence.sel $0x180000  }
0xd0: {  	[bflag:$0x0] =	sbarrier.arrive $0xFFFF  }
0xd1: {  	_ =	strace $0x9000004A  }
0xd2: {  	s0 =	stileid.u32;
	[bflag:$0x2] =	sbarrier.arrive $0xFFFF  }
0xd3: {  	p0 =	sne.s32 s0, $0x0;
	s0 =	rddreg [dreg:$0x3]  }
0xd4: {  	s0 =	sadd.s32 @!p0 $0x100000, s0  }
0xd5: {  	[sflag:s0] =	ssyncadd.tile.s32 @!p0 $0x1;
	_ =	shalt  }
.Lfunc_end2:
_tile_overlayer_lowered:
.L_overlay_start_2:
0xd6: {  	(tag) =	ssettag $0x2  }
0xd7: {  	s0 =	rddreg [dreg:$0x0];
	s2 =	stileid.u32  }
0xd8: {  	s1 =	rddreg [dreg:$0x1];
	p0 =	sne.s32 s2, $0x0  }
0xd9: {  	s3 =	rddreg [dreg:$0x2];
	[bflag:$0x3] =	sbarrier.arrive $0xFFFF;
	s2 =	simm.s32 @!p0 $0x1C05  }
0xda: {  	[timem:s3], [sflag:s2] =	dma.local @!p0 [hbm:s0], s1  }
0xdb: {  	s0 =	simm.s32 @!p0 $0x5  }
0xdc: {  	_ =	swait.ge @!p0 [sflag:s0], s1  }
0xdd: {  	s1 =	ssub.s32 @!p0 $0x0, s1;
	[sflag:s0] =	ssyncset.done @!p0 $0x0  }
0xde: {  	[sflag:s0] =	ssyncadd.s32 @!p0 s1  }
0xdf: {  	[bflag:$0x3] =	sbarrier.arrive $0xFFFF  }
0xe0: {  	_ =	shalt  }

// kernel: kernel.7.cloned.1.call-start
scs
__scs_entry_jumppad:
0x0: {  	(pc) =	sbr.rel $0x88, $3  }
0x1: {  	(tag) =	ssettag $0x0;
	lr =	simm.s32 $0x1  }
0x2: {  	[smem:$0x3F9B] =	sst lr;
	_ =	strace $0xD0000000  }
0x3: {  	_ = 	snop  }
0x4: {  	_ = 	snop  }
0x5: {  	_ = 	snop  }
0x6: {  	_ = 	snop  }
0x7: {  	_ = 	snop  }
__scs_overlays_trampoline_lowered:
0x8: {  	[smem:$0x3FAA] =	sst s0  }
0x9: {  	[smem:$0x3FAB] =	sst s1  }
0xa: {  	[smem:$0x3FAC] =	sst s2  }
0xb: {  	[smem:$0x3FAD] =	sst s3  }
0xc: {  	[smem:$0x3FAE] =	sst s4  }
0xd: {  	[smem:$0x3FAF] =	sst s5  }
0xe: {  	[smem:$0x3FB0] =	sst s6  }
0xf: {  	[smem:$0x3FB1] =	sst s7  }
0x10: {  	[smem:$0x3FB2] =	sst s8  }
0x11: {  	[smem:$0x3FB3] =	sst s9;
	s0 =	simm.s32 @!p0 $0x0  }
0x12: {  	s1 =	sld [smem:$0x3F99];
	s0 =	simm.s32 @p0 $0x1  }
0x13: {  	[smem:$0x3FB4] =	sst s0;
	s0 =	simm.s32 @!p1 $0x0  }
0x14: {  	s2 =	sld [smem:$0x3F98];
	s0 =	simm.s32 @p1 $0x1  }
0x15: {  	[smem:$0x3FB5] =	sst s0;
	s0 =	simm.s32 @!p2 $0x0  }
0x16: {  	s3 =	sld [smem:$0x3FDB];
	s0 =	simm.s32 @p2 $0x1  }
0x17: {  	s4 =	simm.s32 $0x1BF5;
	[smem:$0x3FB7] =	sst s0  }
0x18: {  	s0 =	sld [smem:$0x3F9A];
	_ =	swait.ge [sflag:s4], $0x0  }
0x19: {  	s7 =	sld [smem:$0x3F9B]  }
0x1a: {  	s8 =	sadd.s32 $0xFFFFE003, lr  }
0x1b: {  	s9 =	sadd.s32 $0xFFFFFEF7, lr;
	s5 =	simm.s32 $0xFFFFFFFF;
	p2 =	slt.u32 s8, $0xFFFFF086  }
0x1c: {  	p1 =	slt.u32 s9, $0xF7A;
	s5 =	simm.s32 @!p2 $0x0  }
0x1d: {  	s5 =	simm.s32 @p1 $0x1;
	p0 =	seq.s32 s7, s2  }
0x1e: {  	s7 =	smul.u32 @!p0 $0xF7A, s2;
	p2 =	seq.s32 @!p0 s5, $0x0  }
0x1f: {  	s9 =	smul.u32 $0xF7A, s1;
	s8 =	simm.s32 @!p0 $0x1BF5;
	p2 =	por !p2, p0  }
0x20: {  	[sflag:s8] =	ssyncset.s32 @!p0 $0xFFFFF086;
	s6 =	sadd.s32 @!p0 s3, s7;
	s7 =	simm.s32 @!p0 $0x108  }
0x21: {  	s3 =	sadd.s32 s3, s9;
	s6 =	sadd.s32 @!p0 $0x88, s6;
	s7 =	simm.s32 @p2 $0x1082  }
0x22: {  	[simem:s7], [sflag:s8] =	dma.local @!p0 [hbm:s6], $0xF7A  }
0x23: {  	s9 =	sor.u32 $0xD0000000, s2;
	s6 =	simm.s32 $0x108;
	_ =	swait.ge @!p0 [sflag:s8], $0x0  }
0x24: {  	s3 =	sadd.s32 $0x88, s3;
	s6 =	simm.s32 @!p1 $0x1082;
	[sflag:s4] =	ssyncset.s32 $0xFFFFF086  }
0x25: {  	[simem:s6], [sflag:s4] =	dma.local [hbm:s3], $0xF7A  }
0x26: {  	[smem:$0x3F9B] =	sst s1;
	(tag) =	ssettag s2;
	_ =	strace s9  }
0x27: {  	s1 =	sld [smem:$0x3FAB]  }
0x28: {  	s2 =	sld [smem:$0x3FAC]  }
0x29: {  	s4 =	sld [smem:$0x3FAE]  }
0x2a: {  	p0 =	seq.s32 s5, $0x0;
	s5 =	sld [smem:$0x3FAF]  }
0x2b: {  	s6 =	sld [smem:$0x3FB0]  }
0x2c: {  	s7 =	sld [smem:$0x3FB1]  }
0x2d: {  	s3 =	simm.s32 $0x108;
	s8 =	sld [smem:$0x3FB2]  }
0x2e: {  	s3 =	simm.s32 @!p0 $0x1082;
	s9 =	sld [smem:$0x3FB3]  }
0x2f: {  	lr =	sadd.s32 s0, s3;
	s0 =	sld [smem:$0x3FAA]  }
0x30: {  	s3 =	sld [smem:$0x3FAD]  }
0x31: {  	[smem:$0x3FB6] =	sst s10  }
0x32: {  	s10 =	sld [smem:$0x3FB4];
	_ =	sdelay $0x3  }
0x33: {  	p0 =	seq.s32 s10, $0x1;
	s10 =	sld [smem:$0x3FB6];
	_ =	sdelay $0x3  }
0x34: {  	[smem:$0x3FB6] =	sst s10  }
0x35: {  	s10 =	sld [smem:$0x3FB5];
	_ =	sdelay $0x3  }
0x36: {  	p1 =	seq.s32 s10, $0x1;
	s10 =	sld [smem:$0x3FB6];
	_ =	sdelay $0x3  }
0x37: {  	[smem:$0x3FB6] =	sst s10  }
0x38: {  	s10 =	sld [smem:$0x3FB7]  }
0x39: {  	_ = 	snop;
	(pc) =	sbr.ind lr, $3  }
0x3a: {  	_ = 	snop  }
0x3b: {  	_ = 	snop  }
0x3c: {  	p2 =	seq.s32 s10, $0x1;
	s10 =	sld [smem:$0x3FB6]  }
0x3d: {  	_ =	shalt  }
0x3e: {  	_ =	shalt  }
0x3f: {  	_ =	shalt  }
0x40: {  	_ =	shalt  }
0x41: {  	_ =	shalt  }
0x42: {  	_ =	shalt  }
0x43: {  	_ =	shalt  }
0x44: {  	_ =	shalt  }
0x45: {  	_ =	shalt  }
0x46: {  	_ =	shalt  }
0x47: {  	_ =	shalt  }
0x48: {  	_ =	shalt  }
0x49: {  	_ =	shalt  }
0x4a: {  	_ =	shalt  }
0x4b: {  	_ =	shalt  }
0x4c: {  	_ =	shalt  }
0x4d: {  	_ =	shalt  }
0x4e: {  	_ =	shalt  }
0x4f: {  	_ =	shalt  }
0x50: {  	_ =	shalt  }
0x51: {  	_ =	shalt  }
0x52: {  	_ =	shalt  }
0x53: {  	_ =	shalt  }
0x54: {  	_ =	shalt  }
0x55: {  	_ =	shalt  }
0x56: {  	_ =	shalt  }
0x57: {  	_ =	shalt  }
0x58: {  	_ =	shalt  }
0x59: {  	_ =	shalt  }
0x5a: {  	_ =	shalt  }
0x5b: {  	_ =	shalt  }
0x5c: {  	_ =	shalt  }
0x5d: {  	_ =	shalt  }
0x5e: {  	_ =	shalt  }
0x5f: {  	_ =	shalt  }
0x60: {  	_ =	shalt  }
0x61: {  	_ =	shalt  }
0x62: {  	_ =	shalt  }
0x63: {  	_ =	shalt  }
0x64: {  	_ =	shalt  }
0x65: {  	_ =	shalt  }
0x66: {  	_ =	shalt  }
0x67: {  	_ =	shalt  }
0x68: {  	_ =	shalt  }
0x69: {  	_ =	shalt  }
0x6a: {  	_ =	shalt  }
0x6b: {  	_ =	shalt  }
0x6c: {  	_ =	shalt  }
0x6d: {  	_ =	shalt  }
0x6e: {  	_ =	shalt  }
0x6f: {  	_ =	shalt  }
0x70: {  	_ =	shalt  }
0x71: {  	_ =	shalt  }
0x72: {  	_ =	shalt  }
0x73: {  	_ =	shalt  }
0x74: {  	_ =	shalt  }
0x75: {  	_ =	shalt  }
0x76: {  	_ =	shalt  }
0x77: {  	_ =	shalt  }
0x78: {  	_ =	shalt  }
0x79: {  	_ =	shalt  }
0x7a: {  	_ =	shalt  }
0x7b: {  	_ =	shalt  }
0x7c: {  	_ =	shalt  }
0x7d: {  	_ =	shalt  }
0x7e: {  	_ =	shalt  }
0x7f: {  	_ =	shalt  }
0x80: {  	_ =	shalt  }
0x81: {  	_ =	shalt  }
0x82: {  	_ =	shalt  }
0x83: {  	_ =	shalt  }
0x84: {  	_ =	shalt  }
0x85: {  	_ =	shalt  }
0x86: {  	_ =	shalt  }
0x87: {  	_ =	shalt  }
.Lfunc_end0:
.L_simem_size_0:
called_computation_lowered:
.L_overlay_start_0:
0x88: {  	s2 =	sld [smem:$0x3FD9]  }
0x89: {  	s3 =	sld [smem:$0x3FFE];
	_ =	sdelay $0x1  }
0x8a: {  	s1 =	srdreg.scid  }
0x8b: {  	s0 =	sand.u32 $0x1, s1  }
0x8c: {  	s17 =	sshll.u32 s0, $0xA;
	s2 =	sadd.s32 s3, s2  }
0x8d: {  	s2 =	sadd.s32 s2, s17  }
0x8e: {  	[smem:$0x3FC2] =	sst s2  }
0x8f: {  	_ = 	snop  }
0x90: {  	s2 =	sld [smem:$0x3FD0];
	(tm) =	ssettm $0x1  }
0x91: {  	s18 =	sld [smem:$0x3FFB];
	_ =	sdelay $0x3  }
0x92: {  	_ =	strace s18  }
0x93: {  	s3 =	sld [smem:$0x3FFC];
	_ =	sdelay $0x3  }
0x94: {  	_ =	strace s3  }
0x95: {  	s3 =	sld [smem:$0x3FFD];
	_ =	sdelay $0x3  }
0x96: {  	_ =	strace s3  }
0x97: {  	_ =	strace $0x8FFFFFFF  }
0x98: {  	s19 =	sld [smem:$0x3FDB];
	_ =	sdelay $0x1  }
0x99: {  	s4 =	simm.s32 $_scs_section_size  }
0x9a: {  	s5 =	simm.s32 $_size__tile_overlayer_lowered;
	s6 =	simm.s32 $_tile_overlayer_lowered  }
0x9b: {  	s22 =	simm.s32 $0x1BFF;
	s21 =	sshll.u32 s6, $0x1;
	s3 =	sadd.s32 s4, s19  }
0x9c: {  	s7 =	simm.s32 $0x0;
	s20 =	sshll.u32 s5, $0x1;
	s5 =	sadd.s32 s21, s3  }
0x9d: {  	[timem:s7], [sflag:s22] =	dma.local [hbm:s5], s20  }
0x9e: {  	_ =	swait.ge [sflag:s22], s20  }
0x9f: {  	s4 =	ssub.s32 $0x0, s20;
	[sflag:s22] =	ssyncset.done $0x0  }
0xa0: {  	[sflag:s22] =	ssyncadd.s32 s4;
	_ =	sdelay $0x1  }
0xa1: {  	s23 =	simm.s32 $0x1B8B  }
0xa2: {  	_ =	swait.ge [sflag:s23], $0x1  }
0xa3: {  	[sflag:s23] =	ssyncset.done $0x0  }
0xa4: {  	s25 =	simm.s32 $0x1B8E;
	s24 =	sld [smem:$0x3FFE];
	[sflag:s23] =	ssyncadd.s32 $0xFFFFFFFF  }
0xa5: {  	s26 =	simm.s32 $execute0_lowered;
	[smem:$0x3FD2] =	sst s25  }
0xa6: {  	s5 =	sshll.u32 s26, $0x1;
	_ =	strace $0x80000046;
	[dreg:$0x1] =	wrdreg $0xFFFFFFFF  }
0xa7: {  	s28 =	simm.s32 $_size_execute0_lowered;
	s3 =	sadd.s32 s3, s5;
	[dreg:$0x0] =	wrdreg $0x0  }
0xa8: {  	s5 =	sshll.u32 s28, $0x1;
	[dreg:$0x2] =	wrdreg s3  }
0xa9: {  	[dreg:$0x3] =	wrdreg s5  }
0xaa: {  	[dreg:$0x4] =	wrdreg $0xC0  }
0xab: {  	_ =	task [dreg:s7], $0x5FFFF  }
0xac: {  	[dreg:$0x1] =	wrdreg $0xFFFFFFFF  }
0xad: {  	[dreg:$0x0] =	wrdreg $0x60  }
0xae: {  	[dreg:$0x2] =	wrdreg s24  }
0xaf: {  	[dreg:$0x3] =	wrdreg s2  }
0xb0: {  	[dreg:$0x4] =	wrdreg $0x1B2000  }
0xb1: {  	[dreg:$0x5] =	wrdreg $0x182000  }
0xb2: {  	[dreg:$0x6] =	wrdreg $0x1AA000  }
0xb3: {  	[dreg:$0x7] =	wrdreg $0x9  }
0xb4: {  	_ =	task.clear_ibuf [dreg:s7], $0x8FFFF;
	_ =	strace $0x90000046  }
0xb5: {  	s29 =	simm.s32 $0x9;
	_ =	strace $0x80000048  }
0xb6: {  	_ =	swait.ge [sflag:s29], $0x1  }
0xb7: {  	[sflag:s29] =	ssyncadd.s32 $0xFFFFFFFF  }
0xb8: {  	_ =	strace $0x90000048  }
0xb9: {  	_ =	sfence  }
0xba: {  	s30 =	sld [smem:$0x0];
	_ =	sdelay $0x2  }
0xbb: {  	s31 =	sshll.u32 s1, $0xD;
	s1 =	sshrl.u32 s1, $0x2  }
0xbc: {  	s3 =	sand.u32 $0x4000, s31;
	s1 =	sadd.s32 s1, s30  }
0xbd: {  	s0 =	sor.u32 s3, s0;
	s1 =	sshll.u32 s1, $0x11  }
0xbe: {  	s0 =	sor.u32 s1, s0  }
0xbf: {  	s0 =	sadd.s32 $0x8F2B, s0  }
0xc0: {  	[sflag:s0] =	ssyncadd.remote.s32 $0x1  }
0xc1: {  	_ =	sfence.sel $0xFFFF  }
0xc2: {  	[dreg:$0x0] =	wrdreg $0xFFFFFFFF;
	(pc) =	sbr.abs _section_cstart, $3  }
0xc3: {  	[dreg:$0x1] =	wrdreg $0xFFFFFFFF  }
0xc4: {  	_ =	task.clear_ibuf [dreg:s7], $0x2FFFF;
	_ =	strace $0x9FFFFFFF  }
0xc5: {  	(tm) =	ssettm $0x7FFFFFFF  }
tec
execute0_lowered:
.L_overlay_start_1:
0x0: {  	(tag) =	ssettag $0x1  }
0x1: {  	s2 =	rddreg [dreg:$0x0]  }
0x2: {  	s5 =	rddreg [dreg:$0x1]  }
0x3: {  	s1 =	rddreg [dreg:$0x2]  }
0x4: {  	s20 =	rddreg [dreg:$0x3]  }
0x5: {  	s0 =	rddreg [dreg:$0x4];
	s3 =	simm.s32 $0x0;
	s6 =	srdreg.scid  }
0x6: {  	s9 =	stileid.u32;
	s31 =	simm.s32 $0xA080;
	[smem:$0x7FF] =	sst s3  }
0x7: {  	s4 =	sadd.s32 $0x16200, s2;
	s7 =	sadd.s32 $0x2200, s2;
	s6 =	sand.u32 $0x1, s6  }
0x8: {  	s8 =	sadd.s32 $0xC200, s2;
	s11 =	sadd.s32 $0x3E600, s2;
	s12 =	smul.u32 $0x2800, s9  }
0x9: {  	s13 =	sadd.s32 $0x3E200, s2;
	s14 =	smul.u32 $0xA00, s9;
	s2 =	sadd.s32 $0x3E400, s2  }
0xa: {  	s21 =	sshll.u32 s9, $0xB;
	s22 =	sshll.u32 s9, $0xE;
	s26 =	sshrl.u32 s9, $0x3  }
0xb: {  	p1 =	slt.u32 s9, $0x8;
	_ =	strace $0x80000047;
	[dreg:$0x6] =	wrdreg s11  }
0xc: {  	p0 =	sgt.u32 s9, $0x3;
	p4 =	sgt.u32 s9, $0x7;
	[dreg:$0x7] =	wrdreg s13  }
0xd: {  	s10 =	smul.u32 $0x28000, s6;
	s15 =	ssub.s32 $0x2, s6;
	[dreg:$0x8] =	wrdreg s2  }
0xe: {  	s28 =	sshll.u32 s6, $0xF;
	s5 =	sadd.s32 s5, s21;
	s6 =	sor.u32 s9, s6  }
0xf: {  	s13 =	simm.s32 $0x400;
	s16 =	sshrl.u32 s15, $0x1;
	s17 =	sadd.s32 s7, s14  }
0x10: {  	s18 =	sadd.s32 s8, s14;
	s5 =	sadd.s32 s28, s5;
	[dreg:$0x9] =	wrdreg s17  }
0x11: {  	p5 =	sne.s32 s6, $0x0;
	s2 =	ssub.s32 s15, s16;
	[dreg:$0xa] =	wrdreg s18  }
0x12: {  	s10 =	sadd.s32 s12, s10;
	[dreg:$0xf] =	wrdreg s5;
	s12 =	smul.u32 $0x50000, s26  }
0x13: {  	s26 =	sshll.u32 s26, $0xE;
	s19 =	sshrl.u32 s10, $0x3;
	s29 =	sor.u32 $0x180, s10  }
0x14: {  	s10 =	sor.u32 $0x100, s10;
	s23 =	sor.u32 $0x10, s19;
	s15 =	sadd.s32 s7, s19  }
0x15: {  	s11 =	sadd.s32 s8, s19;
	s30 =	sshrl.u32 s29, $0x3;
	s10 =	sshrl.u32 s10, $0x3  }
0x16: {  	s19 =	sadd.s32 s22, s1;
	s29 =	smax.u32 s2, $0x1;
	[dreg:$0xb] =	wrdreg s15  }
0x17: {  	s2 =	simm.s32 $0x1;
	[dreg:$0xc] =	wrdreg s11;
	s24 =	sadd.s32 s7, s23  }
0x18: {  	s25 =	sadd.s32 s8, s23;
	s15 =	sadd.s32 s30, s8;
	s16 =	sadd.s32 s30, s7  }
0x19: {  	s17 =	sadd.s32 s10, s8;
	s18 =	sadd.s32 s10, s7;
	s10 =	sshll.u32 s9, $0x7  }
0x1a: {  	s7 =	simm.s32 @!p0 $0x0;
	[dreg:$0x18] =	wrdreg s29;
	s30 =	sadd.s32 $0x80, s20  }
0x1b: {  	s8 =	simm.s32 $0xE200;
	s11 =	simm.s32 $0x3;
	[dreg:$0xd] =	wrdreg s24  }
0x1c: {  	[dreg:$0xe] =	wrdreg s25;
	s7 =	simm.s32 @p0 $0x1;
	p0 =	sgt.u32 s9, $0x1  }
0x1d: {  	s14 =	sand.u32 $0x380, s10;
	s22 =	sadd.s32 s10, s20;
	[dreg:$0x19] =	wrdreg s30  }
0x1e: {  	s5 =	sadd.s32 s10, s0;
	s10 =	simm.s32 $0x17200;
	[smem:$0x7FB] =	sst s7  }
0x1f: {  	s7 =	simm.s32 @!p0 $0x0;
	s21 =	sadd.s32 s14, s20;
	s24 =	sadd.s32 $0x200, s22  }
0x20: {  	s25 =	sadd.s32 $0x100, s22;
	s6 =	sadd.s32 s14, s0;
	s28 =	sadd.s32 $0x200, s5  }
0x21: {  	s5 =	sadd.s32 $0x100, s5;
	s0 =	sadd.s32 $0x80, s0;
	[dreg:$0x12] =	wrdreg s24  }
0x22: {  	s22 =	simm.s32 $0xA000;
	s14 =	simm.s32 $0x17A00;
	[dreg:$0x13] =	wrdreg s25  }
0x23: {  	s7 =	simm.s32 @p0 $0x1;
	p0 =	sne.s32 s9, $0x0;
	[dreg:$0x15] =	wrdreg s28  }
0x24: {  	s23 =	sadd.s32 $0x14000, s21;
	s24 =	sadd.s32 s26, s6;
	[dreg:$0x16] =	wrdreg s5  }
0x25: {  	s6 =	sadd.s32 $0x4000, s6;
	[dreg:$0x17] =	wrdreg s0;
	s0 =	simm.s32 $0x5  }
0x26: {  	s5 =	simm.s32 $0xA100;
	s9 =	simm.s32 $0x12200;
	[smem:$0x7FC] =	sst s7  }
.Ltmp0:
0x27: {  	s7 =	simm.s32 @!p0 $0x0;
	[dreg:$0x11] =	wrdreg s23;
	(pc) =	sbr.rel .LBB2_1-.Ltmp0, $4  }
0x28: {  	s25 =	simm.s32 $0x0;
	[dreg:$0x14] =	wrdreg s6;
	s7 =	simm.s32 @p0 $0x1  }
0x29: {  	s23 =	simm.s32 $0xA200;
	[smem:$0x7FD] =	sst s7;
	s7 =	sshrl.u32 s12, $0x2  }
0x2a: {  	s6 =	simm.s32 $0xA180;
	s12 =	simm.s32 $0x4;
	s7 =	sadd.s32 s7, s21  }
0x2b: {  	v0 =	vimm.f32 $0.0e+00;
	v1 =	vimm.f32 $1.000000000e+00;
	s21 =	simm.s32 $0x80;
	[dreg:$0x10] =	wrdreg s7;
	s7 =	simm.s32 $0x2  }
.LBB2_62:
0x2c: {  	v3 =	vld [tilespmem:s26+$0x17200];
	_ =	sdelay $0x4  }
0x2d: {  	v2 =	vadd.f32 v2, v3;
	_ =	sdelay $0x1  }
0x2e: {  	[tilespmem:s26+$0x17200] =	vst v2  }
0x2f: {  	[spmem:s24] =	stream.strided.scatter [tilespmem:s10], [sflag:$0x5], $0x800, s13, s21, $0x38;
	[tilespmem:$0x1F200] =	vst v63  }
0x30: {  	_ =	swait.ge [sflag:s0], $0x800  }
0x31: {  	[sflag:s0] =	ssyncset.done $0x0  }
0x32: {  	[sflag:s0] =	ssyncadd.s32 $0xFFFFF800  }
.LBB2_63:
0x33: {  	[bflag:$0x0] =	sbarrier.arrive $0xFFFF  }
0x34: {  	s20 =	simm.s32 @!p5 $0x0;
	s26 =	simm.s32 @!p5 $0x17200;
	s28 =	rddreg [dreg:$0x8]  }
0x35: {  	[hbm4b:s28+s20] =	stream.linear.scatter @!p5 [tilespmem:s26], [sflag:$0x5], $0x800, $0x38;
	[tilespmem:$0x1F200] =	vst v63  }
0x36: {  	s20 =	simm.s32 @!p5 $0x5  }
0x37: {  	_ =	swait.ge @!p5 [sflag:s20], $0x800  }
0x38: {  	[sflag:s20] =	ssyncset.done @!p5 $0x0  }
0x39: {  	[sflag:s20] =	ssyncadd.s32 @!p5 $0xFFFFF800  }
0x3a: {  	[bflag:$0x0] =	sbarrier.arrive $0xFFFF  }
0x3b: {  	[tilespmem:s23], [sflag:$0x5] =	stream.linear.gather [spmem:s19], $0x4000, $0x38;
	[tilespmem:$0x1F200] =	vst v63  }
0x3c: {  	_ =	swait.ge [sflag:s0], $0x4000  }
0x3d: {  	[sflag:s0] =	ssyncset.done $0x0  }
0x3e: {  	s29 =	rddreg [dreg:$0xf];
	[sflag:s0] =	ssyncadd.s32 $0xFFFFC000  }
0x3f: {  	[hbm4b:s29+s3] =	stream.linear.scatter [tilespmem:s23], [sflag:$0x5], $0x4000, $0x38;
	[tilespmem:$0x1F200] =	vst v63  }
0x40: {  	_ =	swait.ge [sflag:s0], $0x4000  }
0x41: {  	s25 =	sadd.s32 $0x1, s25;
	s30 =	rddreg [dreg:$0x18]  }
0x42: {  	p0 =	sne.s32 s25, s30  }
.Ltmp1:
0x43: {  	_ = 	snop;
	(pc) =	sbr.rel @!p0 .LBB2_64-.Ltmp1, $3  }
0x44: {  	_ =	sdelay $0x1  }
0x45: {  	[sflag:s0] =	ssyncset.done $0x0  }
0x46: {  	[sflag:s0] =	ssyncadd.s32 $0xFFFFC000  }
.LBB2_1:
0x47: {  	s20 =	rddreg [dreg:$0x9]  }
0x48: {  	[tilespmem:s3], [sflag:$0x5] =	stream.linear.gather [hbm4b:s20+s3], $0x5000, $0x38;
	[tilespmem:$0x1F200] =	vst v63  }
0x49: {  	_ =	swait.ge [sflag:s0], $0x5000  }
0x4a: {  	[sflag:s0] =	ssyncset.done $0x0  }
0x4b: {  	s26 =	simm.s32 $0x5000;
	s30 =	rddreg [dreg:$0xa];
	[sflag:s0] =	ssyncadd.s32 $0xFFFFB000  }
0x4c: {  	[tilespmem:s26], [sflag:$0x5] =	stream.linear.gather [hbm4b:s30+s3], $0x5000, $0x38;
	[tilespmem:$0x1F200] =	vst v63  }
0x4d: {  	_ =	swait.ge [sflag:s0], $0x5000  }
0x4e: {  	[sflag:s0] =	ssyncset.done $0x0  }
0x4f: {  	s28 =	simm.s32 $0x0;
	s26 =	simm.s32 $0x40;
	[sflag:s0] =	ssyncadd.s32 $0xFFFFB000  }
.LBB2_2:
0x50: {  	p0 =	sne.s32 s26, $0x9FC0;
	[tilespmem:s28+$0x12200] =	vst v0;
	s28 =	smov.u32 s26;
	s26 =	sadd.s32 $0x40, s26  }
.Ltmp2:
0x51: {  	(pc) =	sbr.rel @p0 .LBB2_2-.Ltmp2, $2  }
0x52: {  	_ =	sdelay $0x2  }
0x53: {  	s28 =	sshra.s32 s28, $0x2  }
0x54: {  	[tilespmem:s28+$0x12200] =	vst v0;
	s26 =	simm.s32 $0x0;
	s28 =	simm.s32 $0x40;
	s29 =	simm.s32 $0x0  }
.LBB2_4:
0x55: {  	p0 =	sne.s32 s28, $0x1FC0;
	[tilespmem:s29+$0x17200] =	vst v0;
	s29 =	smov.u32 s28;
	s28 =	sadd.s32 $0x40, s28  }
.Ltmp3:
0x56: {  	(pc) =	sbr.rel @p0 .LBB2_4-.Ltmp3, $2  }
0x57: {  	_ =	sdelay $0x2  }
0x58: {  	s29 =	sshra.s32 s29, $0x2  }
0x59: {  	s28 =	sand.u32 $0xFE00, s26  }
0x5a: {  	s30 =	sand.u32 $0x70, s26;
	s20 =	sshrl.u32 s28, $0x2  }
0x5b: {  	[tilespmem:s29+$0x17200] =	vst v0;
	s28 =	simm.s32 $0x40;
	s29 =	sor.u32 s30, s20  }
.LBB2_6:
0x5c: {  	p0 =	sne.s32 s28, $0xFFC0  }
0x5d: {  	[tilespmem:s29+$0xA200] =	vst v0;
	s26 =	sadd.s32 $0x10, s26;
	s20 =	smov.u32 s28;
	s28 =	sadd.s32 $0x40, s28  }
.Ltmp4:
0x5e: {  	(pc) =	sbr.rel @p0 .LBB2_6-.Ltmp4, $4  }
0x5f: {  	_ = 	snop  }
0x60: {  	s20 =	sand.u32 $0xFE00, s20  }
0x61: {  	s29 =	sand.u32 $0x70, s26;
	s20 =	sshrl.u32 s20, $0x2  }
0x62: {  	s29 =	sor.u32 s29, s20  }
0x63: {  	[tilespmem:s29+$0xA200] =	vst v0  }
0x64: {  	[spmem:s19] =	stream.linear.scatter [tilespmem:s23], [sflag:$0x5], $0x4000, $0x38;
	[tilespmem:$0x1F200] =	vst v63  }
0x65: {  	_ =	swait.ge [sflag:s0], $0x4000  }
0x66: {  	[sflag:s0] =	ssyncset.done $0x0  }
0x67: {  	[sflag:s0] =	ssyncadd.s32 $0xFFFFC000  }
0x68: {  	[bflag:$0x0] =	sbarrier.arrive $0xFFFF  }
0x69: {  	s26 =	simm.s32 $0x0;
	s20 =	rddreg [dreg:$0xb]  }
0x6a: {  	[tilespmem:s22], [sflag:$0x1] =	stream.linear.gather [hbm4b:s20+s26], $0x80, $0x38;
	[tilespmem:$0x1F200] =	vst v63  }
0x6b: {  	s30 =	rddreg [dreg:$0xc]  }
0x6c: {  	[tilespmem:s31], [sflag:$0x1] =	stream.linear.gather [hbm4b:s30+s26], $0x80, $0x38;
	[tilespmem:$0x1F200] =	vst v63  }
0x6d: {  	_ =	swait.ge [sflag:s2], $0x80  }
0x6e: {  	[sflag:s2] =	ssyncset.done $0x0  }
0x6f: {  	[sflag:s2] =	ssyncadd.s32 $0xFFFFFF80  }
0x70: {  	_ =	swait.ge [sflag:s2], $0x80  }
0x71: {  	[sflag:s2] =	ssyncset.done $0x0  }
0x72: {  	[sflag:s2] =	ssyncadd.s32 $0xFFFFFF80  }
0x73: {  	[tilespmem:s23], [sflag:$0x3] =	stream.indirect.gather [hbm4b:s4+s21], $0x80, s22, s21, $0xb8;
	[tilespmem:$0x1F200] =	vst v63  }
0x74: {  	s30 =	rddreg [dreg:$0xd]  }
0x75: {  	[tilespmem:s5], [sflag:$0x2] =	stream.linear.gather [hbm4b:s30+s26], $0x80, $0x38;
	[tilespmem:$0x1F200] =	vst v63  }
0x76: {  	s28 =	simm.s32 $0x5100;
	s29 =	simm.s32 $0x100;
	s30 =	rddreg [dreg:$0xe]  }
0x77: {  	[tilespmem:s6], [sflag:$0x2] =	stream.linear.gather [hbm4b:s30+s26], $0x80, $0x38;
	[tilespmem:$0x1F200] =	vst v63  }
.LBB2_8:
0x78: {  	_ =	swait.ge [sflag:s7], $0x80  }
0x79: {  	[sflag:s7] =	ssyncset.done $0x0  }
0x7a: {  	[sflag:s7] =	ssyncadd.s32 $0xFFFFFF80  }
0x7b: {  	_ =	swait.ge [sflag:s7], $0x80  }
0x7c: {  	[sflag:s7] =	ssyncset.done $0x0  }
0x7d: {  	[sflag:s7] =	ssyncadd.s32 $0xFFFFFF80  }
0x7e: {  	[tilespmem:s8], [sflag:$0x4] =	stream.indirect.gather [hbm4b:s4+s21], $0x80, s5, s21, $0xb8;
	[tilespmem:$0x1F200] =	vst v63  }
0x7f: {  	v2 =	vld [tilespmem:s29+$0xFFFFFF00]  }
0x80: {  	v3 =	vld [tilespmem:s28+$0xFFFFFF00];
	_ =	sdelay $0x6  }
0x81: {  	[tilespmem:v2+s9+$0x0] =	vst.idx.add.f32.msk $0xffff, v1  }
0x82: {  	[tilespmem:v3+s10+$0x0] =	vst.idx.add.f32.msk $0xffff, v1  }
0x83: {  	v2 =	vld [tilespmem:s29+$0xFFFFFF10]  }
0x84: {  	v3 =	vld [tilespmem:s28+$0xFFFFFF10];
	_ =	sdelay $0x6  }
0x85: {  	[tilespmem:v2+s9+$0x0] =	vst.idx.add.f32.msk $0xffff, v1  }
0x86: {  	[tilespmem:v3+s10+$0x0] =	vst.idx.add.f32.msk $0xffff, v1  }
0x87: {  	v2 =	vld [tilespmem:s29+$0xFFFFFF20]  }
0x88: {  	v3 =	vld [tilespmem:s28+$0xFFFFFF20];
	_ =	sdelay $0x6  }
0x89: {  	[tilespmem:v2+s9+$0x0] =	vst.idx.add.f32.msk $0xffff, v1  }
0x8a: {  	[tilespmem:v3+s10+$0x0] =	vst.idx.add.f32.msk $0xffff, v1  }
0x8b: {  	v2 =	vld [tilespmem:s29+$0xFFFFFF30]  }
0x8c: {  	v3 =	vld [tilespmem:s28+$0xFFFFFF30];
	_ =	sdelay $0x6  }
0x8d: {  	[tilespmem:v2+s9+$0x0] =	vst.idx.add.f32.msk $0xffff, v1  }
0x8e: {  	[tilespmem:v3+s10+$0x0] =	vst.idx.add.f32.msk $0xffff, v1  }
0x8f: {  	v2 =	vld [tilespmem:s29+$0xFFFFFF40]  }
0x90: {  	v3 =	vld [tilespmem:s28+$0xFFFFFF40];
	_ =	sdelay $0x6  }
0x91: {  	[tilespmem:v2+s9+$0x0] =	vst.idx.add.f32.msk $0xffff, v1  }
0x92: {  	[tilespmem:v3+s10+$0x0] =	vst.idx.add.f32.msk $0xffff, v1  }
0x93: {  	v2 =	vld [tilespmem:s29+$0xFFFFFF50]  }
0x94: {  	v3 =	vld [tilespmem:s28+$0xFFFFFF50];
	_ =	sdelay $0x6  }
0x95: {  	[tilespmem:v2+s9+$0x0] =	vst.idx.add.f32.msk $0xffff, v1  }
0x96: {  	[tilespmem:v3+s10+$0x0] =	vst.idx.add.f32.msk $0xffff, v1  }
0x97: {  	v2 =	vld [tilespmem:s29+$0xFFFFFF60]  }
0x98: {  	v3 =	vld [tilespmem:s28+$0xFFFFFF60];
	_ =	sdelay $0x6  }
0x99: {  	[tilespmem:v2+s9+$0x0] =	vst.idx.add.f32.msk $0xffff, v1  }
0x9a: {  	[tilespmem:v3+s10+$0x0] =	vst.idx.add.f32.msk $0xffff, v1  }
0x9b: {  	v2 =	vld [tilespmem:s29+$0xFFFFFF70]  }
0x9c: {  	v3 =	vld [tilespmem:s28+$0xFFFFFF70];
	_ =	sdelay $0x6  }
0x9d: {  	[tilespmem:v2+s9+$0x0] =	vst.idx.add.f32.msk $0xffff, v1  }
0x9e: {  	[tilespmem:v3+s10+$0x0] =	vst.idx.add.f32.msk $0xffff, v1  }
0x9f: {  	v2 =	vld [tilespmem:s29+$0xFFFFFF80]  }
0xa0: {  	v3 =	vld [tilespmem:s28+$0xFFFFFF80];
	_ =	sdelay $0x6  }
0xa1: {  	[tilespmem:v2+s9+$0x0] =	vst.idx.add.f32.msk $0xffff, v1  }
0xa2: {  	[tilespmem:v3+s10+$0x0] =	vst.idx.add.f32.msk $0xffff, v1  }
0xa3: {  	v2 =	vld [tilespmem:s29+$0xFFFFFF90]  }
0xa4: {  	v3 =	vld [tilespmem:s28+$0xFFFFFF90];
	_ =	sdelay $0x6  }
0xa5: {  	[tilespmem:v2+s9+$0x0] =	vst.idx.add.f32.msk $0xffff, v1  }
0xa6: {  	[tilespmem:v3+s10+$0x0] =	vst.idx.add.f32.msk $0xffff, v1  }
0xa7: {  	v2 =	vld [tilespmem:s29+$0xFFFFFFA0]  }
0xa8: {  	v3 =	vld [tilespmem:s28+$0xFFFFFFA0];
	_ =	sdelay $0x6  }
0xa9: {  	[tilespmem:v2+s9+$0x0] =	vst.idx.add.f32.msk $0xffff, v1  }
0xaa: {  	[tilespmem:v3+s10+$0x0] =	vst.idx.add.f32.msk $0xffff, v1  }
0xab: {  	v2 =	vld [tilespmem:s29+$0xFFFFFFB0]  }
0xac: {  	v3 =	vld [tilespmem:s28+$0xFFFFFFB0];
	_ =	sdelay $0x6  }
0xad: {  	[tilespmem:v2+s9+$0x0] =	vst.idx.add.f32.msk $0xffff, v1  }
0xae: {  	[tilespmem:v3+s10+$0x0] =	vst.idx.add.f32.msk $0xffff, v1  }
0xaf: {  	v2 =	vld [tilespmem:s29+$0xFFFFFFC0]  }
0xb0: {  	v3 =	vld [tilespmem:s28+$0xFFFFFFC0];
	_ =	sdelay $0x6  }
0xb1: {  	[tilespmem:v2+s9+$0x0] =	vst.idx.add.f32.msk $0xffff, v1  }
0xb2: {  	[tilespmem:v3+s10+$0x0] =	vst.idx.add.f32.msk $0xffff, v1  }
0xb3: {  	v2 =	vld [tilespmem:s29+$0xFFFFFFD0]  }
0xb4: {  	v3 =	vld [tilespmem:s28+$0xFFFFFFD0];
	_ =	sdelay $0x6  }
0xb5: {  	[tilespmem:v2+s9+$0x0] =	vst.idx.add.f32.msk $0xffff, v1  }
0xb6: {  	[tilespmem:v3+s10+$0x0] =	vst.idx.add.f32.msk $0xffff, v1  }
0xb7: {  	v2 =	vld [tilespmem:s29+$0xFFFFFFE0]  }
0xb8: {  	v3 =	vld [tilespmem:s28+$0xFFFFFFE0];
	_ =	sdelay $0x6  }
0xb9: {  	[tilespmem:v2+s9+$0x0] =	vst.idx.add.f32.msk $0xffff, v1  }
0xba: {  	[tilespmem:v3+s10+$0x0] =	vst.idx.add.f32.msk $0xffff, v1  }
0xbb: {  	v2 =	vld [tilespmem:s29+$0xFFFFFFF0]  }
0xbc: {  	v3 =	vld [tilespmem:s28+$0xFFFFFFF0];
	_ =	sdelay $0x6  }
0xbd: {  	[tilespmem:v2+s9+$0x0] =	vst.idx.add.f32.msk $0xffff, v1  }
0xbe: {  	[tilespmem:v3+s10+$0x0] =	vst.idx.add.f32.msk $0xffff, v1  }
0xbf: {  	v2 =	vld [tilespmem:s29+$0x0]  }
0xc0: {  	v3 =	vld [tilespmem:s28+$0x0];
	_ =	sdelay $0x6  }
0xc1: {  	[tilespmem:v2+s9+$0x0] =	vst.idx.add.f32.msk $0xffff, v1  }
0xc2: {  	[tilespmem:v3+s10+$0x0] =	vst.idx.add.f32.msk $0xffff, v1  }
0xc3: {  	v2 =	vld [tilespmem:s29+$0x10]  }
0xc4: {  	v3 =	vld [tilespmem:s28+$0x10];
	_ =	sdelay $0x6  }
0xc5: {  	[tilespmem:v2+s9+$0x0] =	vst.idx.add.f32.msk $0xffff, v1  }
0xc6: {  	[tilespmem:v3+s10+$0x0] =	vst.idx.add.f32.msk $0xffff, v1  }
0xc7: {  	v2 =	vld [tilespmem:s29+$0x20]  }
0xc8: {  	v3 =	vld [tilespmem:s28+$0x20];
	_ =	sdelay $0x6  }
0xc9: {  	[tilespmem:v2+s9+$0x0] =	vst.idx.add.f32.msk $0xffff, v1  }
0xca: {  	[tilespmem:v3+s10+$0x0] =	vst.idx.add.f32.msk $0xffff, v1  }
0xcb: {  	v2 =	vld [tilespmem:s29+$0x30]  }
0xcc: {  	v3 =	vld [tilespmem:s28+$0x30];
	_ =	sdelay $0x6  }
0xcd: {  	[tilespmem:v2+s9+$0x0] =	vst.idx.add.f32.msk $0xffff, v1  }
0xce: {  	[tilespmem:v3+s10+$0x0] =	vst.idx.add.f32.msk $0xffff, v1  }
0xcf: {  	v2 =	vld [tilespmem:s29+$0x40]  }
0xd0: {  	v3 =	vld [tilespmem:s28+$0x40];
	_ =	sdelay $0x6  }
0xd1: {  	[tilespmem:v2+s9+$0x0] =	vst.idx.add.f32.msk $0xffff, v1  }
0xd2: {  	[tilespmem:v3+s10+$0x0] =	vst.idx.add.f32.msk $0xffff, v1  }
0xd3: {  	v2 =	vld [tilespmem:s29+$0x50]  }
0xd4: {  	v3 =	vld [tilespmem:s28+$0x50];
	_ =	sdelay $0x6  }
0xd5: {  	[tilespmem:v2+s9+$0x0] =	vst.idx.add.f32.msk $0xffff, v1  }
0xd6: {  	[tilespmem:v3+s10+$0x0] =	vst.idx.add.f32.msk $0xffff, v1  }
0xd7: {  	v2 =	vld [tilespmem:s29+$0x60]  }
0xd8: {  	v3 =	vld [tilespmem:s28+$0x60];
	_ =	sdelay $0x6  }
0xd9: {  	[tilespmem:v2+s9+$0x0] =	vst.idx.add.f32.msk $0xffff, v1  }
0xda: {  	[tilespmem:v3+s10+$0x0] =	vst.idx.add.f32.msk $0xffff, v1  }
0xdb: {  	v2 =	vld [tilespmem:s29+$0x70]  }
0xdc: {  	v3 =	vld [tilespmem:s28+$0x70];
	_ =	sdelay $0x6  }
0xdd: {  	[tilespmem:v2+s9+$0x0] =	vst.idx.add.f32.msk $0xffff, v1  }
0xde: {  	[tilespmem:v3+s10+$0x0] =	vst.idx.add.f32.msk $0xffff, v1  }
0xdf: {  	v2 =	vld [tilespmem:s29+$0x80]  }
0xe0: {  	v3 =	vld [tilespmem:s28+$0x80];
	_ =	sdelay $0x6  }
0xe1: {  	[tilespmem:v2+s9+$0x0] =	vst.idx.add.f32.msk $0xffff, v1  }
0xe2: {  	[tilespmem:v3+s10+$0x0] =	vst.idx.add.f32.msk $0xffff, v1  }
0xe3: {  	v2 =	vld [tilespmem:s29+$0x90]  }
0xe4: {  	v3 =	vld [tilespmem:s28+$0x90];
	_ =	sdelay $0x6  }
0xe5: {  	[tilespmem:v2+s9+$0x0] =	vst.idx.add.f32.msk $0xffff, v1  }
0xe6: {  	[tilespmem:v3+s10+$0x0] =	vst.idx.add.f32.msk $0xffff, v1  }
0xe7: {  	v2 =	vld [tilespmem:s29+$0xA0]  }
0xe8: {  	v3 =	vld [tilespmem:s28+$0xA0];
	_ =	sdelay $0x6  }
0xe9: {  	[tilespmem:v2+s9+$0x0] =	vst.idx.add.f32.msk $0xffff, v1  }
0xea: {  	[tilespmem:v3+s10+$0x0] =	vst.idx.add.f32.msk $0xffff, v1  }
0xeb: {  	v2 =	vld [tilespmem:s29+$0xB0]  }
0xec: {  	v3 =	vld [tilespmem:s28+$0xB0];
	_ =	sdelay $0x6  }
0xed: {  	[tilespmem:v2+s9+$0x0] =	vst.idx.add.f32.msk $0xffff, v1  }
0xee: {  	[tilespmem:v3+s10+$0x0] =	vst.idx.add.f32.msk $0xffff, v1  }
0xef: {  	v2 =	vld [tilespmem:s29+$0xC0]  }
0xf0: {  	v3 =	vld [tilespmem:s28+$0xC0];
	_ =	sdelay $0x6  }
0xf1: {  	[tilespmem:v2+s9+$0x0] =	vst.idx.add.f32.msk $0xffff, v1  }
0xf2: {  	[tilespmem:v3+s10+$0x0] =	vst.idx.add.f32.msk $0xffff, v1  }
0xf3: {  	v2 =	vld [tilespmem:s29+$0xD0]  }
0xf4: {  	v3 =	vld [tilespmem:s28+$0xD0];
	_ =	sdelay $0x6  }
0xf5: {  	[tilespmem:v2+s9+$0x0] =	vst.idx.add.f32.msk $0xffff, v1  }
0xf6: {  	[tilespmem:v3+s10+$0x0] =	vst.idx.add.f32.msk $0xffff, v1  }
0xf7: {  	v2 =	vld [tilespmem:s29+$0xE0]  }
0xf8: {  	v3 =	vld [tilespmem:s28+$0xE0];
	_ =	sdelay $0x6  }
0xf9: {  	[tilespmem:v2+s9+$0x0] =	vst.idx.add.f32.msk $0xffff, v1  }
0xfa: {  	[tilespmem:v3+s10+$0x0] =	vst.idx.add.f32.msk $0xffff, v1  }
0xfb: {  	v2 =	vld [tilespmem:s29+$0xF0]  }
0xfc: {  	v3 =	vld [tilespmem:s28+$0xF0];
	_ =	sdelay $0x6  }
0xfd: {  	[tilespmem:v2+s9+$0x0] =	vst.idx.add.f32.msk $0xffff, v1  }
0xfe: {  	[tilespmem:v3+s10+$0x0] =	vst.idx.add.f32.msk $0xffff, v1  }
0xff: {  	_ =	swait.ge [sflag:s11], $0x4000  }
0x100: {  	p0 =	seq.s32 s26, $0x4E0;
	[sflag:s11] =	ssyncset.done $0x0  }
.Ltmp5:
0x101: {  	[sflag:s11] =	ssyncadd.s32 $0xFFFFC000;
	(pc) =	sbr.rel @p0 .LBB2_10-.Ltmp5, $4  }
0x102: {  	[spmem:s1] =	stream.indirect.scatter.add.f32 [tilespmem:s23], [sflag:$0x5], $0x80, s31, s21, $0xb8;
	[tilespmem:$0x1F200] =	vst v63  }
0x103: {  	_ =	swait.ge [sflag:s0], $0x4000  }
0x104: {  	[sflag:s0] =	ssyncset.done $0x0  }
0x105: {  	[sflag:s0] =	ssyncadd.s32 $0xFFFFC000  }
0x106: {  	s20 =	sadd.s32 s26, s18  }
0x107: {  	[tilespmem:s22], [sflag:$0x1] =	stream.linear.gather [hbm4b:s20+s3], $0x80, $0x38;
	[tilespmem:$0x1F200] =	vst v63  }
0x108: {  	s30 =	sadd.s32 s26, s17  }
0x109: {  	[tilespmem:s31], [sflag:$0x1] =	stream.linear.gather [hbm4b:s30+s3], $0x80, $0x38;
	[tilespmem:$0x1F200] =	vst v63  }
0x10a: {  	_ =	swait.ge [sflag:s2], $0x80  }
0x10b: {  	[sflag:s2] =	ssyncset.done $0x0  }
0x10c: {  	[sflag:s2] =	ssyncadd.s32 $0xFFFFFF80  }
0x10d: {  	_ =	swait.ge [sflag:s2], $0x80  }
0x10e: {  	[sflag:s2] =	ssyncset.done $0x0  }
0x10f: {  	[sflag:s2] =	ssyncadd.s32 $0xFFFFFF80  }
0x110: {  	[tilespmem:s23], [sflag:$0x3] =	stream.indirect.gather [hbm4b:s4+s21], $0x80, s22, s21, $0xb8;
	[tilespmem:$0x1F200] =	vst v63  }
0x111: {  	_ =	swait.ge [sflag:s12], $0x4000  }
0x112: {  	[sflag:s12] =	ssyncset.done $0x0  }
0x113: {  	[sflag:s12] =	ssyncadd.s32 $0xFFFFC000  }
0x114: {  	[spmem:s1] =	stream.indirect.scatter.add.f32 [tilespmem:s8], [sflag:$0x5], $0x80, s6, s21, $0xb8;
	[tilespmem:$0x1F200] =	vst v63  }
0x115: {  	_ =	swait.ge [sflag:s0], $0x4000  }
.Ltmp6:
0x116: {  	[sflag:s0] =	ssyncset.done $0x0;
	(pc) =	sbr.rel .LBB2_8-.Ltmp6, $4  }
0x117: {  	s28 =	sadd.s32 $0x200, s28;
	s30 =	sadd.s32 s26, s16;
	[sflag:s0] =	ssyncadd.s32 $0xFFFFC000  }
0x118: {  	[tilespmem:s5], [sflag:$0x2] =	stream.linear.gather [hbm4b:s30+s3], $0x80, $0x38;
	[tilespmem:$0x1F200] =	vst v63  }
0x119: {  	s29 =	sadd.s32 $0x200, s29;
	s30 =	sadd.s32 s26, s15;
	s26 =	sadd.s32 $0x20, s26  }
0x11a: {  	[tilespmem:s6], [sflag:$0x2] =	stream.linear.gather [hbm4b:s30+s3], $0x80, $0x38;
	[tilespmem:$0x1F200] =	vst v63  }
.LBB2_10:
0x11b: {  	_ =	swait.ge [sflag:s12], $0x4000  }
0x11c: {  	[sflag:s12] =	ssyncset.done $0x0  }
0x11d: {  	[sflag:s12] =	ssyncadd.s32 $0xFFFFC000  }
0x11e: {  	[spmem:s1] =	stream.indirect.scatter.add.f32 [tilespmem:s8], [sflag:$0x5], $0x80, s6, s21, $0xb8;
	[tilespmem:$0x1F200] =	vst v63  }
0x11f: {  	_ =	swait.ge [sflag:s0], $0x4000  }
0x120: {  	[sflag:s0] =	ssyncset.done $0x0  }
0x121: {  	s20 =	rddreg [dreg:$0x10];
	[sflag:s0] =	ssyncadd.s32 $0xFFFFC000  }
0x122: {  	[spmem:s20] =	stream.strided.scatter [tilespmem:s9], [sflag:$0x5], $0x2800, s13, s21, $0x38;
	[tilespmem:$0x1F200] =	vst v63  }
.Ltmp7:
0x123: {  	_ =	swait.ge [sflag:s0], $0x2800;
	(pc) =	sbr.rel @!p1 .LBB2_11-.Ltmp7, $3  }
0x124: {  	[sflag:s0] =	ssyncset.done $0x0  }
0x125: {  	[sflag:s0] =	ssyncadd.s32 $0xFFFFD800  }
0x126: {  	[bflag:$0x0] =	sbarrier.arrive $0xFFFF;
	_ =	sdelay $0x1  }
0x127: {  	s20 =	rddreg [dreg:$0x11];
	s26 =	simm.s32 $0x14A00  }
0x128: {  	[tilespmem:s26], [sflag:$0x5] =	stream.strided.gather [spmem:s20], $0x2800, s13, s21, $0x38;
	[tilespmem:$0x1F200] =	vst v63  }
0x129: {  	_ =	swait.ge [sflag:s0], $0x2800  }
0x12a: {  	[sflag:s0] =	ssyncset.done $0x0  }
0x12b: {  	s26 =	simm.s32 $0x0;
	[sflag:s0] =	ssyncadd.s32 $0xFFFFD800  }
0x12c: {  	s28 =	simm.s32 $0x40;
	v2 =	vld [tilespmem:s26+$0x14A00]  }
.LBB2_15:
0x12d: {  	p0 =	sne.s32 s28, $0x9FC0;
	v3 =	vld [tilespmem:s26+$0x12200];
	_ =	sdelay $0x2  }
.Ltmp8:
0x12e: {  	(pc) =	sbr.rel @p0 .LBB2_15-.Ltmp8, $4  }
0x12f: {  	_ = 	snop  }
0x130: {  	v3 =	vadd.f32 v2, v3  }
0x131: {  	s20 =	sshra.s32 s28, $0x2  }
0x132: {  	s28 =	sadd.s32 $0x40, s28;
	v2 =	vld [tilespmem:s20+$0x14A00];
	[tilespmem:s26+$0x12200] =	vst v3;
	s26 =	smov.u32 s20  }
0x133: {  	v3 =	vld [tilespmem:s26+$0x12200];
	_ =	sdelay $0x4  }
0x134: {  	v2 =	vadd.f32 v2, v3;
	_ =	sdelay $0x1  }
0x135: {  	s20 =	rddreg [dreg:$0x10];
	[tilespmem:s26+$0x12200] =	vst v2  }
0x136: {  	[spmem:s20] =	stream.strided.scatter [tilespmem:s9], [sflag:$0x5], $0x2800, s13, s21, $0x38;
	[tilespmem:$0x1F200] =	vst v63  }
0x137: {  	_ =	swait.ge [sflag:s0], $0x2800  }
0x138: {  	[sflag:s0] =	ssyncset.done $0x0  }
0x139: {  	[sflag:s0] =	ssyncadd.s32 $0xFFFFD800  }
0x13a: {  	[bflag:$0x0] =	sbarrier.arrive $0xFFFF  }
0x13b: {  	s30 =	sld [smem:$0x7FB];
	_ =	sdelay $0x2  }
0x13c: {  	p0 =	seq.s32 s30, $0x1  }
.Ltmp9:
0x13d: {  	_ = 	snop;
	(pc) =	sbr.rel @p0 .LBB2_12-.Ltmp9, $1  }
0x13e: {  	_ =	sdelay $0x3  }
0x13f: {  	s20 =	rddreg [dreg:$0x12];
	s26 =	simm.s32 $0x14A00  }
0x140: {  	[tilespmem:s26], [sflag:$0x5] =	stream.strided.gather [spmem:s20], $0x2800, s13, s21, $0x38;
	[tilespmem:$0x1F200] =	vst v63  }
0x141: {  	_ =	swait.ge [sflag:s0], $0x2800  }
0x142: {  	[sflag:s0] =	ssyncset.done $0x0  }
0x143: {  	s26 =	simm.s32 $0x0;
	[sflag:s0] =	ssyncadd.s32 $0xFFFFD800  }
0x144: {  	s28 =	simm.s32 $0x40;
	v2 =	vld [tilespmem:s26+$0x14A00]  }
.LBB2_18:
0x145: {  	p0 =	seq.s32 s28, $0x9FC0;
	v3 =	vld [tilespmem:s26+$0x12200];
	_ =	sdelay $0x2  }
.Ltmp10:
0x146: {  	(pc) =	sbr.rel @!p0 .LBB2_18-.Ltmp10, $4  }
0x147: {  	_ = 	snop  }
0x148: {  	v3 =	vadd.f32 v2, v3  }
0x149: {  	s20 =	sshra.s32 s28, $0x2  }
0x14a: {  	s28 =	sadd.s32 $0x40, s28;
	v2 =	vld [tilespmem:s20+$0x14A00];
	[tilespmem:s26+$0x12200] =	vst v3;
	s26 =	smov.u32 s20  }
0x14b: {  	v3 =	vld [tilespmem:s26+$0x12200];
	_ =	sdelay $0x4  }
0x14c: {  	v2 =	vadd.f32 v2, v3;
	_ =	sdelay $0x1  }
0x14d: {  	s20 =	rddreg [dreg:$0x10];
	[tilespmem:s26+$0x12200] =	vst v2  }
0x14e: {  	[spmem:s20] =	stream.strided.scatter [tilespmem:s9], [sflag:$0x5], $0x2800, s13, s21, $0x38;
	[tilespmem:$0x1F200] =	vst v63  }
0x14f: {  	_ =	swait.ge [sflag:s0], $0x2800  }
0x150: {  	[sflag:s0] =	ssyncset.done $0x0  }
0x151: {  	[sflag:s0] =	ssyncadd.s32 $0xFFFFD800  }
0x152: {  	[bflag:$0x0] =	sbarrier.arrive $0xFFFF  }
0x153: {  	s30 =	sld [smem:$0x7FC];
	_ =	sdelay $0x2  }
0x154: {  	p0 =	seq.s32 s30, $0x1  }
.Ltmp11:
0x155: {  	_ = 	snop;
	(pc) =	sbr.rel @p0 .LBB2_13-.Ltmp11, $2  }
0x156: {  	_ =	sdelay $0x2  }
0x157: {  	p3 =	por $0x1, $0x1  }
0x158: {  	s20 =	rddreg [dreg:$0x13];
	s26 =	simm.s32 $0x14A00  }
0x159: {  	[tilespmem:s26], [sflag:$0x5] =	stream.strided.gather [spmem:s20], $0x2800, s13, s21, $0x38;
	[tilespmem:$0x1F200] =	vst v63  }
0x15a: {  	_ =	swait.ge [sflag:s0], $0x2800  }
0x15b: {  	[sflag:s0] =	ssyncset.done $0x0  }
0x15c: {  	s26 =	simm.s32 $0x0;
	[sflag:s0] =	ssyncadd.s32 $0xFFFFD800  }
0x15d: {  	s28 =	simm.s32 $0x40;
	v2 =	vld [tilespmem:s26+$0x14A00]  }
.LBB2_21:
0x15e: {  	p0 =	seq.s32 s28, $0x9FC0;
	v3 =	vld [tilespmem:s26+$0x12200];
	_ =	sdelay $0x2  }
.Ltmp12:
0x15f: {  	(pc) =	sbr.rel @!p0 .LBB2_21-.Ltmp12, $4  }
0x160: {  	_ = 	snop  }
0x161: {  	v3 =	vadd.f32 v2, v3  }
0x162: {  	s20 =	sshra.s32 s28, $0x2  }
0x163: {  	s28 =	sadd.s32 $0x40, s28;
	v2 =	vld [tilespmem:s20+$0x14A00];
	[tilespmem:s26+$0x12200] =	vst v3;
	s26 =	smov.u32 s20  }
0x164: {  	v3 =	vld [tilespmem:s26+$0x12200];
	_ =	sdelay $0x4  }
0x165: {  	v2 =	vadd.f32 v2, v3;
	_ =	sdelay $0x1  }
0x166: {  	s20 =	rddreg [dreg:$0x10];
	[tilespmem:s26+$0x12200] =	vst v2  }
0x167: {  	[spmem:s20] =	stream.strided.scatter [tilespmem:s9], [sflag:$0x5], $0x2800, s13, s21, $0x38;
	[tilespmem:$0x1F200] =	vst v63  }
0x168: {  	_ =	swait.ge [sflag:s0], $0x2800  }
0x169: {  	[sflag:s0] =	ssyncset.done $0x0  }
0x16a: {  	[sflag:s0] =	ssyncadd.s32 $0xFFFFD800  }
0x16b: {  	[bflag:$0x0] =	sbarrier.arrive $0xFFFF  }
0x16c: {  	s30 =	sld [smem:$0x7FD];
	_ =	sdelay $0x2  }
0x16d: {  	p0 =	seq.s32 s30, $0x1  }
.Ltmp13:
0x16e: {  	_ = 	snop;
	(pc) =	sbr.rel @!p0 .LBB2_24-.Ltmp13, $1  }
0x16f: {  	_ =	sdelay $0x3  }
.Ltmp14:
0x170: {  	(pc) =	sbr.rel .LBB2_27-.Ltmp14, $2  }
0x171: {  	_ =	sdelay $0x2  }
0x172: {  	p3 =	por $0x1, $0x1;
	p6 =	por $0x0, $0x0;
	p0 =	por $0x1, $0x1  }
.LBB2_11:
0x173: {  	[bflag:$0x0] =	sbarrier.arrive $0xFFFF  }
.LBB2_12:
0x174: {  	[bflag:$0x0] =	sbarrier.arrive $0xFFFF;
	p3 =	por $0x0, $0x0  }
.LBB2_13:
0x175: {  	[bflag:$0x0] =	sbarrier.arrive $0xFFFF;
	p6 =	por $0x0, $0x0;
	p0 =	por $0x0, $0x0  }
.LBB2_27:
0x176: {  	[bflag:$0x0] =	sbarrier.arrive $0xFFFF  }
0x177: {  	[spmem:s24] =	stream.strided.scatter [tilespmem:s10], [sflag:$0x5], $0x800, s13, s21, $0x38;
	[tilespmem:$0x1F200] =	vst v63  }
.Ltmp15:
0x178: {  	_ =	swait.ge [sflag:s0], $0x800;
	(pc) =	sbr.rel @p4 .LBB2_31-.Ltmp15, $3  }
0x179: {  	[sflag:s0] =	ssyncset.done $0x0  }
0x17a: {  	[sflag:s0] =	ssyncadd.s32 $0xFFFFF800  }
0x17b: {  	[bflag:$0x0] =	sbarrier.arrive $0xFFFF;
	_ =	sdelay $0x1  }
0x17c: {  	s20 =	rddreg [dreg:$0x14]  }
0x17d: {  	[tilespmem:s14], [sflag:$0x5] =	stream.strided.gather [spmem:s20], $0x800, s13, s21, $0x38;
	[tilespmem:$0x1F200] =	vst v63  }
0x17e: {  	_ =	swait.ge [sflag:s0], $0x800  }
0x17f: {  	[sflag:s0] =	ssyncset.done $0x0  }
0x180: {  	s26 =	simm.s32 $0x0;
	[sflag:s0] =	ssyncadd.s32 $0xFFFFF800  }
0x181: {  	s28 =	simm.s32 $0x40;
	v2 =	vld [tilespmem:s26+$0x17A00]  }
.LBB2_29:
0x182: {  	p2 =	sne.s32 s28, $0x1FC0;
	v3 =	vld [tilespmem:s26+$0x17200];
	_ =	sdelay $0x2  }
.Ltmp16:
0x183: {  	(pc) =	sbr.rel @p2 .LBB2_29-.Ltmp16, $4  }
0x184: {  	_ = 	snop  }
0x185: {  	v3 =	vadd.f32 v2, v3  }
0x186: {  	s20 =	sshra.s32 s28, $0x2  }
0x187: {  	s28 =	sadd.s32 $0x40, s28;
	v2 =	vld [tilespmem:s20+$0x17A00];
	[tilespmem:s26+$0x17200] =	vst v3;
	s26 =	smov.u32 s20  }
0x188: {  	v3 =	vld [tilespmem:s26+$0x17200];
	_ =	sdelay $0x4  }
0x189: {  	v2 =	vadd.f32 v2, v3;
	_ =	sdelay $0x1  }
0x18a: {  	[tilespmem:s26+$0x17200] =	vst v2  }
0x18b: {  	[spmem:s24] =	stream.strided.scatter [tilespmem:s10], [sflag:$0x5], $0x800, s13, s21, $0x38;
	[tilespmem:$0x1F200] =	vst v63  }
0x18c: {  	_ =	swait.ge [sflag:s0], $0x800  }
0x18d: {  	[sflag:s0] =	ssyncset.done $0x0  }
0x18e: {  	[sflag:s0] =	ssyncadd.s32 $0xFFFFF800  }
.LBB2_31:
.Ltmp17:
0x18f: {  	(pc) =	sbr.rel @!p3 .LBB2_35-.Ltmp17, $2  }
0x190: {  	_ =	sdelay $0x1  }
0x191: {  	[bflag:$0x0] =	sbarrier.arrive $0xFFFF;
	_ =	sdelay $0x1  }
0x192: {  	s20 =	rddreg [dreg:$0x15]  }
0x193: {  	[tilespmem:s14], [sflag:$0x5] =	stream.strided.gather [spmem:s20], $0x800, s13, s21, $0x38;
	[tilespmem:$0x1F200] =	vst v63  }
0x194: {  	_ =	swait.ge [sflag:s0], $0x800  }
0x195: {  	[sflag:s0] =	ssyncset.done $0x0  }
0x196: {  	s26 =	simm.s32 $0x0;
	[sflag:s0] =	ssyncadd.s32 $0xFFFFF800  }
0x197: {  	s28 =	simm.s32 $0x40;
	v2 =	vld [tilespmem:s26+$0x17A00]  }
.LBB2_33:
0x198: {  	p2 =	sne.s32 s28, $0x1FC0;
	v3 =	vld [tilespmem:s26+$0x17200];
	_ =	sdelay $0x2  }
.Ltmp18:
0x199: {  	(pc) =	sbr.rel @p2 .LBB2_33-.Ltmp18, $4  }
0x19a: {  	_ = 	snop  }
0x19b: {  	v3 =	vadd.f32 v2, v3  }
0x19c: {  	s20 =	sshra.s32 s28, $0x2  }
0x19d: {  	s28 =	sadd.s32 $0x40, s28;
	v2 =	vld [tilespmem:s20+$0x17A00];
	[tilespmem:s26+$0x17200] =	vst v3;
	s26 =	smov.u32 s20  }
0x19e: {  	v3 =	vld [tilespmem:s26+$0x17200];
	_ =	sdelay $0x4  }
0x19f: {  	v2 =	vadd.f32 v2, v3;
	_ =	sdelay $0x1  }
0x1a0: {  	[tilespmem:s26+$0x17200] =	vst v2  }
0x1a1: {  	[spmem:s24] =	stream.strided.scatter [tilespmem:s10], [sflag:$0x5], $0x800, s13, s21, $0x38;
	[tilespmem:$0x1F200] =	vst v63  }
0x1a2: {  	_ =	swait.ge [sflag:s0], $0x800  }
0x1a3: {  	[sflag:s0] =	ssyncset.done $0x0  }
0x1a4: {  	[sflag:s0] =	ssyncadd.s32 $0xFFFFF800  }
.LBB2_35:
.Ltmp19:
0x1a5: {  	(pc) =	sbr.rel @!p0 .LBB2_39-.Ltmp19, $2  }
0x1a6: {  	_ =	sdelay $0x1  }
0x1a7: {  	[bflag:$0x0] =	sbarrier.arrive $0xFFFF;
	_ =	sdelay $0x1  }
0x1a8: {  	s20 =	rddreg [dreg:$0x16]  }
0x1a9: {  	[tilespmem:s14], [sflag:$0x5] =	stream.strided.gather [spmem:s20], $0x800, s13, s21, $0x38;
	[tilespmem:$0x1F200] =	vst v63  }
0x1aa: {  	_ =	swait.ge [sflag:s0], $0x800  }
0x1ab: {  	[sflag:s0] =	ssyncset.done $0x0  }
0x1ac: {  	s26 =	simm.s32 $0x0;
	[sflag:s0] =	ssyncadd.s32 $0xFFFFF800  }
0x1ad: {  	s28 =	simm.s32 $0x40;
	v2 =	vld [tilespmem:s26+$0x17A00]  }
.LBB2_37:
0x1ae: {  	p2 =	sne.s32 s28, $0x1FC0;
	v3 =	vld [tilespmem:s26+$0x17200];
	_ =	sdelay $0x2  }
.Ltmp20:
0x1af: {  	(pc) =	sbr.rel @p2 .LBB2_37-.Ltmp20, $4  }
0x1b0: {  	_ = 	snop  }
0x1b1: {  	v3 =	vadd.f32 v2, v3  }
0x1b2: {  	s20 =	sshra.s32 s28, $0x2  }
0x1b3: {  	s28 =	sadd.s32 $0x40, s28;
	v2 =	vld [tilespmem:s20+$0x17A00];
	[tilespmem:s26+$0x17200] =	vst v3;
	s26 =	smov.u32 s20  }
0x1b4: {  	v3 =	vld [tilespmem:s26+$0x17200];
	_ =	sdelay $0x4  }
0x1b5: {  	v2 =	vadd.f32 v2, v3;
	_ =	sdelay $0x1  }
0x1b6: {  	[tilespmem:s26+$0x17200] =	vst v2  }
0x1b7: {  	[spmem:s24] =	stream.strided.scatter [tilespmem:s10], [sflag:$0x5], $0x800, s13, s21, $0x38;
	[tilespmem:$0x1F200] =	vst v63  }
0x1b8: {  	_ =	swait.ge [sflag:s0], $0x800  }
0x1b9: {  	[sflag:s0] =	ssyncset.done $0x0  }
0x1ba: {  	[sflag:s0] =	ssyncadd.s32 $0xFFFFF800  }
.LBB2_39:
.Ltmp21:
0x1bb: {  	(pc) =	sbr.rel @!p6 .LBB2_43-.Ltmp21, $2  }
0x1bc: {  	_ =	sdelay $0x1  }
0x1bd: {  	[bflag:$0x0] =	sbarrier.arrive $0xFFFF;
	_ =	sdelay $0x1  }
0x1be: {  	s20 =	rddreg [dreg:$0x17]  }
0x1bf: {  	[tilespmem:s14], [sflag:$0x5] =	stream.strided.gather [spmem:s20], $0x800, s13, s21, $0x38;
	[tilespmem:$0x1F200] =	vst v63  }
0x1c0: {  	_ =	swait.ge [sflag:s0], $0x800  }
0x1c1: {  	[sflag:s0] =	ssyncset.done $0x0  }
0x1c2: {  	s26 =	simm.s32 $0x0;
	[sflag:s0] =	ssyncadd.s32 $0xFFFFF800  }
0x1c3: {  	s28 =	simm.s32 $0x40;
	v2 =	vld [tilespmem:s26+$0x17A00]  }
.LBB2_41:
0x1c4: {  	p2 =	sne.s32 s28, $0x1FC0;
	v3 =	vld [tilespmem:s26+$0x17200];
	_ =	sdelay $0x2  }
.Ltmp22:
0x1c5: {  	(pc) =	sbr.rel @p2 .LBB2_41-.Ltmp22, $4  }
0x1c6: {  	_ = 	snop  }
0x1c7: {  	v3 =	vadd.f32 v2, v3  }
0x1c8: {  	s20 =	sshra.s32 s28, $0x2  }
0x1c9: {  	s28 =	sadd.s32 $0x40, s28;
	v2 =	vld [tilespmem:s20+$0x17A00];
	[tilespmem:s26+$0x17200] =	vst v3;
	s26 =	smov.u32 s20  }
0x1ca: {  	v3 =	vld [tilespmem:s26+$0x17200];
	_ =	sdelay $0x4  }
0x1cb: {  	v2 =	vadd.f32 v2, v3;
	_ =	sdelay $0x1  }
0x1cc: {  	[tilespmem:s26+$0x17200] =	vst v2  }
0x1cd: {  	[spmem:s24] =	stream.strided.scatter [tilespmem:s10], [sflag:$0x5], $0x800, s13, s21, $0x38;
	[tilespmem:$0x1F200] =	vst v63  }
0x1ce: {  	_ =	swait.ge [sflag:s0], $0x800  }
0x1cf: {  	[sflag:s0] =	ssyncset.done $0x0  }
0x1d0: {  	[sflag:s0] =	ssyncadd.s32 $0xFFFFF800  }
.LBB2_43:
0x1d1: {  	[bflag:$0x0] =	sbarrier.arrive $0xFFFF  }
0x1d2: {  	s20 =	simm.s32 @!p5 $0x0;
	s26 =	simm.s32 @!p5 $0x12200;
	s28 =	rddreg [dreg:$0x6]  }
0x1d3: {  	[hbm4b:s28+s20] =	stream.linear.scatter @!p5 [tilespmem:s26], [sflag:$0x5], $0x2800, $0x38;
	[tilespmem:$0x1F200] =	vst v63  }
0x1d4: {  	s26 =	simm.s32 @!p5 $0x5  }
0x1d5: {  	_ =	swait.ge @!p5 [sflag:s26], $0x2800  }
0x1d6: {  	[sflag:s26] =	ssyncset.done @!p5 $0x0  }
0x1d7: {  	s28 =	simm.s32 @!p5 $0x17200;
	s29 =	rddreg [dreg:$0x7];
	[sflag:s26] =	ssyncadd.s32 @!p5 $0xFFFFD800  }
0x1d8: {  	[hbm4b:s29+s20] =	stream.linear.scatter @!p5 [tilespmem:s28], [sflag:$0x5], $0x800, $0x38;
	[tilespmem:$0x1F200] =	vst v63  }
0x1d9: {  	_ =	swait.ge @!p5 [sflag:s26], $0x800  }
0x1da: {  	[sflag:s26] =	ssyncset.done @!p5 $0x0  }
0x1db: {  	[sflag:s26] =	ssyncadd.s32 @!p5 $0xFFFFF800  }
0x1dc: {  	[bflag:$0x0] =	sbarrier.arrive $0xFFFF  }
0x1dd: {  	s30 =	rddreg [dreg:$0x3]  }
0x1de: {  	[tilespmem:s9], [sflag:$0x5] =	stream.strided.gather [spmem:s30], $0x2800, s13, s21, $0x38;
	[tilespmem:$0x1F200] =	vst v63  }
0x1df: {  	_ =	swait.ge [sflag:s0], $0x2800  }
0x1e0: {  	[sflag:s0] =	ssyncset.done $0x0  }
0x1e1: {  	s28 =	simm.s32 $0x0;
	s26 =	simm.s32 $0x40;
	[sflag:s0] =	ssyncadd.s32 $0xFFFFD800  }
.LBB2_44:
0x1e2: {  	p2 =	sne.s32 s26, $0x1FC0;
	[tilespmem:s28+$0x17200] =	vst v0;
	s20 =	smov.u32 s26;
	s26 =	sadd.s32 $0x40, s26  }
.Ltmp23:
0x1e3: {  	(pc) =	sbr.rel @p2 .LBB2_44-.Ltmp23, $2  }
0x1e4: {  	_ =	sdelay $0x2  }
0x1e5: {  	s28 =	sshra.s32 s20, $0x2  }
0x1e6: {  	[tilespmem:s28+$0x17200] =	vst v0;
	s28 =	simm.s32 $0x0;
	s26 =	simm.s32 $0x40  }
.LBB2_46:
0x1e7: {  	p2 =	sne.s32 s26, $0x13FC0;
	v2 =	vld [tilespmem:s28+$0x0];
	_ =	sdelay $0x5  }
0x1e8: {  	v3 =	vld [tilespmem:s28+$0x5000];
	_ =	sdelay $0x1  }
0x1e9: {  	v2 =	vld.idx.msk [tilespmem:v2+s9+$0x0], $0xffff;
	_ =	sdelay $0x1  }
.Ltmp24:
0x1ea: {  	(pc) =	sbr.rel @p2 .LBB2_46-.Ltmp24, $2  }
0x1eb: {  	_ =	sdelay $0x2  }
0x1ec: {  	s28 =	sshra.s32 s26, $0x2;
	s26 =	sadd.s32 $0x40, s26;
	[tilespmem:v3+s10+$0x0] =	vst.idx.add.f32.msk $0xffff, v2  }
0x1ed: {  	v2 =	vld [tilespmem:s28+$0x0];
	_ =	sdelay $0x4  }
0x1ee: {  	v3 =	vld [tilespmem:s28+$0x5000];
	_ =	sdelay $0x2  }
0x1ef: {  	v2 =	vld.idx.msk [tilespmem:v2+s9+$0x0], $0xffff;
	_ =	sdelay $0x4  }
0x1f0: {  	[tilespmem:v3+s10+$0x0] =	vst.idx.add.f32.msk $0xffff, v2  }
0x1f1: {  	[spmem:s24] =	stream.strided.scatter [tilespmem:s10], [sflag:$0x5], $0x800, s13, s21, $0x38;
	[tilespmem:$0x1F200] =	vst v63  }
.Ltmp25:
0x1f2: {  	_ =	swait.ge [sflag:s0], $0x800;
	(pc) =	sbr.rel @p4 .LBB2_51-.Ltmp25, $3  }
0x1f3: {  	[sflag:s0] =	ssyncset.done $0x0  }
0x1f4: {  	[sflag:s0] =	ssyncadd.s32 $0xFFFFF800  }
0x1f5: {  	[bflag:$0x0] =	sbarrier.arrive $0xFFFF;
	_ =	sdelay $0x1  }
0x1f6: {  	s20 =	rddreg [dreg:$0x14]  }
0x1f7: {  	[tilespmem:s14], [sflag:$0x5] =	stream.strided.gather [spmem:s20], $0x800, s13, s21, $0x38;
	[tilespmem:$0x1F200] =	vst v63  }
0x1f8: {  	_ =	swait.ge [sflag:s0], $0x800  }
0x1f9: {  	[sflag:s0] =	ssyncset.done $0x0  }
0x1fa: {  	s26 =	simm.s32 $0x0;
	[sflag:s0] =	ssyncadd.s32 $0xFFFFF800  }
0x1fb: {  	s28 =	simm.s32 $0x40;
	v2 =	vld [tilespmem:s26+$0x17A00]  }
.LBB2_49:
0x1fc: {  	p2 =	sne.s32 s28, $0x1FC0;
	v3 =	vld [tilespmem:s26+$0x17200];
	_ =	sdelay $0x2  }
.Ltmp26:
0x1fd: {  	(pc) =	sbr.rel @p2 .LBB2_49-.Ltmp26, $4  }
0x1fe: {  	_ = 	snop  }
0x1ff: {  	v3 =	vadd.f32 v2, v3  }
0x200: {  	s20 =	sshra.s32 s28, $0x2  }
0x201: {  	s28 =	sadd.s32 $0x40, s28;
	v2 =	vld [tilespmem:s20+$0x17A00];
	[tilespmem:s26+$0x17200] =	vst v3;
	s26 =	smov.u32 s20  }
0x202: {  	v3 =	vld [tilespmem:s26+$0x17200];
	_ =	sdelay $0x4  }
0x203: {  	v2 =	vadd.f32 v2, v3;
	_ =	sdelay $0x1  }
0x204: {  	[tilespmem:s26+$0x17200] =	vst v2  }
0x205: {  	[spmem:s24] =	stream.strided.scatter [tilespmem:s10], [sflag:$0x5], $0x800, s13, s21, $0x38;
	[tilespmem:$0x1F200] =	vst v63  }
0x206: {  	_ =	swait.ge [sflag:s0], $0x800  }
0x207: {  	[sflag:s0] =	ssyncset.done $0x0  }
0x208: {  	[sflag:s0] =	ssyncadd.s32 $0xFFFFF800  }
.LBB2_51:
.Ltmp27:
0x209: {  	(pc) =	sbr.rel @!p3 .LBB2_55-.Ltmp27, $2  }
0x20a: {  	_ =	sdelay $0x1  }
0x20b: {  	[bflag:$0x0] =	sbarrier.arrive $0xFFFF;
	_ =	sdelay $0x1  }
0x20c: {  	s20 =	rddreg [dreg:$0x15]  }
0x20d: {  	[tilespmem:s14], [sflag:$0x5] =	stream.strided.gather [spmem:s20], $0x800, s13, s21, $0x38;
	[tilespmem:$0x1F200] =	vst v63  }
0x20e: {  	_ =	swait.ge [sflag:s0], $0x800  }
0x20f: {  	[sflag:s0] =	ssyncset.done $0x0  }
0x210: {  	s26 =	simm.s32 $0x0;
	[sflag:s0] =	ssyncadd.s32 $0xFFFFF800  }
0x211: {  	s28 =	simm.s32 $0x40;
	v2 =	vld [tilespmem:s26+$0x17A00]  }
.LBB2_53:
0x212: {  	p2 =	sne.s32 s28, $0x1FC0;
	v3 =	vld [tilespmem:s26+$0x17200];
	_ =	sdelay $0x2  }
.Ltmp28:
0x213: {  	(pc) =	sbr.rel @p2 .LBB2_53-.Ltmp28, $4  }
0x214: {  	_ = 	snop  }
0x215: {  	v3 =	vadd.f32 v2, v3  }
0x216: {  	s20 =	sshra.s32 s28, $0x2  }
0x217: {  	s28 =	sadd.s32 $0x40, s28;
	v2 =	vld [tilespmem:s20+$0x17A00];
	[tilespmem:s26+$0x17200] =	vst v3;
	s26 =	smov.u32 s20  }
0x218: {  	v3 =	vld [tilespmem:s26+$0x17200];
	_ =	sdelay $0x4  }
0x219: {  	v2 =	vadd.f32 v2, v3;
	_ =	sdelay $0x1  }
0x21a: {  	[tilespmem:s26+$0x17200] =	vst v2  }
0x21b: {  	[spmem:s24] =	stream.strided.scatter [tilespmem:s10], [sflag:$0x5], $0x800, s13, s21, $0x38;
	[tilespmem:$0x1F200] =	vst v63  }
0x21c: {  	_ =	swait.ge [sflag:s0], $0x800  }
0x21d: {  	[sflag:s0] =	ssyncset.done $0x0  }
0x21e: {  	[sflag:s0] =	ssyncadd.s32 $0xFFFFF800  }
.LBB2_55:
.Ltmp29:
0x21f: {  	(pc) =	sbr.rel @!p0 .LBB2_59-.Ltmp29, $2  }
0x220: {  	_ =	sdelay $0x1  }
0x221: {  	[bflag:$0x0] =	sbarrier.arrive $0xFFFF;
	_ =	sdelay $0x1  }
0x222: {  	s20 =	rddreg [dreg:$0x16]  }
0x223: {  	[tilespmem:s14], [sflag:$0x5] =	stream.strided.gather [spmem:s20], $0x800, s13, s21, $0x38;
	[tilespmem:$0x1F200] =	vst v63  }
0x224: {  	_ =	swait.ge [sflag:s0], $0x800  }
0x225: {  	[sflag:s0] =	ssyncset.done $0x0  }
0x226: {  	s26 =	simm.s32 $0x0;
	[sflag:s0] =	ssyncadd.s32 $0xFFFFF800  }
0x227: {  	s28 =	simm.s32 $0x40;
	v2 =	vld [tilespmem:s26+$0x17A00]  }
.LBB2_57:
0x228: {  	p0 =	sne.s32 s28, $0x1FC0;
	v3 =	vld [tilespmem:s26+$0x17200];
	_ =	sdelay $0x2  }
.Ltmp30:
0x229: {  	(pc) =	sbr.rel @p0 .LBB2_57-.Ltmp30, $4  }
0x22a: {  	_ = 	snop  }
0x22b: {  	v3 =	vadd.f32 v2, v3  }
0x22c: {  	s20 =	sshra.s32 s28, $0x2  }
0x22d: {  	s28 =	sadd.s32 $0x40, s28;
	v2 =	vld [tilespmem:s20+$0x17A00];
	[tilespmem:s26+$0x17200] =	vst v3;
	s26 =	smov.u32 s20  }
0x22e: {  	v3 =	vld [tilespmem:s26+$0x17200];
	_ =	sdelay $0x4  }
0x22f: {  	v2 =	vadd.f32 v2, v3;
	_ =	sdelay $0x1  }
0x230: {  	[tilespmem:s26+$0x17200] =	vst v2  }
0x231: {  	[spmem:s24] =	stream.strided.scatter [tilespmem:s10], [sflag:$0x5], $0x800, s13, s21, $0x38;
	[tilespmem:$0x1F200] =	vst v63  }
0x232: {  	_ =	swait.ge [sflag:s0], $0x800  }
0x233: {  	[sflag:s0] =	ssyncset.done $0x0  }
0x234: {  	[sflag:s0] =	ssyncadd.s32 $0xFFFFF800  }
.LBB2_59:
.Ltmp31:
0x235: {  	(pc) =	sbr.rel @!p6 .LBB2_63-.Ltmp31, $2  }
0x236: {  	_ =	sdelay $0x1  }
0x237: {  	[bflag:$0x0] =	sbarrier.arrive $0xFFFF;
	_ =	sdelay $0x1  }
0x238: {  	s20 =	rddreg [dreg:$0x17]  }
0x239: {  	[tilespmem:s14], [sflag:$0x5] =	stream.strided.gather [spmem:s20], $0x800, s13, s21, $0x38;
	[tilespmem:$0x1F200] =	vst v63  }
0x23a: {  	_ =	swait.ge [sflag:s0], $0x800  }
0x23b: {  	[sflag:s0] =	ssyncset.done $0x0  }
0x23c: {  	s26 =	simm.s32 $0x0;
	[sflag:s0] =	ssyncadd.s32 $0xFFFFF800  }
0x23d: {  	s28 =	simm.s32 $0x40;
	v2 =	vld [tilespmem:s26+$0x17A00]  }
.LBB2_61:
0x23e: {  	p0 =	sne.s32 s28, $0x1FC0;
	v3 =	vld [tilespmem:s26+$0x17200];
	_ =	sdelay $0x2  }
.Ltmp32:
0x23f: {  	(pc) =	sbr.rel @p0 .LBB2_61-.Ltmp32, $4  }
0x240: {  	_ = 	snop  }
0x241: {  	v3 =	vadd.f32 v2, v3  }
0x242: {  	s20 =	sshra.s32 s28, $0x2  }
0x243: {  	s28 =	sadd.s32 $0x40, s28;
	v2 =	vld [tilespmem:s20+$0x17A00];
	[tilespmem:s26+$0x17200] =	vst v3;
	s26 =	smov.u32 s20  }
.Ltmp33:
0x244: {  	_ = 	snop;
	(pc) =	sbr.rel .LBB2_62-.Ltmp33, $1  }
0x245: {  	_ =	sdelay $0x3  }
.LBB2_24:
0x246: {  	s20 =	rddreg [dreg:$0x19];
	s26 =	simm.s32 $0x14A00  }
0x247: {  	[tilespmem:s26], [sflag:$0x5] =	stream.strided.gather [spmem:s20], $0x2800, s13, s21, $0x38;
	[tilespmem:$0x1F200] =	vst v63  }
0x248: {  	_ =	swait.ge [sflag:s0], $0x2800  }
0x249: {  	[sflag:s0] =	ssyncset.done $0x0  }
0x24a: {  	s26 =	simm.s32 $0x0;
	[sflag:s0] =	ssyncadd.s32 $0xFFFFD800  }
0x24b: {  	s28 =	simm.s32 $0x40;
	v2 =	vld [tilespmem:s26+$0x14A00]  }
.LBB2_25:
0x24c: {  	p0 =	sne.s32 s28, $0x9FC0;
	v3 =	vld [tilespmem:s26+$0x12200];
	_ =	sdelay $0x2  }
.Ltmp34:
0x24d: {  	(pc) =	sbr.rel @p0 .LBB2_25-.Ltmp34, $4  }
0x24e: {  	_ = 	snop  }
0x24f: {  	v3 =	vadd.f32 v2, v3  }
0x250: {  	s20 =	sshra.s32 s28, $0x2  }
0x251: {  	s28 =	sadd.s32 $0x40, s28;
	v2 =	vld [tilespmem:s20+$0x14A00];
	[tilespmem:s26+$0x12200] =	vst v3;
	s26 =	smov.u32 s20  }
0x252: {  	v3 =	vld [tilespmem:s26+$0x12200];
	_ =	sdelay $0x4  }
0x253: {  	v2 =	vadd.f32 v2, v3;
	_ =	sdelay $0x1  }
.Ltmp35:
0x254: {  	s20 =	rddreg [dreg:$0x10];
	[tilespmem:s26+$0x12200] =	vst v2;
	(pc) =	sbr.rel .LBB2_27-.Ltmp35, $4  }
0x255: {  	[spmem:s20] =	stream.strided.scatter [tilespmem:s9], [sflag:$0x5], $0x2800, s13, s21, $0x38;
	[tilespmem:$0x1F200] =	vst v63  }
0x256: {  	_ =	swait.ge [sflag:s0], $0x2800  }
0x257: {  	p6 =	por $0x1, $0x1;
	[sflag:s0] =	ssyncset.done $0x0  }
0x258: {  	p3 =	por $0x1, $0x1;
	p0 =	por $0x1, $0x1;
	[sflag:s0] =	ssyncadd.s32 $0xFFFFD800  }
.LBB2_64:
0x259: {  	_ =	sfence.sel $0x180000  }
0x25a: {  	[bflag:$0x0] =	sbarrier.arrive $0xFFFF  }
0x25b: {  	_ =	strace $0x90000047  }
0x25c: {  	[bflag:$0x2] =	sbarrier.arrive $0xFFFF  }
0x25d: {  	s1 =	sld [smem:$0x7FD];
	_ =	sdelay $0x2  }
0x25e: {  	s0 =	rddreg [dreg:$0x5];
	p0 =	seq.s32 s1, $0x1  }
0x25f: {  	s0 =	sadd.s32 @!p0 $0x100000, s0  }
0x260: {  	[sflag:s0] =	ssyncadd.tile.s32 @!p0 $0x1;
	_ =	shalt  }
.Lfunc_end2:
_tile_overlayer_lowered:
.L_overlay_start_2:
0x261: {  	(tag) =	ssettag $0x2  }
0x262: {  	s0 =	rddreg [dreg:$0x0];
	s2 =	stileid.u32  }
0x263: {  	s1 =	rddreg [dreg:$0x1];
	p0 =	sne.s32 s2, $0x0  }
0x264: {  	s3 =	rddreg [dreg:$0x2];
	[bflag:$0x3] =	sbarrier.arrive $0xFFFF;
	s2 =	simm.s32 @!p0 $0x1C05  }
0x265: {  	[timem:s3], [sflag:s2] =	dma.local @!p0 [hbm:s0], s1  }
0x266: {  	s0 =	simm.s32 @!p0 $0x5  }
0x267: {  	_ =	swait.ge @!p0 [sflag:s0], s1  }
0x268: {  	s1 =	ssub.s32 @!p0 $0x0, s1;
	[sflag:s0] =	ssyncset.done @!p0 $0x0  }
0x269: {  	[sflag:s0] =	ssyncadd.s32 @!p0 s1  }
0x26a: {  	[bflag:$0x3] =	sbarrier.arrive $0xFFFF  }
0x26b: {  	_ =	shalt  }

</sc_bundles>
